<compile_context>
chip_gen: v7x
topology: tpu7x:2x2x1
jax: 0.10.2.dev20260603
libtpu: 0.0.44.dev20260713+nightly
codegen_flags: <defaults>
</compile_context>

<pallas_src>
import functools

import jax
import jax.numpy as jnp
from jax import lax
from jax.experimental import pallas as pl
from jax.experimental.pallas import tpu as pltpu
from jax.experimental.pallas import tpu_sc as plsc

NC = 2
NS = 16
NW = NC * NS
C = 128



def _stage1(x1, pos, w1s, w1d, b1):
    n, k1 = x1.shape
    blk = 4000 if n % 4000 == 0 else n
    grid = n // blk

    def body(x1_ref, pos_ref, w1s_ref, w1d_ref, b1_ref, a_ref, bd_ref):
        a_ref[...] = (
            jnp.dot(x1_ref[...], w1s_ref[...], preferred_element_type=jnp.float32)
            + b1_ref[...]
        )
        bd_ref[...] = jnp.dot(
            pos_ref[...], w1d_ref[...], preferred_element_type=jnp.float32
        )

    return pl.pallas_call(
        body,
        grid=(grid,),
        in_specs=[
            pl.BlockSpec((blk, k1), lambda i: (i, 0)),
            pl.BlockSpec((blk, 2), lambda i: (i, 0)),
            pl.BlockSpec(w1s.shape, lambda i: (0, 0)),
            pl.BlockSpec(w1d.shape, lambda i: (0, 0)),
            pl.BlockSpec((1, 32), lambda i: (0, 0)),
        ],
        out_specs=[
            pl.BlockSpec((blk, 32), lambda i: (i, 0)),
            pl.BlockSpec((blk, 32), lambda i: (i, 0)),
        ],
        out_shape=[
            jax.ShapeDtypeStruct((n, 32), jnp.float32),
            jax.ShapeDtypeStruct((n, 32), jnp.float32),
        ],
    )(x1, pos, w1s, w1d, b1)



def _edge_body(nchunk, n, acc_rows, a_hbm, b_hbm, sdx_hbm, w2_hbm,
               b2_hbm, out_hbm, idx, buf_a, buf_b, msg, w2_v,
               b2_v, acc, sem_a0, sem_a1, sem_b0, sem_b1, sem_s0,
               sem_s1, sem_i0, sem_i1):
    c = lax.axis_index("c")
    s = lax.axis_index("s")
    wid = c * NS + s
    sem_a = (sem_a0, sem_a1)
    sem_b = (sem_b0, sem_b1)
    sem_s = (sem_s0, sem_s1)
    sem_i = (sem_i0, sem_i1)

    pltpu.sync_copy(w2_hbm, w2_v)
    pltpu.sync_copy(b2_hbm, b2_v)

    def zrow(i, _):
        msg[0, i, :] = jnp.zeros((16,), jnp.float32)
        return 0

    lax.fori_loop(0, C, zrow, 0)
    zchunks = acc_rows // NS // C

    def zblk(k, _):
        pltpu.sync_copy(msg.at[0], acc.at[pl.ds(s * (acc_rows // NS) + k * C, C)])
        return 0

    lax.fori_loop(0, zchunks, zblk, 0)
    plsc.subcore_barrier()

    w2_rows = [w2_v[k, :] for k in range(32)]
    b2_reg = b2_v[...]

    for b in range(2):
        pltpu.sync_copy(sdx_hbm.at[wid, b], idx.at[b])
        pltpu.async_copy(a_hbm.at[idx.at[b, 0]], buf_a.at[b], sem_a[b])
        pltpu.async_copy(b_hbm.at[idx.at[b, 1]], buf_b.at[b], sem_b[b])

    def chunk_quad(i, _):
        j0 = i * 4
        for q in range(4):
            j = j0 + q
            p = q % 2
            q2 = (q + 2) % 4
            pltpu.make_async_copy(
                a_hbm.at[idx.at[q, 0]], buf_a.at[p], sem_a[p]).wait()
            pltpu.make_async_copy(
                b_hbm.at[idx.at[q, 1]], buf_b.at[p], sem_b[p]).wait()

            @pl.when(j >= 2)
            def _():
                pltpu.make_async_copy(
                    msg.at[p], acc.at[idx.at[q, 1]], sem_s[p]).wait()

            @pl.when(j + 2 < nchunk)
            def _():
                pltpu.async_copy(sdx_hbm.at[wid, j + 2], idx.at[q2], sem_i[p])

            def edge(e, _c):
                h0 = buf_a[p, e, pl.ds(0, 16)] + buf_b[p, e, pl.ds(0, 16)]
                h1 = buf_a[p, e, pl.ds(16, 16)] + buf_b[p, e, pl.ds(16, 16)]
                a0 = jnp.maximum(h0, h0 * 0.01)
                a1 = jnp.maximum(h1, h1 * 0.01)
                m = b2_reg
                for k in range(16):
                    m = m + a0[k] * w2_rows[k]
                for k in range(16):
                    m = m + a1[k] * w2_rows[16 + k]
                e2 = jnp.exp(-2.0 * jnp.abs(m))
                t = (1.0 - e2) / (1.0 + e2)
                msg[p, e, :] = jnp.where(m < 0.0, -t, t)
                return 0

            lax.fori_loop(0, C, edge, 0)
            pltpu.async_copy(
                msg.at[p], acc.at[idx.at[q, 1]], sem_s[p], add=True)

            @pl.when(j + 2 < nchunk)
            def _():
                pltpu.make_async_copy(
                    sdx_hbm.at[wid, j + 2], idx.at[q2], sem_i[p]).wait()
                pltpu.async_copy(
                    a_hbm.at[idx.at[q2, 0]], buf_a.at[p], sem_a[p])
                pltpu.async_copy(
                    b_hbm.at[idx.at[q2, 1]], buf_b.at[p], sem_b[p])
        return 0

    lax.fori_loop(0, nchunk // 4, chunk_quad, 0)
    for b in range(2):
        pltpu.make_async_copy(
            msg.at[b], acc.at[idx.at[b, 1]], sem_s[b]).wait()
    plsc.subcore_barrier()

    rows8 = (n // NS) // 8 * 8
    base = s * rows8
    pltpu.sync_copy(
        acc.at[pl.ds(base, rows8)], out_hbm.at[c, pl.ds(base, rows8)])
    rem = n - NS * rows8

    @pl.when(s == NS - 1)
    def _():
        pltpu.sync_copy(acc.at[pl.ds(NS * rows8, rem)],
                        out_hbm.at[c, pl.ds(NS * rows8, rem)])


def _stage2(a, bd, sdx, w2, b2, n, nchunk, acc_rows):
    mesh = plsc.VectorSubcoreMesh(core_axis_name="c", subcore_axis_name="s")
    body = functools.partial(_edge_body, nchunk, n, acc_rows)
    return pl.kernel(
        body,
        out_type=jax.ShapeDtypeStruct((NC, n, 16), jnp.float32),
        mesh=mesh,
        compiler_params=pltpu.CompilerParams(use_tc_tiling_on_sc=False),
        scratch_types=[
            pltpu.VMEM((4, 2, C), jnp.int32),
            pltpu.VMEM((2, C, 32), jnp.float32),
            pltpu.VMEM((2, C, 32), jnp.float32),
            pltpu.VMEM((2, C, 16), jnp.float32),
            pltpu.VMEM((32, 16), jnp.float32),
            pltpu.VMEM((16,), jnp.float32),
            pltpu.VMEM_SHARED((acc_rows, 16), jnp.float32),
            pltpu.SemaphoreType.DMA,
            pltpu.SemaphoreType.DMA,
            pltpu.SemaphoreType.DMA,
            pltpu.SemaphoreType.DMA,
            pltpu.SemaphoreType.DMA,
            pltpu.SemaphoreType.DMA,
            pltpu.SemaphoreType.DMA,
            pltpu.SemaphoreType.DMA,
        ],
    )(a, bd, sdx, w2, b2)



def _stage3(pos, h, u, partials, u1, ub1, u2, ub2):
    n = pos.shape[0]
    blk = 4000 if n % 4000 == 0 else n
    grid = n // blk

    def body(pos_ref, h_ref, u_ref, p_ref, u1_ref, ub1_ref, u2_ref, ub2_ref,
             o_ref):
        sum_h = p_ref[0] + p_ref[1]
        inp2 = jnp.concatenate(
            [pos_ref[...], h_ref[...], sum_h, u_ref[...]], axis=1)
        z = jnp.dot(inp2, u1_ref[...], preferred_element_type=jnp.float32)
        z = z + ub1_ref[...]
        z = jnp.maximum(z, 0.01 * z)
        o_ref[...] = jnp.tanh(
            jnp.dot(z, u2_ref[...], preferred_element_type=jnp.float32)
            + ub2_ref[...])

    return pl.pallas_call(
        body,
        grid=(grid,),
        in_specs=[
            pl.BlockSpec((blk, 2), lambda i: (i, 0)),
            pl.BlockSpec((blk, 16), lambda i: (i, 0)),
            pl.BlockSpec((blk, 8), lambda i: (i, 0)),
            pl.BlockSpec((NC, blk, 16), lambda i: (0, i, 0)),
            pl.BlockSpec(u1.shape, lambda i: (0, 0)),
            pl.BlockSpec((1, 32), lambda i: (0, 0)),
            pl.BlockSpec(u2.shape, lambda i: (0, 0)),
            pl.BlockSpec((1, 16), lambda i: (0, 0)),
        ],
        out_specs=pl.BlockSpec((blk, 16), lambda i: (i, 0)),
        out_shape=jax.ShapeDtypeStruct((n, 16), jnp.float32),
    )(pos, h, u, partials, u1, ub1, u2, ub2)



def kernel(pos, h, u, edge_index, W1, b1, W2, b2, U1, ub1, U2, ub2):
    n = pos.shape[0]
    e = edge_index.shape[1]

    x1 = jnp.concatenate([pos, u, h], axis=1)
    w1s = jnp.concatenate([W1[0:2], W1[4:28]], axis=0)
    w1d = W1[2:4]
    a, bd = _stage1(x1, pos, w1s, w1d, b1.reshape(1, 32))

    nchunk = 4 * -(-e // (NW * C * 4))
    e_pad = NW * nchunk * C
    src = edge_index[0].astype(jnp.int32)
    dst = edge_index[1].astype(jnp.int32)
    src_p = jnp.concatenate(
        [src, jnp.zeros((e_pad - e,), jnp.int32)]).reshape(NW, nchunk, 1, C)
    dst_p = jnp.concatenate(
        [dst, jnp.full((e_pad - e,), n, jnp.int32)]).reshape(NW, nchunk, 1, C)
    sdx = jnp.concatenate([src_p, dst_p], axis=2)

    acc_rows = NS * C * (-(-(n + 1) // (NS * C)))
    partials = _stage2(a, bd, sdx, W2, b2, n, nchunk, acc_rows)

    return _stage3(pos, h, u, partials, U1, ub1.reshape(1, 32), U2,
                   ub2.reshape(1, 16))

# --- scband reference (transcript-rebuilt; emitter-appended) ---
"""Pipeline reference for scband-predictor-3917010174733 (READ-ONLY COPY).

The authoritative reference and input builder live on the scoring server;
editing this copy changes nothing except your own understanding.
"""

import jax, jax.numpy as jnp
import numpy as np

N = 100000
E = 1600000
U_DIM = 8
H_DIM = 16
MLP_H = 32
POS_DIM = 2


def _linear_params(key, fan_in, fan_out):
    k1, k2 = jax.random.split(key)
    bound = 1.0 / np.sqrt(fan_in)
    W = jax.random.uniform(k1, (fan_in, fan_out), minval=-bound, maxval=bound, dtype=jnp.float32)
    b = jax.random.uniform(k2, (fan_out,), minval=-bound, maxval=bound, dtype=jnp.float32)
    return W, b


def setup_inputs(seed: int = 0) -> dict:
    key = jax.random.key(seed)
    ks = jax.random.split(key, 10)
    pos = jax.random.normal(ks[0], (N, POS_DIM), dtype=jnp.float32)
    h = jax.random.normal(ks[1], (N, H_DIM), dtype=jnp.float32)
    u = jax.random.normal(ks[2], (N, U_DIM), dtype=jnp.float32)
    edge_index = jax.random.randint(ks[3], (2, E), 0, N).astype(jnp.int64)
    # u2h_enc: Linear(4 + u_dim + h_dim -> mlp_h), LeakyReLU, Linear(mlp_h -> h_dim), Tanh
    W1, b1 = _linear_params(ks[4], 2 * POS_DIM + U_DIM + H_DIM, MLP_H)
    W2, b2 = _linear_params(ks[5], MLP_H, H_DIM)
    # h_updater: Linear(2 + 2*h_dim + u_dim -> mlp_h), LeakyReLU, Linear(mlp_h -> h_dim), Tanh
    U1, ub1 = _linear_params(ks[6], POS_DIM + 2 * H_DIM + U_DIM, MLP_H)
    U2, ub2 = _linear_params(ks[7], MLP_H, H_DIM)
    return {"pos": pos, "h": h, "u": u, "edge_index": edge_index,
            "W1": W1, "b1": b1, "W2": W2, "b2": b2,
            "U1": U1, "ub1": ub1, "U2": U2, "ub2": ub2}


def reference(pos, h, u, edge_index, W1, b1, W2, b2, U1, ub1, U2, ub2):
    src = edge_index[0]
    dst = edge_index[1]
    # t2t_msg: per-edge MLP over [src_pos, dst_pos, src_u, src_h]
    inp = jnp.concatenate([pos[src], pos[dst], u[src], h[src]], axis=-1)
    hmsg = jax.nn.leaky_relu(inp @ W1 + b1, negative_slope=0.01)
    msg = jnp.tanh(hmsg @ W2 + b2)
    # fn.sum('u2h_msg', 'sum_h'): scatter-add messages to dst nodes
    sum_h = jax.ops.segment_sum(msg, dst, num_segments=N)
    # h_updater over [pos, h, sum_h, u]
    inp2 = jnp.concatenate([pos, h, sum_h, u], axis=-1)
    hupd = jax.nn.leaky_relu(inp2 @ U1 + ub1, negative_slope=0.01)
    out = jnp.tanh(hupd @ U2 + ub2)
    return out

if __name__ == "__main__":
    import jax
    _d = setup_inputs()
    print(jax.jit(kernel)(*tuple(_d.values())))

</pallas_src>

<mosaic_0001>
#map = affine_map<(d0, d1) -> (0, 0)>
#map1 = affine_map<(d0, d1) -> (0, 0, 0, 0)>
#map2 = affine_map<(d0, d1) -> (0)>
#map3 = affine_map<(d0, d1) -> (0, 0, 0)>
module attributes {stable_mosaic.version = 14 : i64} {
  func.func @_edge_body(%arg0: i32, %arg1: i32, %arg2: memref<100000x32xf32, #tpu.memory_space<hbm>>, %arg3: memref<100000x32xf32, #tpu.memory_space<hbm>>, %arg4: memref<32x392x2x128xi32, #tpu.memory_space<hbm>>, %arg5: memref<32x16xf32, #tpu.memory_space<hbm>>, %arg6: memref<16xf32, #tpu.memory_space<hbm>>, %arg7: memref<2x100000x16xf32, #tpu.memory_space<hbm>>, %arg8: memref<4x2x128xi32, #tpu.memory_space<vmem>>, %arg9: memref<2x128x32xf32, #tpu.memory_space<vmem>>, %arg10: memref<2x128x32xf32, #tpu.memory_space<vmem>>, %arg11: memref<2x128x16xf32, #tpu.memory_space<vmem>>, %arg12: memref<32x16xf32, #tpu.memory_space<vmem>>, %arg13: memref<16xf32, #tpu.memory_space<vmem>>, %arg14: memref<100352x16xf32, #tpu.memory_space<vmem_shared>>, %arg15: memref<!tpu.dma_semaphore, #tpu.memory_space<semaphore_mem>>, %arg16: memref<!tpu.dma_semaphore, #tpu.memory_space<semaphore_mem>>, %arg17: memref<!tpu.dma_semaphore, #tpu.memory_space<semaphore_mem>>, %arg18: memref<!tpu.dma_semaphore, #tpu.memory_space<semaphore_mem>>, %arg19: memref<!tpu.dma_semaphore, #tpu.memory_space<semaphore_mem>>, %arg20: memref<!tpu.dma_semaphore, #tpu.memory_space<semaphore_mem>>, %arg21: memref<!tpu.dma_semaphore, #tpu.memory_space<semaphore_mem>>, %arg22: memref<!tpu.dma_semaphore, #tpu.memory_space<semaphore_mem>>) attributes {dimension_semantics = [#tpu.dimension_semantics<core_parallel>, #tpu.dimension_semantics<subcore_parallel>], iteration_bounds = array<i64: 2, 16>, scalar_prefetch = 0 : i64, scratch_operands = 15 : i64, tpu.core_type = #tpu.core_type<sc_vector_subcore>, window_params = [{transform_indices = #map}, {transform_indices = #map}, {transform_indices = #map1}, {transform_indices = #map}, {transform_indices = #map2}, {transform_indices = #map3}]} {
    %mul3A = arith.constant 16 : i32
    %mul3A_0 = arith.muli %arg0, %mul3A : i32
    %add3A = arith.addi %mul3A_0, %arg1 : i32
    "tpu.region"() ({
      %run_scoped3A_267 = tpu.sem_alloc : memref<!tpu.dma_semaphore, #tpu.memory_space<semaphore_mem>>
      tpu.enqueue_dma source(%arg5 : memref<32x16xf32, #tpu.memory_space<hbm>>) target(%arg12 : memref<32x16xf32, #tpu.memory_space<vmem>>) target_semaphore(%run_scoped3A_267 : memref<!tpu.dma_semaphore, #tpu.memory_space<semaphore_mem>>)
      tpu.wait_dma2 semaphore(%run_scoped3A_267 : memref<!tpu.dma_semaphore, #tpu.memory_space<semaphore_mem>>) src(%arg5 : memref<32x16xf32, #tpu.memory_space<hbm>>) dst(%arg12 : memref<32x16xf32, #tpu.memory_space<vmem>>)
      tpu.yield
    }) : () -> ()
    "tpu.region"() ({
      %run_scoped3A_267 = tpu.sem_alloc : memref<!tpu.dma_semaphore, #tpu.memory_space<semaphore_mem>>
      tpu.enqueue_dma source(%arg6 : memref<16xf32, #tpu.memory_space<hbm>>) target(%arg13 : memref<16xf32, #tpu.memory_space<vmem>>) target_semaphore(%run_scoped3A_267 : memref<!tpu.dma_semaphore, #tpu.memory_space<semaphore_mem>>)
      tpu.wait_dma2 semaphore(%run_scoped3A_267 : memref<!tpu.dma_semaphore, #tpu.memory_space<semaphore_mem>>) src(%arg6 : memref<16xf32, #tpu.memory_space<hbm>>) dst(%arg13 : memref<16xf32, #tpu.memory_space<vmem>>)
      tpu.yield
    }) : () -> ()
    %scan3A = arith.constant 0 : i32
    %scan3A_1 = arith.constant 0 : i32
    %scan3A_2 = arith.constant 128 : i32
    %scan3A_3 = arith.addi %scan3A_1, %scan3A_2 : i32
    %scan3A_4 = arith.constant 1 : i32
    %scan3A_5 = scf.for %scan3A_267 = %scan3A_1 to %scan3A_3 step %scan3A_4 iter_args(%scan3A_268 = %scan3A) -> (i32)  : i32 {
      %broadcast_in_dim3A = arith.constant 0.000000e+00 : f32
      %broadcast_in_dim3A_269 = vector.broadcast %broadcast_in_dim3A : f32 to vector<16xf32>
      %swap3A = arith.constant 0 : i32
      %swap3A_270 = arith.index_cast %swap3A : i32 to index
      %swap3A_271 = arith.index_cast %scan3A_267 : i32 to index
      %swap3A_272 = arith.constant 0 : index
      %swap3A_273 = tpu.vector_load %arg11[%swap3A_270, %swap3A_271, %swap3A_272] {strides = array<i32>} : memref<2x128x16xf32, #tpu.memory_space<vmem>>, vector<1x1x16xf32>,
      %swap3A_274 = vector.shape_cast %swap3A_273 : vector<1x1x16xf32> to vector<16xf32>
      %swap3A_275 = vector.shape_cast %broadcast_in_dim3A_269 : vector<16xf32> to vector<1x1x16xf32>
      tpu.vector_store %arg11[%swap3A_270, %swap3A_271, %swap3A_272], %swap3A_275 {strides = array<i32>} : memref<2x128x16xf32, #tpu.memory_space<vmem>>, vector<1x1x16xf32>,
      %scan3A_276 = arith.constant 0 : i32
      scf.yield %scan3A_276 : i32
    }
    %scan3A_6 = arith.constant 128 : i32
    %scan3A_7 = arith.constant 0 : i32
    %scan3A_8 = arith.constant 0 : i32
    %scan3A_9 = arith.constant 49 : i32
    %scan3A_10 = arith.addi %scan3A_8, %scan3A_9 : i32
    %scan3A_11 = arith.constant 1 : i32
    %scan3A_12 = scf.for %scan3A_267 = %scan3A_8 to %scan3A_10 step %scan3A_11 iter_args(%scan3A_268 = %scan3A_7) -> (i32)  : i32 {
      %mul3A_269 = arith.constant 6272 : i32
      %mul3A_270 = arith.muli %arg1, %mul3A_269 : i32
      %mul3A_271 = arith.constant 128 : i32
      %mul3A_272 = arith.muli %scan3A_267, %mul3A_271 : i32
      %add3A_273 = arith.addi %mul3A_270, %mul3A_272 : i32
      %run_scoped3A_274 = arith.constant 0 : i32
      "tpu.region"() ({
        %run_scoped3A_276 = tpu.sem_alloc : memref<!tpu.dma_semaphore, #tpu.memory_space<semaphore_mem>>
        %dma_start3A_277 = arith.constant 0 : i32
        %dma_start3A_278 = arith.constant 0 : i32
        %dma_start3A_279 = tpu.memref_slice %arg11[%run_scoped3A_274, %dma_start3A_277, %dma_start3A_278] : memref<2x128x16xf32, #tpu.memory_space<vmem>> -> memref<1x128x16xf32, #tpu.memory_space<vmem>>
        %dma_start3A_280 = tpu.memref_squeeze %dma_start3A_279 : memref<1x128x16xf32, #tpu.memory_space<vmem>> -> memref<128x16xf32, #tpu.memory_space<vmem>>
        %dma_start3A_281 = arith.constant 0 : i32
        %dma_start3A_282 = tpu.memref_slice %arg14[%add3A_273, %dma_start3A_281] : memref<100352x16xf32, #tpu.memory_space<vmem_shared>> -> memref<128x16xf32, #tpu.memory_space<vmem_shared>>
        %dma_start3A_283 = arith.constant 0 : i32
        %dma_start3A_284 = tpu.memref_slice %arg14[%add3A_273, %dma_start3A_283] : memref<100352x16xf32, #tpu.memory_space<vmem_shared>> -> memref<128x16xf32, #tpu.memory_space<vmem_shared>>
        %dma_start3A_285 = arith.constant 0 : i32
        %dma_start3A_286 = arith.constant 0 : i32
        %dma_start3A_287 = tpu.memref_slice %arg11[%run_scoped3A_274, %dma_start3A_285, %dma_start3A_286] : memref<2x128x16xf32, #tpu.memory_space<vmem>> -> memref<1x128x16xf32, #tpu.memory_space<vmem>>
        %dma_start3A_288 = tpu.memref_squeeze %dma_start3A_287 : memref<1x128x16xf32, #tpu.memory_space<vmem>> -> memref<128x16xf32, #tpu.memory_space<vmem>>
        tpu.enqueue_dma source(%dma_start3A_288 : memref<128x16xf32, #tpu.memory_space<vmem>>) target(%dma_start3A_284 : memref<128x16xf32, #tpu.memory_space<vmem_shared>>) target_semaphore(%run_scoped3A_276 : memref<!tpu.dma_semaphore, #tpu.memory_space<semaphore_mem>>)
        %dma_wait3A_289 = arith.constant 0 : i32
        %dma_wait3A_290 = arith.constant 0 : i32
        %dma_wait3A_291 = tpu.memref_slice %arg11[%run_scoped3A_274, %dma_wait3A_289, %dma_wait3A_290] : memref<2x128x16xf32, #tpu.memory_space<vmem>> -> memref<1x128x16xf32, #tpu.memory_space<vmem>>
        %dma_wait3A_292 = tpu.memref_squeeze %dma_wait3A_291 : memref<1x128x16xf32, #tpu.memory_space<vmem>> -> memref<128x16xf32, #tpu.memory_space<vmem>>
        %dma_wait3A_293 = arith.constant 0 : i32
        %dma_wait3A_294 = tpu.memref_slice %arg14[%add3A_273, %dma_wait3A_293] : memref<100352x16xf32, #tpu.memory_space<vmem_shared>> -> memref<128x16xf32, #tpu.memory_space<vmem_shared>>
        %dma_wait3A_295 = arith.constant 0 : i32
        %dma_wait3A_296 = tpu.memref_slice %arg14[%add3A_273, %dma_wait3A_295] : memref<100352x16xf32, #tpu.memory_space<vmem_shared>> -> memref<128x16xf32, #tpu.memory_space<vmem_shared>>
        %dma_wait3A_297 = arith.constant 0 : i32
        %dma_wait3A_298 = arith.constant 0 : i32
        %dma_wait3A_299 = tpu.memref_slice %arg11[%run_scoped3A_274, %dma_wait3A_297, %dma_wait3A_298] : memref<2x128x16xf32, #tpu.memory_space<vmem>> -> memref<1x128x16xf32, #tpu.memory_space<vmem>>
        %dma_wait3A_300 = tpu.memref_squeeze %dma_wait3A_299 : memref<1x128x16xf32, #tpu.memory_space<vmem>> -> memref<128x16xf32, #tpu.memory_space<vmem>>
        tpu.wait_dma2 semaphore(%run_scoped3A_276 : memref<!tpu.dma_semaphore, #tpu.memory_space<semaphore_mem>>) src(%dma_wait3A_300 : memref<128x16xf32, #tpu.memory_space<vmem>>) dst(%dma_wait3A_296 : memref<128x16xf32, #tpu.memory_space<vmem_shared>>)
        tpu.yield
      }) : () -> ()
      %scan3A_275 = arith.constant 0 : i32
      scf.yield %scan3A_275 : i32
    }
    %scan3A_13 = arith.constant 49 : i32
    %barrier3A = arith.constant 0 : index
    tpu.barrier barrier_id(%barrier3A)
    %get3A = arith.constant 0 : i32
    %get3A_14 = arith.index_cast %get3A : i32 to index
    %get3A_15 = arith.constant 0 : index
    %get3A_16 = tpu.vector_load %arg12[%get3A_14, %get3A_15] {strides = array<i32>} : memref<32x16xf32, #tpu.memory_space<vmem>>, vector<1x16xf32>,
    %get3A_17 = vector.shape_cast %get3A_16 : vector<1x16xf32> to vector<16xf32>
    %get3A_18 = arith.constant 1 : i32
    %get3A_19 = arith.index_cast %get3A_18 : i32 to index
    %get3A_20 = arith.constant 0 : index
    %get3A_21 = tpu.vector_load %arg12[%get3A_19, %get3A_20] {strides = array<i32>} : memref<32x16xf32, #tpu.memory_space<vmem>>, vector<1x16xf32>,
    %get3A_22 = vector.shape_cast %get3A_21 : vector<1x16xf32> to vector<16xf32>
    %get3A_23 = arith.constant 2 : i32
    %get3A_24 = arith.index_cast %get3A_23 : i32 to index
    %get3A_25 = arith.constant 0 : index
    %get3A_26 = tpu.vector_load %arg12[%get3A_24, %get3A_25] {strides = array<i32>} : memref<32x16xf32, #tpu.memory_space<vmem>>, vector<1x16xf32>,
    %get3A_27 = vector.shape_cast %get3A_26 : vector<1x16xf32> to vector<16xf32>
    %get3A_28 = arith.constant 3 : i32
    %get3A_29 = arith.index_cast %get3A_28 : i32 to index
    %get3A_30 = arith.constant 0 : index
    %get3A_31 = tpu.vector_load %arg12[%get3A_29, %get3A_30] {strides = array<i32>} : memref<32x16xf32, #tpu.memory_space<vmem>>, vector<1x16xf32>,
    %get3A_32 = vector.shape_cast %get3A_31 : vector<1x16xf32> to vector<16xf32>
    %get3A_33 = arith.constant 4 : i32
    %get3A_34 = arith.index_cast %get3A_33 : i32 to index
    %get3A_35 = arith.constant 0 : index
    %get3A_36 = tpu.vector_load %arg12[%get3A_34, %get3A_35] {strides = array<i32>} : memref<32x16xf32, #tpu.memory_space<vmem>>, vector<1x16xf32>,
    %get3A_37 = vector.shape_cast %get3A_36 : vector<1x16xf32> to vector<16xf32>
    %get3A_38 = arith.constant 5 : i32
    %get3A_39 = arith.index_cast %get3A_38 : i32 to index
    %get3A_40 = arith.constant 0 : index
    %get3A_41 = tpu.vector_load %arg12[%get3A_39, %get3A_40] {strides = array<i32>} : memref<32x16xf32, #tpu.memory_space<vmem>>, vector<1x16xf32>,
    %get3A_42 = vector.shape_cast %get3A_41 : vector<1x16xf32> to vector<16xf32>
    %get3A_43 = arith.constant 6 : i32
    %get3A_44 = arith.index_cast %get3A_43 : i32 to index
    %get3A_45 = arith.constant 0 : index
    %get3A_46 = tpu.vector_load %arg12[%get3A_44, %get3A_45] {strides = array<i32>} : memref<32x16xf32, #tpu.memory_space<vmem>>, vector<1x16xf32>,
    %get3A_47 = vector.shape_cast %get3A_46 : vector<1x16xf32> to vector<16xf32>
    %get3A_48 = arith.constant 7 : i32
    %get3A_49 = arith.index_cast %get3A_48 : i32 to index
    %get3A_50 = arith.constant 0 : index
    %get3A_51 = tpu.vector_load %arg12[%get3A_49, %get3A_50] {strides = array<i32>} : memref<32x16xf32, #tpu.memory_space<vmem>>, vector<1x16xf32>,
    %get3A_52 = vector.shape_cast %get3A_51 : vector<1x16xf32> to vector<16xf32>
    %get3A_53 = arith.constant 8 : i32
    %get3A_54 = arith.index_cast %get3A_53 : i32 to index
    %get3A_55 = arith.constant 0 : index
    %get3A_56 = tpu.vector_load %arg12[%get3A_54, %get3A_55] {strides = array<i32>} : memref<32x16xf32, #tpu.memory_space<vmem>>, vector<1x16xf32>,
    %get3A_57 = vector.shape_cast %get3A_56 : vector<1x16xf32> to vector<16xf32>
    %get3A_58 = arith.constant 9 : i32
    %get3A_59 = arith.index_cast %get3A_58 : i32 to index
    %get3A_60 = arith.constant 0 : index
    %get3A_61 = tpu.vector_load %arg12[%get3A_59, %get3A_60] {strides = array<i32>} : memref<32x16xf32, #tpu.memory_space<vmem>>, vector<1x16xf32>,
    %get3A_62 = vector.shape_cast %get3A_61 : vector<1x16xf32> to vector<16xf32>
    %get3A_63 = arith.constant 10 : i32
    %get3A_64 = arith.index_cast %get3A_63 : i32 to index
    %get3A_65 = arith.constant 0 : index
    %get3A_66 = tpu.vector_load %arg12[%get3A_64, %get3A_65] {strides = array<i32>} : memref<32x16xf32, #tpu.memory_space<vmem>>, vector<1x16xf32>,
    %get3A_67 = vector.shape_cast %get3A_66 : vector<1x16xf32> to vector<16xf32>
    %get3A_68 = arith.constant 11 : i32
    %get3A_69 = arith.index_cast %get3A_68 : i32 to index
    %get3A_70 = arith.constant 0 : index
    %get3A_71 = tpu.vector_load %arg12[%get3A_69, %get3A_70] {strides = array<i32>} : memref<32x16xf32, #tpu.memory_space<vmem>>, vector<1x16xf32>,
    %get3A_72 = vector.shape_cast %get3A_71 : vector<1x16xf32> to vector<16xf32>
    %get3A_73 = arith.constant 12 : i32
    %get3A_74 = arith.index_cast %get3A_73 : i32 to index
    %get3A_75 = arith.constant 0 : index
    %get3A_76 = tpu.vector_load %arg12[%get3A_74, %get3A_75] {strides = array<i32>} : memref<32x16xf32, #tpu.memory_space<vmem>>, vector<1x16xf32>,
    %get3A_77 = vector.shape_cast %get3A_76 : vector<1x16xf32> to vector<16xf32>
    %get3A_78 = arith.constant 13 : i32
    %get3A_79 = arith.index_cast %get3A_78 : i32 to index
    %get3A_80 = arith.constant 0 : index
    %get3A_81 = tpu.vector_load %arg12[%get3A_79, %get3A_80] {strides = array<i32>} : memref<32x16xf32, #tpu.memory_space<vmem>>, vector<1x16xf32>,
    %get3A_82 = vector.shape_cast %get3A_81 : vector<1x16xf32> to vector<16xf32>
    %get3A_83 = arith.constant 14 : i32
    %get3A_84 = arith.index_cast %get3A_83 : i32 to index
    %get3A_85 = arith.constant 0 : index
    %get3A_86 = tpu.vector_load %arg12[%get3A_84, %get3A_85] {strides = array<i32>} : memref<32x16xf32, #tpu.memory_space<vmem>>, vector<1x16xf32>,
    %get3A_87 = vector.shape_cast %get3A_86 : vector<1x16xf32> to vector<16xf32>
    %get3A_88 = arith.constant 15 : i32
    %get3A_89 = arith.index_cast %get3A_88 : i32 to index
    %get3A_90 = arith.constant 0 : index
    %get3A_91 = tpu.vector_load %arg12[%get3A_89, %get3A_90] {strides = array<i32>} : memref<32x16xf32, #tpu.memory_space<vmem>>, vector<1x16xf32>,
    %get3A_92 = vector.shape_cast %get3A_91 : vector<1x16xf32> to vector<16xf32>
    %get3A_93 = arith.constant 16 : i32
    %get3A_94 = arith.index_cast %get3A_93 : i32 to index
    %get3A_95 = arith.constant 0 : index
    %get3A_96 = tpu.vector_load %arg12[%get3A_94, %get3A_95] {strides = array<i32>} : memref<32x16xf32, #tpu.memory_space<vmem>>, vector<1x16xf32>,
    %get3A_97 = vector.shape_cast %get3A_96 : vector<1x16xf32> to vector<16xf32>
    %get3A_98 = arith.constant 17 : i32
    %get3A_99 = arith.index_cast %get3A_98 : i32 to index
    %get3A_100 = arith.constant 0 : index
    %get3A_101 = tpu.vector_load %arg12[%get3A_99, %get3A_100] {strides = array<i32>} : memref<32x16xf32, #tpu.memory_space<vmem>>, vector<1x16xf32>,
    %get3A_102 = vector.shape_cast %get3A_101 : vector<1x16xf32> to vector<16xf32>
    %get3A_103 = arith.constant 18 : i32
    %get3A_104 = arith.index_cast %get3A_103 : i32 to index
    %get3A_105 = arith.constant 0 : index
    %get3A_106 = tpu.vector_load %arg12[%get3A_104, %get3A_105] {strides = array<i32>} : memref<32x16xf32, #tpu.memory_space<vmem>>, vector<1x16xf32>,
    %get3A_107 = vector.shape_cast %get3A_106 : vector<1x16xf32> to vector<16xf32>
    %get3A_108 = arith.constant 19 : i32
    %get3A_109 = arith.index_cast %get3A_108 : i32 to index
    %get3A_110 = arith.constant 0 : index
    %get3A_111 = tpu.vector_load %arg12[%get3A_109, %get3A_110] {strides = array<i32>} : memref<32x16xf32, #tpu.memory_space<vmem>>, vector<1x16xf32>,
    %get3A_112 = vector.shape_cast %get3A_111 : vector<1x16xf32> to vector<16xf32>
    %get3A_113 = arith.constant 20 : i32
    %get3A_114 = arith.index_cast %get3A_113 : i32 to index
    %get3A_115 = arith.constant 0 : index
    %get3A_116 = tpu.vector_load %arg12[%get3A_114, %get3A_115] {strides = array<i32>} : memref<32x16xf32, #tpu.memory_space<vmem>>, vector<1x16xf32>,
    %get3A_117 = vector.shape_cast %get3A_116 : vector<1x16xf32> to vector<16xf32>
    %get3A_118 = arith.constant 21 : i32
    %get3A_119 = arith.index_cast %get3A_118 : i32 to index
    %get3A_120 = arith.constant 0 : index
    %get3A_121 = tpu.vector_load %arg12[%get3A_119, %get3A_120] {strides = array<i32>} : memref<32x16xf32, #tpu.memory_space<vmem>>, vector<1x16xf32>,
    %get3A_122 = vector.shape_cast %get3A_121 : vector<1x16xf32> to vector<16xf32>
    %get3A_123 = arith.constant 22 : i32
    %get3A_124 = arith.index_cast %get3A_123 : i32 to index
    %get3A_125 = arith.constant 0 : index
    %get3A_126 = tpu.vector_load %arg12[%get3A_124, %get3A_125] {strides = array<i32>} : memref<32x16xf32, #tpu.memory_space<vmem>>, vector<1x16xf32>,
    %get3A_127 = vector.shape_cast %get3A_126 : vector<1x16xf32> to vector<16xf32>
    %get3A_128 = arith.constant 23 : i32
    %get3A_129 = arith.index_cast %get3A_128 : i32 to index
    %get3A_130 = arith.constant 0 : index
    %get3A_131 = tpu.vector_load %arg12[%get3A_129, %get3A_130] {strides = array<i32>} : memref<32x16xf32, #tpu.memory_space<vmem>>, vector<1x16xf32>,
    %get3A_132 = vector.shape_cast %get3A_131 : vector<1x16xf32> to vector<16xf32>
    %get3A_133 = arith.constant 24 : i32
    %get3A_134 = arith.index_cast %get3A_133 : i32 to index
    %get3A_135 = arith.constant 0 : index
    %get3A_136 = tpu.vector_load %arg12[%get3A_134, %get3A_135] {strides = array<i32>} : memref<32x16xf32, #tpu.memory_space<vmem>>, vector<1x16xf32>,
    %get3A_137 = vector.shape_cast %get3A_136 : vector<1x16xf32> to vector<16xf32>
    %get3A_138 = arith.constant 25 : i32
    %get3A_139 = arith.index_cast %get3A_138 : i32 to index
    %get3A_140 = arith.constant 0 : index
    %get3A_141 = tpu.vector_load %arg12[%get3A_139, %get3A_140] {strides = array<i32>} : memref<32x16xf32, #tpu.memory_space<vmem>>, vector<1x16xf32>,
    %get3A_142 = vector.shape_cast %get3A_141 : vector<1x16xf32> to vector<16xf32>
    %get3A_143 = arith.constant 26 : i32
    %get3A_144 = arith.index_cast %get3A_143 : i32 to index
    %get3A_145 = arith.constant 0 : index
    %get3A_146 = tpu.vector_load %arg12[%get3A_144, %get3A_145] {strides = array<i32>} : memref<32x16xf32, #tpu.memory_space<vmem>>, vector<1x16xf32>,
    %get3A_147 = vector.shape_cast %get3A_146 : vector<1x16xf32> to vector<16xf32>
    %get3A_148 = arith.constant 27 : i32
    %get3A_149 = arith.index_cast %get3A_148 : i32 to index
    %get3A_150 = arith.constant 0 : index
    %get3A_151 = tpu.vector_load %arg12[%get3A_149, %get3A_150] {strides = array<i32>} : memref<32x16xf32, #tpu.memory_space<vmem>>, vector<1x16xf32>,
    %get3A_152 = vector.shape_cast %get3A_151 : vector<1x16xf32> to vector<16xf32>
    %get3A_153 = arith.constant 28 : i32
    %get3A_154 = arith.index_cast %get3A_153 : i32 to index
    %get3A_155 = arith.constant 0 : index
    %get3A_156 = tpu.vector_load %arg12[%get3A_154, %get3A_155] {strides = array<i32>} : memref<32x16xf32, #tpu.memory_space<vmem>>, vector<1x16xf32>,
    %get3A_157 = vector.shape_cast %get3A_156 : vector<1x16xf32> to vector<16xf32>
    %get3A_158 = arith.constant 29 : i32
    %get3A_159 = arith.index_cast %get3A_158 : i32 to index
    %get3A_160 = arith.constant 0 : index
    %get3A_161 = tpu.vector_load %arg12[%get3A_159, %get3A_160] {strides = array<i32>} : memref<32x16xf32, #tpu.memory_space<vmem>>, vector<1x16xf32>,
    %get3A_162 = vector.shape_cast %get3A_161 : vector<1x16xf32> to vector<16xf32>
    %get3A_163 = arith.constant 30 : i32
    %get3A_164 = arith.index_cast %get3A_163 : i32 to index
    %get3A_165 = arith.constant 0 : index
    %get3A_166 = tpu.vector_load %arg12[%get3A_164, %get3A_165] {strides = array<i32>} : memref<32x16xf32, #tpu.memory_space<vmem>>, vector<1x16xf32>,
    %get3A_167 = vector.shape_cast %get3A_166 : vector<1x16xf32> to vector<16xf32>
    %get3A_168 = arith.constant 31 : i32
    %get3A_169 = arith.index_cast %get3A_168 : i32 to index
    %get3A_170 = arith.constant 0 : index
    %get3A_171 = tpu.vector_load %arg12[%get3A_169, %get3A_170] {strides = array<i32>} : memref<32x16xf32, #tpu.memory_space<vmem>>, vector<1x16xf32>,
    %get3A_172 = vector.shape_cast %get3A_171 : vector<1x16xf32> to vector<16xf32>
    %get3A_173 = arith.constant 0 : index
    %get3A_174 = tpu.vector_load %arg13[%get3A_173] {strides = array<i32>} : memref<16xf32, #tpu.memory_space<vmem>>, vector<16xf32>,
    %get3A_175 = vector.shape_cast %get3A_174 : vector<16xf32> to vector<16xf32>
    %run_scoped3A = arith.constant 0 : i32
    %run_scoped3A_176 = arith.constant 0 : i32
    "tpu.region"() ({
      %run_scoped3A_267 = tpu.sem_alloc : memref<!tpu.dma_semaphore, #tpu.memory_space<semaphore_mem>>
      %dma_start3A_268 = arith.constant 0 : i32
      %dma_start3A_269 = arith.constant 0 : i32
      %dma_start3A_270 = tpu.memref_slice %arg8[%run_scoped3A_176, %dma_start3A_268, %dma_start3A_269] : memref<4x2x128xi32, #tpu.memory_space<vmem>> -> memref<1x2x128xi32, #tpu.memory_space<vmem>>
      %dma_start3A_271 = tpu.memref_squeeze %dma_start3A_270 : memref<1x2x128xi32, #tpu.memory_space<vmem>> -> memref<2x128xi32, #tpu.memory_space<vmem>>
      %dma_start3A_272 = arith.constant 0 : i32
      %dma_start3A_273 = arith.constant 0 : i32
      %dma_start3A_274 = tpu.memref_slice %arg4[%add3A, %run_scoped3A, %dma_start3A_272, %dma_start3A_273] : memref<32x392x2x128xi32, #tpu.memory_space<hbm>> -> memref<1x1x2x128xi32, #tpu.memory_space<hbm>>
      %dma_start3A_275 = tpu.memref_squeeze %dma_start3A_274 : memref<1x1x2x128xi32, #tpu.memory_space<hbm>> -> memref<2x128xi32, #tpu.memory_space<hbm>>
      %dma_start3A_276 = arith.constant 0 : i32
      %dma_start3A_277 = arith.constant 0 : i32
      %dma_start3A_278 = tpu.memref_slice %arg8[%run_scoped3A_176, %dma_start3A_276, %dma_start3A_277] : memref<4x2x128xi32, #tpu.memory_space<vmem>> -> memref<1x2x128xi32, #tpu.memory_space<vmem>>
      %dma_start3A_279 = tpu.memref_squeeze %dma_start3A_278 : memref<1x2x128xi32, #tpu.memory_space<vmem>> -> memref<2x128xi32, #tpu.memory_space<vmem>>
      %dma_start3A_280 = arith.constant 0 : i32
      %dma_start3A_281 = arith.constant 0 : i32
      %dma_start3A_282 = tpu.memref_slice %arg4[%add3A, %run_scoped3A, %dma_start3A_280, %dma_start3A_281] : memref<32x392x2x128xi32, #tpu.memory_space<hbm>> -> memref<1x1x2x128xi32, #tpu.memory_space<hbm>>
      %dma_start3A_283 = tpu.memref_squeeze %dma_start3A_282 : memref<1x1x2x128xi32, #tpu.memory_space<hbm>> -> memref<2x128xi32, #tpu.memory_space<hbm>>
      tpu.enqueue_dma source(%dma_start3A_283 : memref<2x128xi32, #tpu.memory_space<hbm>>) target(%dma_start3A_279 : memref<2x128xi32, #tpu.memory_space<vmem>>) target_semaphore(%run_scoped3A_267 : memref<!tpu.dma_semaphore, #tpu.memory_space<semaphore_mem>>)
      %dma_wait3A_284 = arith.constant 0 : i32
      %dma_wait3A_285 = arith.constant 0 : i32
      %dma_wait3A_286 = tpu.memref_slice %arg8[%run_scoped3A_176, %dma_wait3A_284, %dma_wait3A_285] : memref<4x2x128xi32, #tpu.memory_space<vmem>> -> memref<1x2x128xi32, #tpu.memory_space<vmem>>
      %dma_wait3A_287 = tpu.memref_squeeze %dma_wait3A_286 : memref<1x2x128xi32, #tpu.memory_space<vmem>> -> memref<2x128xi32, #tpu.memory_space<vmem>>
      %dma_wait3A_288 = arith.constant 0 : i32
      %dma_wait3A_289 = arith.constant 0 : i32
      %dma_wait3A_290 = tpu.memref_slice %arg4[%add3A, %run_scoped3A, %dma_wait3A_288, %dma_wait3A_289] : memref<32x392x2x128xi32, #tpu.memory_space<hbm>> -> memref<1x1x2x128xi32, #tpu.memory_space<hbm>>
      %dma_wait3A_291 = tpu.memref_squeeze %dma_wait3A_290 : memref<1x1x2x128xi32, #tpu.memory_space<hbm>> -> memref<2x128xi32, #tpu.memory_space<hbm>>
      %dma_wait3A_292 = arith.constant 0 : i32
      %dma_wait3A_293 = arith.constant 0 : i32
      %dma_wait3A_294 = tpu.memref_slice %arg8[%run_scoped3A_176, %dma_wait3A_292, %dma_wait3A_293] : memref<4x2x128xi32, #tpu.memory_space<vmem>> -> memref<1x2x128xi32, #tpu.memory_space<vmem>>
      %dma_wait3A_295 = tpu.memref_squeeze %dma_wait3A_294 : memref<1x2x128xi32, #tpu.memory_space<vmem>> -> memref<2x128xi32, #tpu.memory_space<vmem>>
      %dma_wait3A_296 = arith.constant 0 : i32
      %dma_wait3A_297 = arith.constant 0 : i32
      %dma_wait3A_298 = tpu.memref_slice %arg4[%add3A, %run_scoped3A, %dma_wait3A_296, %dma_wait3A_297] : memref<32x392x2x128xi32, #tpu.memory_space<hbm>> -> memref<1x1x2x128xi32, #tpu.memory_space<hbm>>
      %dma_wait3A_299 = tpu.memref_squeeze %dma_wait3A_298 : memref<1x1x2x128xi32, #tpu.memory_space<hbm>> -> memref<2x128xi32, #tpu.memory_space<hbm>>
      tpu.wait_dma2 semaphore(%run_scoped3A_267 : memref<!tpu.dma_semaphore, #tpu.memory_space<semaphore_mem>>) src(%dma_wait3A_299 : memref<2x128xi32, #tpu.memory_space<hbm>>) dst(%dma_wait3A_295 : memref<2x128xi32, #tpu.memory_space<vmem>>)
      tpu.yield
    }) : () -> ()
    %dma_start3A = arith.constant 0 : i32
    %dma_start3A_177 = arith.constant 0 : i32
    %dma_start3A_178 = arith.constant 0 : i32
    %dma_start3A_179 = arith.constant 0 : i32
    %dma_start3A_180 = arith.constant 0 : i32
    %dma_start3A_181 = tpu.memref_slice %arg9[%dma_start3A_178, %dma_start3A_179, %dma_start3A_180] : memref<2x128x32xf32, #tpu.memory_space<vmem>> -> memref<1x128x32xf32, #tpu.memory_space<vmem>>
    %dma_start3A_182 = tpu.memref_squeeze %dma_start3A_181 : memref<1x128x32xf32, #tpu.memory_space<vmem>> -> memref<128x32xf32, #tpu.memory_space<vmem>>
    %dma_start3A_183 = arith.constant 0 : i32
    %dma_start3A_184 = tpu.memref_slice %arg8[%dma_start3A, %dma_start3A_177, %dma_start3A_183] : memref<4x2x128xi32, #tpu.memory_space<vmem>> -> memref<1x1x128xi32, #tpu.memory_space<vmem>>
    %dma_start3A_185 = tpu.memref_squeeze %dma_start3A_184 : memref<1x1x128xi32, #tpu.memory_space<vmem>> -> memref<128xi32, #tpu.memory_space<vmem>>
    %dma_start3A_186 = arith.constant 0 : i32
    %dma_start3A_187 = arith.constant 0 : i32
    %dma_start3A_188 = tpu.memref_slice %arg2[%dma_start3A_186, %dma_start3A_187] : memref<100000x32xf32, #tpu.memory_space<hbm>> -> memref<100000x32xf32, #tpu.memory_space<hbm>>
    tpu.enqueue_indirect_dma source(%dma_start3A_188 : memref<100000x32xf32, #tpu.memory_space<hbm>>) target(%dma_start3A_182 : memref<128x32xf32, #tpu.memory_space<vmem>>) offsets(%dma_start3A_185 : memref<128xi32, #tpu.memory_space<vmem>>) semaphore(%arg15 : memref<!tpu.dma_semaphore, #tpu.memory_space<semaphore_mem>>)
    %dma_start3A_189 = arith.constant 0 : i32
    %dma_start3A_190 = arith.constant 1 : i32
    %dma_start3A_191 = arith.constant 0 : i32
    %dma_start3A_192 = arith.constant 0 : i32
    %dma_start3A_193 = arith.constant 0 : i32
    %dma_start3A_194 = tpu.memref_slice %arg10[%dma_start3A_191, %dma_start3A_192, %dma_start3A_193] : memref<2x128x32xf32, #tpu.memory_space<vmem>> -> memref<1x128x32xf32, #tpu.memory_space<vmem>>
    %dma_start3A_195 = tpu.memref_squeeze %dma_start3A_194 : memref<1x128x32xf32, #tpu.memory_space<vmem>> -> memref<128x32xf32, #tpu.memory_space<vmem>>
    %dma_start3A_196 = arith.constant 0 : i32
    %dma_start3A_197 = tpu.memref_slice %arg8[%dma_start3A_189, %dma_start3A_190, %dma_start3A_196] : memref<4x2x128xi32, #tpu.memory_space<vmem>> -> memref<1x1x128xi32, #tpu.memory_space<vmem>>
    %dma_start3A_198 = tpu.memref_squeeze %dma_start3A_197 : memref<1x1x128xi32, #tpu.memory_space<vmem>> -> memref<128xi32, #tpu.memory_space<vmem>>
    %dma_start3A_199 = arith.constant 0 : i32
    %dma_start3A_200 = arith.constant 0 : i32
    %dma_start3A_201 = tpu.memref_slice %arg3[%dma_start3A_199, %dma_start3A_200] : memref<100000x32xf32, #tpu.memory_space<hbm>> -> memref<100000x32xf32, #tpu.memory_space<hbm>>
    tpu.enqueue_indirect_dma source(%dma_start3A_201 : memref<100000x32xf32, #tpu.memory_space<hbm>>) target(%dma_start3A_195 : memref<128x32xf32, #tpu.memory_space<vmem>>) offsets(%dma_start3A_198 : memref<128xi32, #tpu.memory_space<vmem>>) semaphore(%arg17 : memref<!tpu.dma_semaphore, #tpu.memory_space<semaphore_mem>>)
    %run_scoped3A_202 = arith.constant 1 : i32
    %run_scoped3A_203 = arith.constant 1 : i32
    "tpu.region"() ({
      %run_scoped3A_267 = tpu.sem_alloc : memref<!tpu.dma_semaphore, #tpu.memory_space<semaphore_mem>>
      %dma_start3A_268 = arith.constant 0 : i32
      %dma_start3A_269 = arith.constant 0 : i32
      %dma_start3A_270 = tpu.memref_slice %arg8[%run_scoped3A_203, %dma_start3A_268, %dma_start3A_269] : memref<4x2x128xi32, #tpu.memory_space<vmem>> -> memref<1x2x128xi32, #tpu.memory_space<vmem>>
      %dma_start3A_271 = tpu.memref_squeeze %dma_start3A_270 : memref<1x2x128xi32, #tpu.memory_space<vmem>> -> memref<2x128xi32, #tpu.memory_space<vmem>>
      %dma_start3A_272 = arith.constant 0 : i32
      %dma_start3A_273 = arith.constant 0 : i32
      %dma_start3A_274 = tpu.memref_slice %arg4[%add3A, %run_scoped3A_202, %dma_start3A_272, %dma_start3A_273] : memref<32x392x2x128xi32, #tpu.memory_space<hbm>> -> memref<1x1x2x128xi32, #tpu.memory_space<hbm>>
      %dma_start3A_275 = tpu.memref_squeeze %dma_start3A_274 : memref<1x1x2x128xi32, #tpu.memory_space<hbm>> -> memref<2x128xi32, #tpu.memory_space<hbm>>
      %dma_start3A_276 = arith.constant 0 : i32
      %dma_start3A_277 = arith.constant 0 : i32
      %dma_start3A_278 = tpu.memref_slice %arg8[%run_scoped3A_203, %dma_start3A_276, %dma_start3A_277] : memref<4x2x128xi32, #tpu.memory_space<vmem>> -> memref<1x2x128xi32, #tpu.memory_space<vmem>>
      %dma_start3A_279 = tpu.memref_squeeze %dma_start3A_278 : memref<1x2x128xi32, #tpu.memory_space<vmem>> -> memref<2x128xi32, #tpu.memory_space<vmem>>
      %dma_start3A_280 = arith.constant 0 : i32
      %dma_start3A_281 = arith.constant 0 : i32
      %dma_start3A_282 = tpu.memref_slice %arg4[%add3A, %run_scoped3A_202, %dma_start3A_280, %dma_start3A_281] : memref<32x392x2x128xi32, #tpu.memory_space<hbm>> -> memref<1x1x2x128xi32, #tpu.memory_space<hbm>>
      %dma_start3A_283 = tpu.memref_squeeze %dma_start3A_282 : memref<1x1x2x128xi32, #tpu.memory_space<hbm>> -> memref<2x128xi32, #tpu.memory_space<hbm>>
      tpu.enqueue_dma source(%dma_start3A_283 : memref<2x128xi32, #tpu.memory_space<hbm>>) target(%dma_start3A_279 : memref<2x128xi32, #tpu.memory_space<vmem>>) target_semaphore(%run_scoped3A_267 : memref<!tpu.dma_semaphore, #tpu.memory_space<semaphore_mem>>)
      %dma_wait3A_284 = arith.constant 0 : i32
      %dma_wait3A_285 = arith.constant 0 : i32
      %dma_wait3A_286 = tpu.memref_slice %arg8[%run_scoped3A_203, %dma_wait3A_284, %dma_wait3A_285] : memref<4x2x128xi32, #tpu.memory_space<vmem>> -> memref<1x2x128xi32, #tpu.memory_space<vmem>>
      %dma_wait3A_287 = tpu.memref_squeeze %dma_wait3A_286 : memref<1x2x128xi32, #tpu.memory_space<vmem>> -> memref<2x128xi32, #tpu.memory_space<vmem>>
      %dma_wait3A_288 = arith.constant 0 : i32
      %dma_wait3A_289 = arith.constant 0 : i32
      %dma_wait3A_290 = tpu.memref_slice %arg4[%add3A, %run_scoped3A_202, %dma_wait3A_288, %dma_wait3A_289] : memref<32x392x2x128xi32, #tpu.memory_space<hbm>> -> memref<1x1x2x128xi32, #tpu.memory_space<hbm>>
      %dma_wait3A_291 = tpu.memref_squeeze %dma_wait3A_290 : memref<1x1x2x128xi32, #tpu.memory_space<hbm>> -> memref<2x128xi32, #tpu.memory_space<hbm>>
      %dma_wait3A_292 = arith.constant 0 : i32
      %dma_wait3A_293 = arith.constant 0 : i32
      %dma_wait3A_294 = tpu.memref_slice %arg8[%run_scoped3A_203, %dma_wait3A_292, %dma_wait3A_293] : memref<4x2x128xi32, #tpu.memory_space<vmem>> -> memref<1x2x128xi32, #tpu.memory_space<vmem>>
      %dma_wait3A_295 = tpu.memref_squeeze %dma_wait3A_294 : memref<1x2x128xi32, #tpu.memory_space<vmem>> -> memref<2x128xi32, #tpu.memory_space<vmem>>
      %dma_wait3A_296 = arith.constant 0 : i32
      %dma_wait3A_297 = arith.constant 0 : i32
      %dma_wait3A_298 = tpu.memref_slice %arg4[%add3A, %run_scoped3A_202, %dma_wait3A_296, %dma_wait3A_297] : memref<32x392x2x128xi32, #tpu.memory_space<hbm>> -> memref<1x1x2x128xi32, #tpu.memory_space<hbm>>
      %dma_wait3A_299 = tpu.memref_squeeze %dma_wait3A_298 : memref<1x1x2x128xi32, #tpu.memory_space<hbm>> -> memref<2x128xi32, #tpu.memory_space<hbm>>
      tpu.wait_dma2 semaphore(%run_scoped3A_267 : memref<!tpu.dma_semaphore, #tpu.memory_space<semaphore_mem>>) src(%dma_wait3A_299 : memref<2x128xi32, #tpu.memory_space<hbm>>) dst(%dma_wait3A_295 : memref<2x128xi32, #tpu.memory_space<vmem>>)
      tpu.yield
    }) : () -> ()
    %dma_start3A_204 = arith.constant 1 : i32
    %dma_start3A_205 = arith.constant 0 : i32
    %dma_start3A_206 = arith.constant 1 : i32
    %dma_start3A_207 = arith.constant 0 : i32
    %dma_start3A_208 = arith.constant 0 : i32
    %dma_start3A_209 = tpu.memref_slice %arg9[%dma_start3A_206, %dma_start3A_207, %dma_start3A_208] : memref<2x128x32xf32, #tpu.memory_space<vmem>> -> memref<1x128x32xf32, #tpu.memory_space<vmem>>
    %dma_start3A_210 = tpu.memref_squeeze %dma_start3A_209 : memref<1x128x32xf32, #tpu.memory_space<vmem>> -> memref<128x32xf32, #tpu.memory_space<vmem>>
    %dma_start3A_211 = arith.constant 0 : i32
    %dma_start3A_212 = tpu.memref_slice %arg8[%dma_start3A_204, %dma_start3A_205, %dma_start3A_211] : memref<4x2x128xi32, #tpu.memory_space<vmem>> -> memref<1x1x128xi32, #tpu.memory_space<vmem>>
    %dma_start3A_213 = tpu.memref_squeeze %dma_start3A_212 : memref<1x1x128xi32, #tpu.memory_space<vmem>> -> memref<128xi32, #tpu.memory_space<vmem>>
    %dma_start3A_214 = arith.constant 0 : i32
    %dma_start3A_215 = arith.constant 0 : i32
    %dma_start3A_216 = tpu.memref_slice %arg2[%dma_start3A_214, %dma_start3A_215] : memref<100000x32xf32, #tpu.memory_space<hbm>> -> memref<100000x32xf32, #tpu.memory_space<hbm>>
    tpu.enqueue_indirect_dma source(%dma_start3A_216 : memref<100000x32xf32, #tpu.memory_space<hbm>>) target(%dma_start3A_210 : memref<128x32xf32, #tpu.memory_space<vmem>>) offsets(%dma_start3A_213 : memref<128xi32, #tpu.memory_space<vmem>>) semaphore(%arg16 : memref<!tpu.dma_semaphore, #tpu.memory_space<semaphore_mem>>)
    %dma_start3A_217 = arith.constant 1 : i32
    %dma_start3A_218 = arith.constant 1 : i32
    %dma_start3A_219 = arith.constant 1 : i32
    %dma_start3A_220 = arith.constant 0 : i32
    %dma_start3A_221 = arith.constant 0 : i32
    %dma_start3A_222 = tpu.memref_slice %arg10[%dma_start3A_219, %dma_start3A_220, %dma_start3A_221] : memref<2x128x32xf32, #tpu.memory_space<vmem>> -> memref<1x128x32xf32, #tpu.memory_space<vmem>>
    %dma_start3A_223 = tpu.memref_squeeze %dma_start3A_222 : memref<1x128x32xf32, #tpu.memory_space<vmem>> -> memref<128x32xf32, #tpu.memory_space<vmem>>
    %dma_start3A_224 = arith.constant 0 : i32
    %dma_start3A_225 = tpu.memref_slice %arg8[%dma_start3A_217, %dma_start3A_218, %dma_start3A_224] : memref<4x2x128xi32, #tpu.memory_space<vmem>> -> memref<1x1x128xi32, #tpu.memory_space<vmem>>
    %dma_start3A_226 = tpu.memref_squeeze %dma_start3A_225 : memref<1x1x128xi32, #tpu.memory_space<vmem>> -> memref<128xi32, #tpu.memory_space<vmem>>
    %dma_start3A_227 = arith.constant 0 : i32
    %dma_start3A_228 = arith.constant 0 : i32
    %dma_start3A_229 = tpu.memref_slice %arg3[%dma_start3A_227, %dma_start3A_228] : memref<100000x32xf32, #tpu.memory_space<hbm>> -> memref<100000x32xf32, #tpu.memory_space<hbm>>
    tpu.enqueue_indirect_dma source(%dma_start3A_229 : memref<100000x32xf32, #tpu.memory_space<hbm>>) target(%dma_start3A_223 : memref<128x32xf32, #tpu.memory_space<vmem>>) offsets(%dma_start3A_226 : memref<128xi32, #tpu.memory_space<vmem>>) semaphore(%arg18 : memref<!tpu.dma_semaphore, #tpu.memory_space<semaphore_mem>>)
    %scan3A_230 = arith.constant 0 : i32
    %scan3A_231 = arith.constant 0 : i32
    %scan3A_232 = arith.constant 98 : i32
    %scan3A_233 = arith.addi %scan3A_231, %scan3A_232 : i32
    %scan3A_234 = arith.constant 1 : i32
    %scan3A_235 = scf.for %scan3A_267 = %scan3A_231 to %scan3A_233 step %scan3A_234 iter_args(%scan3A_268 = %scan3A_230) -> (i32)  : i32 {
      %mul3A_269 = arith.constant 4 : i32
      %mul3A_270 = arith.muli %scan3A_267, %mul3A_269 : i32
      %add3A_271 = arith.constant 0 : i32
      %add3A_272 = arith.addi %mul3A_270, %add3A_271 : i32
      %dma_wait3A_273 = arith.constant 0 : i32
      %dma_wait3A_274 = arith.constant 0 : i32
      %dma_wait3A_275 = arith.constant 0 : i32
      %dma_wait3A_276 = arith.constant 0 : i32
      %dma_wait3A_277 = arith.constant 0 : i32
      %dma_wait3A_278 = tpu.memref_slice %arg9[%dma_wait3A_275, %dma_wait3A_276, %dma_wait3A_277] : memref<2x128x32xf32, #tpu.memory_space<vmem>> -> memref<1x128x32xf32, #tpu.memory_space<vmem>>
      %dma_wait3A_279 = tpu.memref_squeeze %dma_wait3A_278 : memref<1x128x32xf32, #tpu.memory_space<vmem>> -> memref<128x32xf32, #tpu.memory_space<vmem>>
      %dma_wait3A_280 = arith.constant 0 : i32
      %dma_wait3A_281 = tpu.memref_slice %arg8[%dma_wait3A_273, %dma_wait3A_274, %dma_wait3A_280] : memref<4x2x128xi32, #tpu.memory_space<vmem>> -> memref<1x1x128xi32, #tpu.memory_space<vmem>>
      %dma_wait3A_282 = tpu.memref_squeeze %dma_wait3A_281 : memref<1x1x128xi32, #tpu.memory_space<vmem>> -> memref<128xi32, #tpu.memory_space<vmem>>
      %dma_wait3A_283 = arith.constant 0 : i32
      %dma_wait3A_284 = arith.constant 0 : i32
      %dma_wait3A_285 = tpu.memref_slice %arg2[%dma_wait3A_283, %dma_wait3A_284] : memref<100000x32xf32, #tpu.memory_space<hbm>> -> memref<100000x32xf32, #tpu.memory_space<hbm>>
      tpu.wait_indirect_dma semaphore(%arg15 : memref<!tpu.dma_semaphore, #tpu.memory_space<semaphore_mem>>) src(%dma_wait3A_285 : memref<100000x32xf32, #tpu.memory_space<hbm>>) dst(%dma_wait3A_279 : memref<128x32xf32, #tpu.memory_space<vmem>>)
      %dma_wait3A_286 = arith.constant 0 : i32
      %dma_wait3A_287 = arith.constant 1 : i32
      %dma_wait3A_288 = arith.constant 0 : i32
      %dma_wait3A_289 = arith.constant 0 : i32
      %dma_wait3A_290 = arith.constant 0 : i32
      %dma_wait3A_291 = tpu.memref_slice %arg10[%dma_wait3A_288, %dma_wait3A_289, %dma_wait3A_290] : memref<2x128x32xf32, #tpu.memory_space<vmem>> -> memref<1x128x32xf32, #tpu.memory_space<vmem>>
      %dma_wait3A_292 = tpu.memref_squeeze %dma_wait3A_291 : memref<1x128x32xf32, #tpu.memory_space<vmem>> -> memref<128x32xf32, #tpu.memory_space<vmem>>
      %dma_wait3A_293 = arith.constant 0 : i32
      %dma_wait3A_294 = tpu.memref_slice %arg8[%dma_wait3A_286, %dma_wait3A_287, %dma_wait3A_293] : memref<4x2x128xi32, #tpu.memory_space<vmem>> -> memref<1x1x128xi32, #tpu.memory_space<vmem>>
      %dma_wait3A_295 = tpu.memref_squeeze %dma_wait3A_294 : memref<1x1x128xi32, #tpu.memory_space<vmem>> -> memref<128xi32, #tpu.memory_space<vmem>>
      %dma_wait3A_296 = arith.constant 0 : i32
      %dma_wait3A_297 = arith.constant 0 : i32
      %dma_wait3A_298 = tpu.memref_slice %arg3[%dma_wait3A_296, %dma_wait3A_297] : memref<100000x32xf32, #tpu.memory_space<hbm>> -> memref<100000x32xf32, #tpu.memory_space<hbm>>
      tpu.wait_indirect_dma semaphore(%arg17 : memref<!tpu.dma_semaphore, #tpu.memory_space<semaphore_mem>>) src(%dma_wait3A_298 : memref<100000x32xf32, #tpu.memory_space<hbm>>) dst(%dma_wait3A_292 : memref<128x32xf32, #tpu.memory_space<vmem>>)
      %ge3A = arith.constant 2 : i32
      %ge3A_299 = arith.cmpi sge, %add3A_272, %ge3A : i32
      %convert_element_type3A_300 = arith.extui %ge3A_299 : i1 to i32
      %cond3A_301 = arith.constant 0 : i32
      %cond3A_302 = arith.cmpi ne, %convert_element_type3A_300, %cond3A_301 : i32
      scf.if %cond3A_302 {
        %dma_wait3A_538 = arith.constant 0 : i32
        %dma_wait3A_539 = arith.constant 0 : i32
        %dma_wait3A_540 = arith.constant 1 : i32
        %dma_wait3A_541 = arith.constant 0 : i32
        %dma_wait3A_542 = arith.constant 0 : i32
        %dma_wait3A_543 = tpu.memref_slice %arg11[%dma_wait3A_538, %dma_wait3A_541, %dma_wait3A_542] : memref<2x128x16xf32, #tpu.memory_space<vmem>> -> memref<1x128x16xf32, #tpu.memory_space<vmem>>
        %dma_wait3A_544 = tpu.memref_squeeze %dma_wait3A_543 : memref<1x128x16xf32, #tpu.memory_space<vmem>> -> memref<128x16xf32, #tpu.memory_space<vmem>>
        %dma_wait3A_545 = arith.constant 0 : i32
        %dma_wait3A_546 = tpu.memref_slice %arg8[%dma_wait3A_539, %dma_wait3A_540, %dma_wait3A_545] : memref<4x2x128xi32, #tpu.memory_space<vmem>> -> memref<1x1x128xi32, #tpu.memory_space<vmem>>
        %dma_wait3A_547 = tpu.memref_squeeze %dma_wait3A_546 : memref<1x1x128xi32, #tpu.memory_space<vmem>> -> memref<128xi32, #tpu.memory_space<vmem>>
        %dma_wait3A_548 = arith.constant 0 : i32
        %dma_wait3A_549 = arith.constant 0 : i32
        %dma_wait3A_550 = tpu.memref_slice %arg14[%dma_wait3A_548, %dma_wait3A_549] : memref<100352x16xf32, #tpu.memory_space<vmem_shared>> -> memref<100352x16xf32, #tpu.memory_space<vmem_shared>>
        tpu.wait_indirect_dma semaphore(%arg19 : memref<!tpu.dma_semaphore, #tpu.memory_space<semaphore_mem>>) src(%dma_wait3A_544 : memref<128x16xf32, #tpu.memory_space<vmem>>) dst(%dma_wait3A_550 : memref<100352x16xf32, #tpu.memory_space<vmem_shared>>)
      } else {
      }
      %add3A_303 = arith.constant 2 : i32
      %add3A_304 = arith.addi %add3A_272, %add3A_303 : i32
      %lt3A = arith.constant 392 : i32
      %lt3A_305 = arith.cmpi slt, %add3A_304, %lt3A : i32
      %convert_element_type3A_306 = arith.extui %lt3A_305 : i1 to i32
      %cond3A_307 = arith.constant 0 : i32
      %cond3A_308 = arith.cmpi ne, %convert_element_type3A_306, %cond3A_307 : i32
      scf.if %cond3A_308 {
        %add3A_538 = arith.constant 2 : i32
        %add3A_539 = arith.addi %add3A_272, %add3A_538 : i32
        %dma_start3A_540 = arith.constant 2 : i32
        %dma_start3A_541 = arith.constant 0 : i32
        %dma_start3A_542 = arith.constant 0 : i32
        %dma_start3A_543 = tpu.memref_slice %arg8[%dma_start3A_540, %dma_start3A_541, %dma_start3A_542] : memref<4x2x128xi32, #tpu.memory_space<vmem>> -> memref<1x2x128xi32, #tpu.memory_space<vmem>>
        %dma_start3A_544 = tpu.memref_squeeze %dma_start3A_543 : memref<1x2x128xi32, #tpu.memory_space<vmem>> -> memref<2x128xi32, #tpu.memory_space<vmem>>
        %dma_start3A_545 = arith.constant 0 : i32
        %dma_start3A_546 = arith.constant 0 : i32
        %dma_start3A_547 = tpu.memref_slice %arg4[%add3A, %add3A_539, %dma_start3A_545, %dma_start3A_546] : memref<32x392x2x128xi32, #tpu.memory_space<hbm>> -> memref<1x1x2x128xi32, #tpu.memory_space<hbm>>
        %dma_start3A_548 = tpu.memref_squeeze %dma_start3A_547 : memref<1x1x2x128xi32, #tpu.memory_space<hbm>> -> memref<2x128xi32, #tpu.memory_space<hbm>>
        %dma_start3A_549 = arith.constant 0 : i32
        %dma_start3A_550 = arith.constant 0 : i32
        %dma_start3A_551 = tpu.memref_slice %arg8[%dma_start3A_540, %dma_start3A_549, %dma_start3A_550] : memref<4x2x128xi32, #tpu.memory_space<vmem>> -> memref<1x2x128xi32, #tpu.memory_space<vmem>>
        %dma_start3A_552 = tpu.memref_squeeze %dma_start3A_551 : memref<1x2x128xi32, #tpu.memory_space<vmem>> -> memref<2x128xi32, #tpu.memory_space<vmem>>
        %dma_start3A_553 = arith.constant 0 : i32
        %dma_start3A_554 = arith.constant 0 : i32
        %dma_start3A_555 = tpu.memref_slice %arg4[%add3A, %add3A_539, %dma_start3A_553, %dma_start3A_554] : memref<32x392x2x128xi32, #tpu.memory_space<hbm>> -> memref<1x1x2x128xi32, #tpu.memory_space<hbm>>
        %dma_start3A_556 = tpu.memref_squeeze %dma_start3A_555 : memref<1x1x2x128xi32, #tpu.memory_space<hbm>> -> memref<2x128xi32, #tpu.memory_space<hbm>>
        tpu.enqueue_dma source(%dma_start3A_556 : memref<2x128xi32, #tpu.memory_space<hbm>>) target(%dma_start3A_552 : memref<2x128xi32, #tpu.memory_space<vmem>>) target_semaphore(%arg21 : memref<!tpu.dma_semaphore, #tpu.memory_space<semaphore_mem>>)
      } else {
      }
      %scan3A_309 = arith.constant 0 : i32
      %scan3A_310 = arith.constant 0 : i32
      %scan3A_311 = arith.constant 128 : i32
      %scan3A_312 = arith.addi %scan3A_310, %scan3A_311 : i32
      %scan3A_313 = arith.constant 1 : i32
      %scan3A_314 = scf.for %scan3A_538 = %scan3A_310 to %scan3A_312 step %scan3A_313 iter_args(%scan3A_539 = %scan3A_309) -> (i32)  : i32 {
        %get3A_540 = arith.constant 0 : i32
        %get3A_541 = arith.index_cast %get3A_540 : i32 to index
        %get3A_542 = arith.index_cast %scan3A_538 : i32 to index
        %get3A_543 = arith.constant 0 : index
        %get3A_544 = tpu.vector_load %arg9[%get3A_541, %get3A_542, %get3A_543] {strides = array<i32>} : memref<2x128x32xf32, #tpu.memory_space<vmem>>, vector<1x1x16xf32>,
        %get3A_545 = vector.shape_cast %get3A_544 : vector<1x1x16xf32> to vector<16xf32>
        %get3A_546 = arith.constant 0 : i32
        %get3A_547 = arith.index_cast %get3A_546 : i32 to index
        %get3A_548 = arith.index_cast %scan3A_538 : i32 to index
        %get3A_549 = arith.constant 0 : index
        %get3A_550 = tpu.vector_load %arg10[%get3A_547, %get3A_548, %get3A_549] {strides = array<i32>} : memref<2x128x32xf32, #tpu.memory_space<vmem>>, vector<1x1x16xf32>,
        %get3A_551 = vector.shape_cast %get3A_550 : vector<1x1x16xf32> to vector<16xf32>
        %add3A_552 = arith.addf %get3A_545, %get3A_551 : vector<16xf32>
        %get3A_553 = arith.constant 0 : i32
        %get3A_554 = arith.index_cast %get3A_553 : i32 to index
        %get3A_555 = arith.index_cast %scan3A_538 : i32 to index
        %get3A_556 = arith.constant 16 : index
        %get3A_557 = tpu.vector_load %arg9[%get3A_554, %get3A_555, %get3A_556] {strides = array<i32>} : memref<2x128x32xf32, #tpu.memory_space<vmem>>, vector<1x1x16xf32>,
        %get3A_558 = vector.shape_cast %get3A_557 : vector<1x1x16xf32> to vector<16xf32>
        %get3A_559 = arith.constant 0 : i32
        %get3A_560 = arith.index_cast %get3A_559 : i32 to index
        %get3A_561 = arith.index_cast %scan3A_538 : i32 to index
        %get3A_562 = arith.constant 16 : index
        %get3A_563 = tpu.vector_load %arg10[%get3A_560, %get3A_561, %get3A_562] {strides = array<i32>} : memref<2x128x32xf32, #tpu.memory_space<vmem>>, vector<1x1x16xf32>,
        %get3A_564 = vector.shape_cast %get3A_563 : vector<1x1x16xf32> to vector<16xf32>
        %add3A_565 = arith.addf %get3A_558, %get3A_564 : vector<16xf32>
        %mul3A_566 = arith.constant 0.00999999977 : f32
        %mul3A_567 = vector.broadcast %mul3A_566 : f32 to vector<16xf32>
        %mul3A_568 = arith.mulf %add3A_552, %mul3A_567 : vector<16xf32>
        %max3A = arith.maximumf %add3A_552, %mul3A_568 : vector<16xf32>
        %mul3A_569 = arith.constant 0.00999999977 : f32
        %mul3A_570 = vector.broadcast %mul3A_569 : f32 to vector<16xf32>
        %mul3A_571 = arith.mulf %add3A_565, %mul3A_570 : vector<16xf32>
        %max3A_572 = arith.maximumf %add3A_565, %mul3A_571 : vector<16xf32>
        %slice3A = vector.extract_strided_slice %max3A {offsets = [0], sizes = [1], strides = [1]} : vector<16xf32> to vector<1xf32>
        %squeeze3A = vector.extract %slice3A[0] : f32 from vector<1xf32>
        %mul3A_573 = vector.broadcast %squeeze3A : f32 to vector<16xf32>
        %mul3A_574 = arith.mulf %mul3A_573, %get3A_17 : vector<16xf32>
        %add3A_575 = arith.addf %get3A_175, %mul3A_574 : vector<16xf32>
        %slice3A_576 = vector.extract_strided_slice %max3A {offsets = [1], sizes = [1], strides = [1]} : vector<16xf32> to vector<1xf32>
        %squeeze3A_577 = vector.extract %slice3A_576[0] : f32 from vector<1xf32>
        %mul3A_578 = vector.broadcast %squeeze3A_577 : f32 to vector<16xf32>
        %mul3A_579 = arith.mulf %mul3A_578, %get3A_22 : vector<16xf32>
        %add3A_580 = arith.addf %add3A_575, %mul3A_579 : vector<16xf32>
        %slice3A_581 = vector.extract_strided_slice %max3A {offsets = [2], sizes = [1], strides = [1]} : vector<16xf32> to vector<1xf32>
        %squeeze3A_582 = vector.extract %slice3A_581[0] : f32 from vector<1xf32>
        %mul3A_583 = vector.broadcast %squeeze3A_582 : f32 to vector<16xf32>
        %mul3A_584 = arith.mulf %mul3A_583, %get3A_27 : vector<16xf32>
        %add3A_585 = arith.addf %add3A_580, %mul3A_584 : vector<16xf32>
        %slice3A_586 = vector.extract_strided_slice %max3A {offsets = [3], sizes = [1], strides = [1]} : vector<16xf32> to vector<1xf32>
        %squeeze3A_587 = vector.extract %slice3A_586[0] : f32 from vector<1xf32>
        %mul3A_588 = vector.broadcast %squeeze3A_587 : f32 to vector<16xf32>
        %mul3A_589 = arith.mulf %mul3A_588, %get3A_32 : vector<16xf32>
        %add3A_590 = arith.addf %add3A_585, %mul3A_589 : vector<16xf32>
        %slice3A_591 = vector.extract_strided_slice %max3A {offsets = [4], sizes = [1], strides = [1]} : vector<16xf32> to vector<1xf32>
        %squeeze3A_592 = vector.extract %slice3A_591[0] : f32 from vector<1xf32>
        %mul3A_593 = vector.broadcast %squeeze3A_592 : f32 to vector<16xf32>
        %mul3A_594 = arith.mulf %mul3A_593, %get3A_37 : vector<16xf32>
        %add3A_595 = arith.addf %add3A_590, %mul3A_594 : vector<16xf32>
        %slice3A_596 = vector.extract_strided_slice %max3A {offsets = [5], sizes = [1], strides = [1]} : vector<16xf32> to vector<1xf32>
        %squeeze3A_597 = vector.extract %slice3A_596[0] : f32 from vector<1xf32>
        %mul3A_598 = vector.broadcast %squeeze3A_597 : f32 to vector<16xf32>
        %mul3A_599 = arith.mulf %mul3A_598, %get3A_42 : vector<16xf32>
        %add3A_600 = arith.addf %add3A_595, %mul3A_599 : vector<16xf32>
        %slice3A_601 = vector.extract_strided_slice %max3A {offsets = [6], sizes = [1], strides = [1]} : vector<16xf32> to vector<1xf32>
        %squeeze3A_602 = vector.extract %slice3A_601[0] : f32 from vector<1xf32>
        %mul3A_603 = vector.broadcast %squeeze3A_602 : f32 to vector<16xf32>
        %mul3A_604 = arith.mulf %mul3A_603, %get3A_47 : vector<16xf32>
        %add3A_605 = arith.addf %add3A_600, %mul3A_604 : vector<16xf32>
        %slice3A_606 = vector.extract_strided_slice %max3A {offsets = [7], sizes = [1], strides = [1]} : vector<16xf32> to vector<1xf32>
        %squeeze3A_607 = vector.extract %slice3A_606[0] : f32 from vector<1xf32>
        %mul3A_608 = vector.broadcast %squeeze3A_607 : f32 to vector<16xf32>
        %mul3A_609 = arith.mulf %mul3A_608, %get3A_52 : vector<16xf32>
        %add3A_610 = arith.addf %add3A_605, %mul3A_609 : vector<16xf32>
        %slice3A_611 = vector.extract_strided_slice %max3A {offsets = [8], sizes = [1], strides = [1]} : vector<16xf32> to vector<1xf32>
        %squeeze3A_612 = vector.extract %slice3A_611[0] : f32 from vector<1xf32>
        %mul3A_613 = vector.broadcast %squeeze3A_612 : f32 to vector<16xf32>
        %mul3A_614 = arith.mulf %mul3A_613, %get3A_57 : vector<16xf32>
        %add3A_615 = arith.addf %add3A_610, %mul3A_614 : vector<16xf32>
        %slice3A_616 = vector.extract_strided_slice %max3A {offsets = [9], sizes = [1], strides = [1]} : vector<16xf32> to vector<1xf32>
        %squeeze3A_617 = vector.extract %slice3A_616[0] : f32 from vector<1xf32>
        %mul3A_618 = vector.broadcast %squeeze3A_617 : f32 to vector<16xf32>
        %mul3A_619 = arith.mulf %mul3A_618, %get3A_62 : vector<16xf32>
        %add3A_620 = arith.addf %add3A_615, %mul3A_619 : vector<16xf32>
        %slice3A_621 = vector.extract_strided_slice %max3A {offsets = [10], sizes = [1], strides = [1]} : vector<16xf32> to vector<1xf32>
        %squeeze3A_622 = vector.extract %slice3A_621[0] : f32 from vector<1xf32>
        %mul3A_623 = vector.broadcast %squeeze3A_622 : f32 to vector<16xf32>
        %mul3A_624 = arith.mulf %mul3A_623, %get3A_67 : vector<16xf32>
        %add3A_625 = arith.addf %add3A_620, %mul3A_624 : vector<16xf32>
        %slice3A_626 = vector.extract_strided_slice %max3A {offsets = [11], sizes = [1], strides = [1]} : vector<16xf32> to vector<1xf32>
        %squeeze3A_627 = vector.extract %slice3A_626[0] : f32 from vector<1xf32>
        %mul3A_628 = vector.broadcast %squeeze3A_627 : f32 to vector<16xf32>
        %mul3A_629 = arith.mulf %mul3A_628, %get3A_72 : vector<16xf32>
        %add3A_630 = arith.addf %add3A_625, %mul3A_629 : vector<16xf32>
        %slice3A_631 = vector.extract_strided_slice %max3A {offsets = [12], sizes = [1], strides = [1]} : vector<16xf32> to vector<1xf32>
        %squeeze3A_632 = vector.extract %slice3A_631[0] : f32 from vector<1xf32>
        %mul3A_633 = vector.broadcast %squeeze3A_632 : f32 to vector<16xf32>
        %mul3A_634 = arith.mulf %mul3A_633, %get3A_77 : vector<16xf32>
        %add3A_635 = arith.addf %add3A_630, %mul3A_634 : vector<16xf32>
        %slice3A_636 = vector.extract_strided_slice %max3A {offsets = [13], sizes = [1], strides = [1]} : vector<16xf32> to vector<1xf32>
        %squeeze3A_637 = vector.extract %slice3A_636[0] : f32 from vector<1xf32>
        %mul3A_638 = vector.broadcast %squeeze3A_637 : f32 to vector<16xf32>
        %mul3A_639 = arith.mulf %mul3A_638, %get3A_82 : vector<16xf32>
        %add3A_640 = arith.addf %add3A_635, %mul3A_639 : vector<16xf32>
        %slice3A_641 = vector.extract_strided_slice %max3A {offsets = [14], sizes = [1], strides = [1]} : vector<16xf32> to vector<1xf32>
        %squeeze3A_642 = vector.extract %slice3A_641[0] : f32 from vector<1xf32>
        %mul3A_643 = vector.broadcast %squeeze3A_642 : f32 to vector<16xf32>
        %mul3A_644 = arith.mulf %mul3A_643, %get3A_87 : vector<16xf32>
        %add3A_645 = arith.addf %add3A_640, %mul3A_644 : vector<16xf32>
        %slice3A_646 = vector.extract_strided_slice %max3A {offsets = [15], sizes = [1], strides = [1]} : vector<16xf32> to vector<1xf32>
        %squeeze3A_647 = vector.extract %slice3A_646[0] : f32 from vector<1xf32>
        %mul3A_648 = vector.broadcast %squeeze3A_647 : f32 to vector<16xf32>
        %mul3A_649 = arith.mulf %mul3A_648, %get3A_92 : vector<16xf32>
        %add3A_650 = arith.addf %add3A_645, %mul3A_649 : vector<16xf32>
        %slice3A_651 = vector.extract_strided_slice %max3A_572 {offsets = [0], sizes = [1], strides = [1]} : vector<16xf32> to vector<1xf32>
        %squeeze3A_652 = vector.extract %slice3A_651[0] : f32 from vector<1xf32>
        %mul3A_653 = vector.broadcast %squeeze3A_652 : f32 to vector<16xf32>
        %mul3A_654 = arith.mulf %mul3A_653, %get3A_97 : vector<16xf32>
        %add3A_655 = arith.addf %add3A_650, %mul3A_654 : vector<16xf32>
        %slice3A_656 = vector.extract_strided_slice %max3A_572 {offsets = [1], sizes = [1], strides = [1]} : vector<16xf32> to vector<1xf32>
        %squeeze3A_657 = vector.extract %slice3A_656[0] : f32 from vector<1xf32>
        %mul3A_658 = vector.broadcast %squeeze3A_657 : f32 to vector<16xf32>
        %mul3A_659 = arith.mulf %mul3A_658, %get3A_102 : vector<16xf32>
        %add3A_660 = arith.addf %add3A_655, %mul3A_659 : vector<16xf32>
        %slice3A_661 = vector.extract_strided_slice %max3A_572 {offsets = [2], sizes = [1], strides = [1]} : vector<16xf32> to vector<1xf32>
        %squeeze3A_662 = vector.extract %slice3A_661[0] : f32 from vector<1xf32>
        %mul3A_663 = vector.broadcast %squeeze3A_662 : f32 to vector<16xf32>
        %mul3A_664 = arith.mulf %mul3A_663, %get3A_107 : vector<16xf32>
        %add3A_665 = arith.addf %add3A_660, %mul3A_664 : vector<16xf32>
        %slice3A_666 = vector.extract_strided_slice %max3A_572 {offsets = [3], sizes = [1], strides = [1]} : vector<16xf32> to vector<1xf32>
        %squeeze3A_667 = vector.extract %slice3A_666[0] : f32 from vector<1xf32>
        %mul3A_668 = vector.broadcast %squeeze3A_667 : f32 to vector<16xf32>
        %mul3A_669 = arith.mulf %mul3A_668, %get3A_112 : vector<16xf32>
        %add3A_670 = arith.addf %add3A_665, %mul3A_669 : vector<16xf32>
        %slice3A_671 = vector.extract_strided_slice %max3A_572 {offsets = [4], sizes = [1], strides = [1]} : vector<16xf32> to vector<1xf32>
        %squeeze3A_672 = vector.extract %slice3A_671[0] : f32 from vector<1xf32>
        %mul3A_673 = vector.broadcast %squeeze3A_672 : f32 to vector<16xf32>
        %mul3A_674 = arith.mulf %mul3A_673, %get3A_117 : vector<16xf32>
        %add3A_675 = arith.addf %add3A_670, %mul3A_674 : vector<16xf32>
        %slice3A_676 = vector.extract_strided_slice %max3A_572 {offsets = [5], sizes = [1], strides = [1]} : vector<16xf32> to vector<1xf32>
        %squeeze3A_677 = vector.extract %slice3A_676[0] : f32 from vector<1xf32>
        %mul3A_678 = vector.broadcast %squeeze3A_677 : f32 to vector<16xf32>
        %mul3A_679 = arith.mulf %mul3A_678, %get3A_122 : vector<16xf32>
        %add3A_680 = arith.addf %add3A_675, %mul3A_679 : vector<16xf32>
        %slice3A_681 = vector.extract_strided_slice %max3A_572 {offsets = [6], sizes = [1], strides = [1]} : vector<16xf32> to vector<1xf32>
        %squeeze3A_682 = vector.extract %slice3A_681[0] : f32 from vector<1xf32>
        %mul3A_683 = vector.broadcast %squeeze3A_682 : f32 to vector<16xf32>
        %mul3A_684 = arith.mulf %mul3A_683, %get3A_127 : vector<16xf32>
        %add3A_685 = arith.addf %add3A_680, %mul3A_684 : vector<16xf32>
        %slice3A_686 = vector.extract_strided_slice %max3A_572 {offsets = [7], sizes = [1], strides = [1]} : vector<16xf32> to vector<1xf32>
        %squeeze3A_687 = vector.extract %slice3A_686[0] : f32 from vector<1xf32>
        %mul3A_688 = vector.broadcast %squeeze3A_687 : f32 to vector<16xf32>
        %mul3A_689 = arith.mulf %mul3A_688, %get3A_132 : vector<16xf32>
        %add3A_690 = arith.addf %add3A_685, %mul3A_689 : vector<16xf32>
        %slice3A_691 = vector.extract_strided_slice %max3A_572 {offsets = [8], sizes = [1], strides = [1]} : vector<16xf32> to vector<1xf32>
        %squeeze3A_692 = vector.extract %slice3A_691[0] : f32 from vector<1xf32>
        %mul3A_693 = vector.broadcast %squeeze3A_692 : f32 to vector<16xf32>
        %mul3A_694 = arith.mulf %mul3A_693, %get3A_137 : vector<16xf32>
        %add3A_695 = arith.addf %add3A_690, %mul3A_694 : vector<16xf32>
        %slice3A_696 = vector.extract_strided_slice %max3A_572 {offsets = [9], sizes = [1], strides = [1]} : vector<16xf32> to vector<1xf32>
        %squeeze3A_697 = vector.extract %slice3A_696[0] : f32 from vector<1xf32>
        %mul3A_698 = vector.broadcast %squeeze3A_697 : f32 to vector<16xf32>
        %mul3A_699 = arith.mulf %mul3A_698, %get3A_142 : vector<16xf32>
        %add3A_700 = arith.addf %add3A_695, %mul3A_699 : vector<16xf32>
        %slice3A_701 = vector.extract_strided_slice %max3A_572 {offsets = [10], sizes = [1], strides = [1]} : vector<16xf32> to vector<1xf32>
        %squeeze3A_702 = vector.extract %slice3A_701[0] : f32 from vector<1xf32>
        %mul3A_703 = vector.broadcast %squeeze3A_702 : f32 to vector<16xf32>
        %mul3A_704 = arith.mulf %mul3A_703, %get3A_147 : vector<16xf32>
        %add3A_705 = arith.addf %add3A_700, %mul3A_704 : vector<16xf32>
        %slice3A_706 = vector.extract_strided_slice %max3A_572 {offsets = [11], sizes = [1], strides = [1]} : vector<16xf32> to vector<1xf32>
        %squeeze3A_707 = vector.extract %slice3A_706[0] : f32 from vector<1xf32>
        %mul3A_708 = vector.broadcast %squeeze3A_707 : f32 to vector<16xf32>
        %mul3A_709 = arith.mulf %mul3A_708, %get3A_152 : vector<16xf32>
        %add3A_710 = arith.addf %add3A_705, %mul3A_709 : vector<16xf32>
        %slice3A_711 = vector.extract_strided_slice %max3A_572 {offsets = [12], sizes = [1], strides = [1]} : vector<16xf32> to vector<1xf32>
        %squeeze3A_712 = vector.extract %slice3A_711[0] : f32 from vector<1xf32>
        %mul3A_713 = vector.broadcast %squeeze3A_712 : f32 to vector<16xf32>
        %mul3A_714 = arith.mulf %mul3A_713, %get3A_157 : vector<16xf32>
        %add3A_715 = arith.addf %add3A_710, %mul3A_714 : vector<16xf32>
        %slice3A_716 = vector.extract_strided_slice %max3A_572 {offsets = [13], sizes = [1], strides = [1]} : vector<16xf32> to vector<1xf32>
        %squeeze3A_717 = vector.extract %slice3A_716[0] : f32 from vector<1xf32>
        %mul3A_718 = vector.broadcast %squeeze3A_717 : f32 to vector<16xf32>
        %mul3A_719 = arith.mulf %mul3A_718, %get3A_162 : vector<16xf32>
        %add3A_720 = arith.addf %add3A_715, %mul3A_719 : vector<16xf32>
        %slice3A_721 = vector.extract_strided_slice %max3A_572 {offsets = [14], sizes = [1], strides = [1]} : vector<16xf32> to vector<1xf32>
        %squeeze3A_722 = vector.extract %slice3A_721[0] : f32 from vector<1xf32>
        %mul3A_723 = vector.broadcast %squeeze3A_722 : f32 to vector<16xf32>
        %mul3A_724 = arith.mulf %mul3A_723, %get3A_167 : vector<16xf32>
        %add3A_725 = arith.addf %add3A_720, %mul3A_724 : vector<16xf32>
        %slice3A_726 = vector.extract_strided_slice %max3A_572 {offsets = [15], sizes = [1], strides = [1]} : vector<16xf32> to vector<1xf32>
        %squeeze3A_727 = vector.extract %slice3A_726[0] : f32 from vector<1xf32>
        %mul3A_728 = vector.broadcast %squeeze3A_727 : f32 to vector<16xf32>
        %mul3A_729 = arith.mulf %mul3A_728, %get3A_172 : vector<16xf32>
        %add3A_730 = arith.addf %add3A_725, %mul3A_729 : vector<16xf32>
        %abs3A = math.absf %add3A_730 : vector<16xf32>
        %mul3A_731 = arith.constant -2.000000e+00 : f32
        %mul3A_732 = vector.broadcast %mul3A_731 : f32 to vector<16xf32>
        %mul3A_733 = arith.mulf %mul3A_732, %abs3A : vector<16xf32>
        %exp3A = math.exp %mul3A_733 : vector<16xf32>
        %sub3A = arith.constant 1.000000e+00 : f32
        %sub3A_734 = vector.broadcast %sub3A : f32 to vector<16xf32>
        %sub3A_735 = arith.subf %sub3A_734, %exp3A : vector<16xf32>
        %add3A_736 = arith.constant 1.000000e+00 : f32
        %add3A_737 = vector.broadcast %add3A_736 : f32 to vector<16xf32>
        %add3A_738 = arith.addf %add3A_737, %exp3A : vector<16xf32>
        %div3A = arith.divf %sub3A_735, %add3A_738 : vector<16xf32>
        %lt3A_739 = arith.constant 0.000000e+00 : f32
        %lt3A_740 = vector.broadcast %lt3A_739 : f32 to vector<16xf32>
        %lt3A_741 = arith.cmpf olt, %add3A_730, %lt3A_740 : vector<16xf32>
        %neg3A = arith.constant 0.000000e+00 : f32
        %neg3A_742 = vector.broadcast %neg3A : f32 to vector<16xf32>
        %neg3A_743 = arith.subf %neg3A_742, %div3A : vector<16xf32>
        %select_n3A = arith.select %lt3A_741, %neg3A_743, %div3A : vector<16xi1>, vector<16xf32>
        %swap3A = arith.constant 0 : i32
        %swap3A_744 = arith.index_cast %swap3A : i32 to index
        %swap3A_745 = arith.index_cast %scan3A_538 : i32 to index
        %swap3A_746 = arith.constant 0 : index
        %swap3A_747 = tpu.vector_load %arg11[%swap3A_744, %swap3A_745, %swap3A_746] {strides = array<i32>} : memref<2x128x16xf32, #tpu.memory_space<vmem>>, vector<1x1x16xf32>,
        %swap3A_748 = vector.shape_cast %swap3A_747 : vector<1x1x16xf32> to vector<16xf32>
        %swap3A_749 = vector.shape_cast %select_n3A : vector<16xf32> to vector<1x1x16xf32>
        tpu.vector_store %arg11[%swap3A_744, %swap3A_745, %swap3A_746], %swap3A_749 {strides = array<i32>} : memref<2x128x16xf32, #tpu.memory_space<vmem>>, vector<1x1x16xf32>,
        %scan3A_750 = arith.constant 0 : i32
        scf.yield %scan3A_750 : i32
      }
      %scan3A_315 = arith.constant 128 : i32
      %dma_start3A_316 = arith.constant 0 : i32
      %dma_start3A_317 = arith.constant 0 : i32
      %dma_start3A_318 = arith.constant 1 : i32
      %dma_start3A_319 = arith.constant 0 : i32
      %dma_start3A_320 = arith.constant 0 : i32
      %dma_start3A_321 = tpu.memref_slice %arg11[%dma_start3A_316, %dma_start3A_319, %dma_start3A_320] : memref<2x128x16xf32, #tpu.memory_space<vmem>> -> memref<1x128x16xf32, #tpu.memory_space<vmem>>
      %dma_start3A_322 = tpu.memref_squeeze %dma_start3A_321 : memref<1x128x16xf32, #tpu.memory_space<vmem>> -> memref<128x16xf32, #tpu.memory_space<vmem>>
      %dma_start3A_323 = arith.constant 0 : i32
      %dma_start3A_324 = tpu.memref_slice %arg8[%dma_start3A_317, %dma_start3A_318, %dma_start3A_323] : memref<4x2x128xi32, #tpu.memory_space<vmem>> -> memref<1x1x128xi32, #tpu.memory_space<vmem>>
      %dma_start3A_325 = tpu.memref_squeeze %dma_start3A_324 : memref<1x1x128xi32, #tpu.memory_space<vmem>> -> memref<128xi32, #tpu.memory_space<vmem>>
      %dma_start3A_326 = arith.constant 0 : i32
      %dma_start3A_327 = arith.constant 0 : i32
      %dma_start3A_328 = tpu.memref_slice %arg14[%dma_start3A_326, %dma_start3A_327] : memref<100352x16xf32, #tpu.memory_space<vmem_shared>> -> memref<100352x16xf32, #tpu.memory_space<vmem_shared>>
      tpu.enqueue_indirect_dma source(%dma_start3A_322 : memref<128x16xf32, #tpu.memory_space<vmem>>) target(%dma_start3A_328 : memref<100352x16xf32, #tpu.memory_space<vmem_shared>>) offsets(%dma_start3A_325 : memref<128xi32, #tpu.memory_space<vmem>>) semaphore(%arg19 : memref<!tpu.dma_semaphore, #tpu.memory_space<semaphore_mem>>) {add = true}
      %add3A_329 = arith.constant 2 : i32
      %add3A_330 = arith.addi %add3A_272, %add3A_329 : i32
      %lt3A_331 = arith.constant 392 : i32
      %lt3A_332 = arith.cmpi slt, %add3A_330, %lt3A_331 : i32
      %convert_element_type3A_333 = arith.extui %lt3A_332 : i1 to i32
      %cond3A_334 = arith.constant 0 : i32
      %cond3A_335 = arith.cmpi ne, %convert_element_type3A_333, %cond3A_334 : i32
      scf.if %cond3A_335 {
        %add3A_538 = arith.constant 2 : i32
        %add3A_539 = arith.addi %add3A_272, %add3A_538 : i32
        %dma_wait3A_540 = arith.constant 2 : i32
        %dma_wait3A_541 = arith.constant 0 : i32
        %dma_wait3A_542 = arith.constant 0 : i32
        %dma_wait3A_543 = tpu.memref_slice %arg8[%dma_wait3A_540, %dma_wait3A_541, %dma_wait3A_542] : memref<4x2x128xi32, #tpu.memory_space<vmem>> -> memref<1x2x128xi32, #tpu.memory_space<vmem>>
        %dma_wait3A_544 = tpu.memref_squeeze %dma_wait3A_543 : memref<1x2x128xi32, #tpu.memory_space<vmem>> -> memref<2x128xi32, #tpu.memory_space<vmem>>
        %dma_wait3A_545 = arith.constant 0 : i32
        %dma_wait3A_546 = arith.constant 0 : i32
        %dma_wait3A_547 = tpu.memref_slice %arg4[%add3A, %add3A_539, %dma_wait3A_545, %dma_wait3A_546] : memref<32x392x2x128xi32, #tpu.memory_space<hbm>> -> memref<1x1x2x128xi32, #tpu.memory_space<hbm>>
        %dma_wait3A_548 = tpu.memref_squeeze %dma_wait3A_547 : memref<1x1x2x128xi32, #tpu.memory_space<hbm>> -> memref<2x128xi32, #tpu.memory_space<hbm>>
        %dma_wait3A_549 = arith.constant 0 : i32
        %dma_wait3A_550 = arith.constant 0 : i32
        %dma_wait3A_551 = tpu.memref_slice %arg8[%dma_wait3A_540, %dma_wait3A_549, %dma_wait3A_550] : memref<4x2x128xi32, #tpu.memory_space<vmem>> -> memref<1x2x128xi32, #tpu.memory_space<vmem>>
        %dma_wait3A_552 = tpu.memref_squeeze %dma_wait3A_551 : memref<1x2x128xi32, #tpu.memory_space<vmem>> -> memref<2x128xi32, #tpu.memory_space<vmem>>
        %dma_wait3A_553 = arith.constant 0 : i32
        %dma_wait3A_554 = arith.constant 0 : i32
        %dma_wait3A_555 = tpu.memref_slice %arg4[%add3A, %add3A_539, %dma_wait3A_553, %dma_wait3A_554] : memref<32x392x2x128xi32, #tpu.memory_space<hbm>> -> memref<1x1x2x128xi32, #tpu.memory_space<hbm>>
        %dma_wait3A_556 = tpu.memref_squeeze %dma_wait3A_555 : memref<1x1x2x128xi32, #tpu.memory_space<hbm>> -> memref<2x128xi32, #tpu.memory_space<hbm>>
        tpu.wait_dma2 semaphore(%arg21 : memref<!tpu.dma_semaphore, #tpu.memory_space<semaphore_mem>>) src(%dma_wait3A_556 : memref<2x128xi32, #tpu.memory_space<hbm>>) dst(%dma_wait3A_552 : memref<2x128xi32, #tpu.memory_space<vmem>>)
        %dma_start3A_557 = arith.constant 2 : i32
        %dma_start3A_558 = arith.constant 0 : i32
        %dma_start3A_559 = arith.constant 0 : i32
        %dma_start3A_560 = arith.constant 0 : i32
        %dma_start3A_561 = arith.constant 0 : i32
        %dma_start3A_562 = tpu.memref_slice %arg9[%dma_start3A_559, %dma_start3A_560, %dma_start3A_561] : memref<2x128x32xf32, #tpu.memory_space<vmem>> -> memref<1x128x32xf32, #tpu.memory_space<vmem>>
        %dma_start3A_563 = tpu.memref_squeeze %dma_start3A_562 : memref<1x128x32xf32, #tpu.memory_space<vmem>> -> memref<128x32xf32, #tpu.memory_space<vmem>>
        %dma_start3A_564 = arith.constant 0 : i32
        %dma_start3A_565 = tpu.memref_slice %arg8[%dma_start3A_557, %dma_start3A_558, %dma_start3A_564] : memref<4x2x128xi32, #tpu.memory_space<vmem>> -> memref<1x1x128xi32, #tpu.memory_space<vmem>>
        %dma_start3A_566 = tpu.memref_squeeze %dma_start3A_565 : memref<1x1x128xi32, #tpu.memory_space<vmem>> -> memref<128xi32, #tpu.memory_space<vmem>>
        %dma_start3A_567 = arith.constant 0 : i32
        %dma_start3A_568 = arith.constant 0 : i32
        %dma_start3A_569 = tpu.memref_slice %arg2[%dma_start3A_567, %dma_start3A_568] : memref<100000x32xf32, #tpu.memory_space<hbm>> -> memref<100000x32xf32, #tpu.memory_space<hbm>>
        tpu.enqueue_indirect_dma source(%dma_start3A_569 : memref<100000x32xf32, #tpu.memory_space<hbm>>) target(%dma_start3A_563 : memref<128x32xf32, #tpu.memory_space<vmem>>) offsets(%dma_start3A_566 : memref<128xi32, #tpu.memory_space<vmem>>) semaphore(%arg15 : memref<!tpu.dma_semaphore, #tpu.memory_space<semaphore_mem>>)
        %dma_start3A_570 = arith.constant 2 : i32
        %dma_start3A_571 = arith.constant 1 : i32
        %dma_start3A_572 = arith.constant 0 : i32
        %dma_start3A_573 = arith.constant 0 : i32
        %dma_start3A_574 = arith.constant 0 : i32
        %dma_start3A_575 = tpu.memref_slice %arg10[%dma_start3A_572, %dma_start3A_573, %dma_start3A_574] : memref<2x128x32xf32, #tpu.memory_space<vmem>> -> memref<1x128x32xf32, #tpu.memory_space<vmem>>
        %dma_start3A_576 = tpu.memref_squeeze %dma_start3A_575 : memref<1x128x32xf32, #tpu.memory_space<vmem>> -> memref<128x32xf32, #tpu.memory_space<vmem>>
        %dma_start3A_577 = arith.constant 0 : i32
        %dma_start3A_578 = tpu.memref_slice %arg8[%dma_start3A_570, %dma_start3A_571, %dma_start3A_577] : memref<4x2x128xi32, #tpu.memory_space<vmem>> -> memref<1x1x128xi32, #tpu.memory_space<vmem>>
        %dma_start3A_579 = tpu.memref_squeeze %dma_start3A_578 : memref<1x1x128xi32, #tpu.memory_space<vmem>> -> memref<128xi32, #tpu.memory_space<vmem>>
        %dma_start3A_580 = arith.constant 0 : i32
        %dma_start3A_581 = arith.constant 0 : i32
        %dma_start3A_582 = tpu.memref_slice %arg3[%dma_start3A_580, %dma_start3A_581] : memref<100000x32xf32, #tpu.memory_space<hbm>> -> memref<100000x32xf32, #tpu.memory_space<hbm>>
        tpu.enqueue_indirect_dma source(%dma_start3A_582 : memref<100000x32xf32, #tpu.memory_space<hbm>>) target(%dma_start3A_576 : memref<128x32xf32, #tpu.memory_space<vmem>>) offsets(%dma_start3A_579 : memref<128xi32, #tpu.memory_space<vmem>>) semaphore(%arg17 : memref<!tpu.dma_semaphore, #tpu.memory_space<semaphore_mem>>)
      } else {
      }
      %add3A_336 = arith.constant 1 : i32
      %add3A_337 = arith.addi %mul3A_270, %add3A_336 : i32
      %dma_wait3A_338 = arith.constant 1 : i32
      %dma_wait3A_339 = arith.constant 0 : i32
      %dma_wait3A_340 = arith.constant 1 : i32
      %dma_wait3A_341 = arith.constant 0 : i32
      %dma_wait3A_342 = arith.constant 0 : i32
      %dma_wait3A_343 = tpu.memref_slice %arg9[%dma_wait3A_340, %dma_wait3A_341, %dma_wait3A_342] : memref<2x128x32xf32, #tpu.memory_space<vmem>> -> memref<1x128x32xf32, #tpu.memory_space<vmem>>
      %dma_wait3A_344 = tpu.memref_squeeze %dma_wait3A_343 : memref<1x128x32xf32, #tpu.memory_space<vmem>> -> memref<128x32xf32, #tpu.memory_space<vmem>>
      %dma_wait3A_345 = arith.constant 0 : i32
      %dma_wait3A_346 = tpu.memref_slice %arg8[%dma_wait3A_338, %dma_wait3A_339, %dma_wait3A_345] : memref<4x2x128xi32, #tpu.memory_space<vmem>> -> memref<1x1x128xi32, #tpu.memory_space<vmem>>
      %dma_wait3A_347 = tpu.memref_squeeze %dma_wait3A_346 : memref<1x1x128xi32, #tpu.memory_space<vmem>> -> memref<128xi32, #tpu.memory_space<vmem>>
      %dma_wait3A_348 = arith.constant 0 : i32
      %dma_wait3A_349 = arith.constant 0 : i32
      %dma_wait3A_350 = tpu.memref_slice %arg2[%dma_wait3A_348, %dma_wait3A_349] : memref<100000x32xf32, #tpu.memory_space<hbm>> -> memref<100000x32xf32, #tpu.memory_space<hbm>>
      tpu.wait_indirect_dma semaphore(%arg16 : memref<!tpu.dma_semaphore, #tpu.memory_space<semaphore_mem>>) src(%dma_wait3A_350 : memref<100000x32xf32, #tpu.memory_space<hbm>>) dst(%dma_wait3A_344 : memref<128x32xf32, #tpu.memory_space<vmem>>)
      %dma_wait3A_351 = arith.constant 1 : i32
      %dma_wait3A_352 = arith.constant 1 : i32
      %dma_wait3A_353 = arith.constant 1 : i32
      %dma_wait3A_354 = arith.constant 0 : i32
      %dma_wait3A_355 = arith.constant 0 : i32
      %dma_wait3A_356 = tpu.memref_slice %arg10[%dma_wait3A_353, %dma_wait3A_354, %dma_wait3A_355] : memref<2x128x32xf32, #tpu.memory_space<vmem>> -> memref<1x128x32xf32, #tpu.memory_space<vmem>>
      %dma_wait3A_357 = tpu.memref_squeeze %dma_wait3A_356 : memref<1x128x32xf32, #tpu.memory_space<vmem>> -> memref<128x32xf32, #tpu.memory_space<vmem>>
      %dma_wait3A_358 = arith.constant 0 : i32
      %dma_wait3A_359 = tpu.memref_slice %arg8[%dma_wait3A_351, %dma_wait3A_352, %dma_wait3A_358] : memref<4x2x128xi32, #tpu.memory_space<vmem>> -> memref<1x1x128xi32, #tpu.memory_space<vmem>>
      %dma_wait3A_360 = tpu.memref_squeeze %dma_wait3A_359 : memref<1x1x128xi32, #tpu.memory_space<vmem>> -> memref<128xi32, #tpu.memory_space<vmem>>
      %dma_wait3A_361 = arith.constant 0 : i32
      %dma_wait3A_362 = arith.constant 0 : i32
      %dma_wait3A_363 = tpu.memref_slice %arg3[%dma_wait3A_361, %dma_wait3A_362] : memref<100000x32xf32, #tpu.memory_space<hbm>> -> memref<100000x32xf32, #tpu.memory_space<hbm>>
      tpu.wait_indirect_dma semaphore(%arg18 : memref<!tpu.dma_semaphore, #tpu.memory_space<semaphore_mem>>) src(%dma_wait3A_363 : memref<100000x32xf32, #tpu.memory_space<hbm>>) dst(%dma_wait3A_357 : memref<128x32xf32, #tpu.memory_space<vmem>>)
      %ge3A_364 = arith.constant 2 : i32
      %ge3A_365 = arith.cmpi sge, %add3A_337, %ge3A_364 : i32
      %convert_element_type3A_366 = arith.extui %ge3A_365 : i1 to i32
      %cond3A_367 = arith.constant 0 : i32
      %cond3A_368 = arith.cmpi ne, %convert_element_type3A_366, %cond3A_367 : i32
      scf.if %cond3A_368 {
        %dma_wait3A_538 = arith.constant 1 : i32
        %dma_wait3A_539 = arith.constant 1 : i32
        %dma_wait3A_540 = arith.constant 1 : i32
        %dma_wait3A_541 = arith.constant 0 : i32
        %dma_wait3A_542 = arith.constant 0 : i32
        %dma_wait3A_543 = tpu.memref_slice %arg11[%dma_wait3A_538, %dma_wait3A_541, %dma_wait3A_542] : memref<2x128x16xf32, #tpu.memory_space<vmem>> -> memref<1x128x16xf32, #tpu.memory_space<vmem>>
        %dma_wait3A_544 = tpu.memref_squeeze %dma_wait3A_543 : memref<1x128x16xf32, #tpu.memory_space<vmem>> -> memref<128x16xf32, #tpu.memory_space<vmem>>
        %dma_wait3A_545 = arith.constant 0 : i32
        %dma_wait3A_546 = tpu.memref_slice %arg8[%dma_wait3A_539, %dma_wait3A_540, %dma_wait3A_545] : memref<4x2x128xi32, #tpu.memory_space<vmem>> -> memref<1x1x128xi32, #tpu.memory_space<vmem>>
        %dma_wait3A_547 = tpu.memref_squeeze %dma_wait3A_546 : memref<1x1x128xi32, #tpu.memory_space<vmem>> -> memref<128xi32, #tpu.memory_space<vmem>>
        %dma_wait3A_548 = arith.constant 0 : i32
        %dma_wait3A_549 = arith.constant 0 : i32
        %dma_wait3A_550 = tpu.memref_slice %arg14[%dma_wait3A_548, %dma_wait3A_549] : memref<100352x16xf32, #tpu.memory_space<vmem_shared>> -> memref<100352x16xf32, #tpu.memory_space<vmem_shared>>
        tpu.wait_indirect_dma semaphore(%arg20 : memref<!tpu.dma_semaphore, #tpu.memory_space<semaphore_mem>>) src(%dma_wait3A_544 : memref<128x16xf32, #tpu.memory_space<vmem>>) dst(%dma_wait3A_550 : memref<100352x16xf32, #tpu.memory_space<vmem_shared>>)
      } else {
      }
      %add3A_369 = arith.constant 2 : i32
      %add3A_370 = arith.addi %add3A_337, %add3A_369 : i32
      %lt3A_371 = arith.constant 392 : i32
      %lt3A_372 = arith.cmpi slt, %add3A_370, %lt3A_371 : i32
      %convert_element_type3A_373 = arith.extui %lt3A_372 : i1 to i32
      %cond3A_374 = arith.constant 0 : i32
      %cond3A_375 = arith.cmpi ne, %convert_element_type3A_373, %cond3A_374 : i32
      scf.if %cond3A_375 {
        %add3A_538 = arith.constant 2 : i32
        %add3A_539 = arith.addi %add3A_337, %add3A_538 : i32
        %dma_start3A_540 = arith.constant 3 : i32
        %dma_start3A_541 = arith.constant 0 : i32
        %dma_start3A_542 = arith.constant 0 : i32
        %dma_start3A_543 = tpu.memref_slice %arg8[%dma_start3A_540, %dma_start3A_541, %dma_start3A_542] : memref<4x2x128xi32, #tpu.memory_space<vmem>> -> memref<1x2x128xi32, #tpu.memory_space<vmem>>
        %dma_start3A_544 = tpu.memref_squeeze %dma_start3A_543 : memref<1x2x128xi32, #tpu.memory_space<vmem>> -> memref<2x128xi32, #tpu.memory_space<vmem>>
        %dma_start3A_545 = arith.constant 0 : i32
        %dma_start3A_546 = arith.constant 0 : i32
        %dma_start3A_547 = tpu.memref_slice %arg4[%add3A, %add3A_539, %dma_start3A_545, %dma_start3A_546] : memref<32x392x2x128xi32, #tpu.memory_space<hbm>> -> memref<1x1x2x128xi32, #tpu.memory_space<hbm>>
        %dma_start3A_548 = tpu.memref_squeeze %dma_start3A_547 : memref<1x1x2x128xi32, #tpu.memory_space<hbm>> -> memref<2x128xi32, #tpu.memory_space<hbm>>
        %dma_start3A_549 = arith.constant 0 : i32
        %dma_start3A_550 = arith.constant 0 : i32
        %dma_start3A_551 = tpu.memref_slice %arg8[%dma_start3A_540, %dma_start3A_549, %dma_start3A_550] : memref<4x2x128xi32, #tpu.memory_space<vmem>> -> memref<1x2x128xi32, #tpu.memory_space<vmem>>
        %dma_start3A_552 = tpu.memref_squeeze %dma_start3A_551 : memref<1x2x128xi32, #tpu.memory_space<vmem>> -> memref<2x128xi32, #tpu.memory_space<vmem>>
        %dma_start3A_553 = arith.constant 0 : i32
        %dma_start3A_554 = arith.constant 0 : i32
        %dma_start3A_555 = tpu.memref_slice %arg4[%add3A, %add3A_539, %dma_start3A_553, %dma_start3A_554] : memref<32x392x2x128xi32, #tpu.memory_space<hbm>> -> memref<1x1x2x128xi32, #tpu.memory_space<hbm>>
        %dma_start3A_556 = tpu.memref_squeeze %dma_start3A_555 : memref<1x1x2x128xi32, #tpu.memory_space<hbm>> -> memref<2x128xi32, #tpu.memory_space<hbm>>
        tpu.enqueue_dma source(%dma_start3A_556 : memref<2x128xi32, #tpu.memory_space<hbm>>) target(%dma_start3A_552 : memref<2x128xi32, #tpu.memory_space<vmem>>) target_semaphore(%arg22 : memref<!tpu.dma_semaphore, #tpu.memory_space<semaphore_mem>>)
      } else {
      }
      %scan3A_376 = arith.constant 0 : i32
      %scan3A_377 = arith.constant 0 : i32
      %scan3A_378 = arith.constant 128 : i32
      %scan3A_379 = arith.addi %scan3A_377, %scan3A_378 : i32
      %scan3A_380 = arith.constant 1 : i32
      %scan3A_381 = scf.for %scan3A_538 = %scan3A_377 to %scan3A_379 step %scan3A_380 iter_args(%scan3A_539 = %scan3A_376) -> (i32)  : i32 {
        %get3A_540 = arith.constant 1 : i32
        %get3A_541 = arith.index_cast %get3A_540 : i32 to index
        %get3A_542 = arith.index_cast %scan3A_538 : i32 to index
        %get3A_543 = arith.constant 0 : index
        %get3A_544 = tpu.vector_load %arg9[%get3A_541, %get3A_542, %get3A_543] {strides = array<i32>} : memref<2x128x32xf32, #tpu.memory_space<vmem>>, vector<1x1x16xf32>,
        %get3A_545 = vector.shape_cast %get3A_544 : vector<1x1x16xf32> to vector<16xf32>
        %get3A_546 = arith.constant 1 : i32
        %get3A_547 = arith.index_cast %get3A_546 : i32 to index
        %get3A_548 = arith.index_cast %scan3A_538 : i32 to index
        %get3A_549 = arith.constant 0 : index
        %get3A_550 = tpu.vector_load %arg10[%get3A_547, %get3A_548, %get3A_549] {strides = array<i32>} : memref<2x128x32xf32, #tpu.memory_space<vmem>>, vector<1x1x16xf32>,
        %get3A_551 = vector.shape_cast %get3A_550 : vector<1x1x16xf32> to vector<16xf32>
        %add3A_552 = arith.addf %get3A_545, %get3A_551 : vector<16xf32>
        %get3A_553 = arith.constant 1 : i32
        %get3A_554 = arith.index_cast %get3A_553 : i32 to index
        %get3A_555 = arith.index_cast %scan3A_538 : i32 to index
        %get3A_556 = arith.constant 16 : index
        %get3A_557 = tpu.vector_load %arg9[%get3A_554, %get3A_555, %get3A_556] {strides = array<i32>} : memref<2x128x32xf32, #tpu.memory_space<vmem>>, vector<1x1x16xf32>,
        %get3A_558 = vector.shape_cast %get3A_557 : vector<1x1x16xf32> to vector<16xf32>
        %get3A_559 = arith.constant 1 : i32
        %get3A_560 = arith.index_cast %get3A_559 : i32 to index
        %get3A_561 = arith.index_cast %scan3A_538 : i32 to index
        %get3A_562 = arith.constant 16 : index
        %get3A_563 = tpu.vector_load %arg10[%get3A_560, %get3A_561, %get3A_562] {strides = array<i32>} : memref<2x128x32xf32, #tpu.memory_space<vmem>>, vector<1x1x16xf32>,
        %get3A_564 = vector.shape_cast %get3A_563 : vector<1x1x16xf32> to vector<16xf32>
        %add3A_565 = arith.addf %get3A_558, %get3A_564 : vector<16xf32>
        %mul3A_566 = arith.constant 0.00999999977 : f32
        %mul3A_567 = vector.broadcast %mul3A_566 : f32 to vector<16xf32>
        %mul3A_568 = arith.mulf %add3A_552, %mul3A_567 : vector<16xf32>
        %max3A = arith.maximumf %add3A_552, %mul3A_568 : vector<16xf32>
        %mul3A_569 = arith.constant 0.00999999977 : f32
        %mul3A_570 = vector.broadcast %mul3A_569 : f32 to vector<16xf32>
        %mul3A_571 = arith.mulf %add3A_565, %mul3A_570 : vector<16xf32>
        %max3A_572 = arith.maximumf %add3A_565, %mul3A_571 : vector<16xf32>
        %slice3A = vector.extract_strided_slice %max3A {offsets = [0], sizes = [1], strides = [1]} : vector<16xf32> to vector<1xf32>
        %squeeze3A = vector.extract %slice3A[0] : f32 from vector<1xf32>
        %mul3A_573 = vector.broadcast %squeeze3A : f32 to vector<16xf32>
        %mul3A_574 = arith.mulf %mul3A_573, %get3A_17 : vector<16xf32>
        %add3A_575 = arith.addf %get3A_175, %mul3A_574 : vector<16xf32>
        %slice3A_576 = vector.extract_strided_slice %max3A {offsets = [1], sizes = [1], strides = [1]} : vector<16xf32> to vector<1xf32>
        %squeeze3A_577 = vector.extract %slice3A_576[0] : f32 from vector<1xf32>
        %mul3A_578 = vector.broadcast %squeeze3A_577 : f32 to vector<16xf32>
        %mul3A_579 = arith.mulf %mul3A_578, %get3A_22 : vector<16xf32>
        %add3A_580 = arith.addf %add3A_575, %mul3A_579 : vector<16xf32>
        %slice3A_581 = vector.extract_strided_slice %max3A {offsets = [2], sizes = [1], strides = [1]} : vector<16xf32> to vector<1xf32>
        %squeeze3A_582 = vector.extract %slice3A_581[0] : f32 from vector<1xf32>
        %mul3A_583 = vector.broadcast %squeeze3A_582 : f32 to vector<16xf32>
        %mul3A_584 = arith.mulf %mul3A_583, %get3A_27 : vector<16xf32>
        %add3A_585 = arith.addf %add3A_580, %mul3A_584 : vector<16xf32>
        %slice3A_586 = vector.extract_strided_slice %max3A {offsets = [3], sizes = [1], strides = [1]} : vector<16xf32> to vector<1xf32>
        %squeeze3A_587 = vector.extract %slice3A_586[0] : f32 from vector<1xf32>
        %mul3A_588 = vector.broadcast %squeeze3A_587 : f32 to vector<16xf32>
        %mul3A_589 = arith.mulf %mul3A_588, %get3A_32 : vector<16xf32>
        %add3A_590 = arith.addf %add3A_585, %mul3A_589 : vector<16xf32>
        %slice3A_591 = vector.extract_strided_slice %max3A {offsets = [4], sizes = [1], strides = [1]} : vector<16xf32> to vector<1xf32>
        %squeeze3A_592 = vector.extract %slice3A_591[0] : f32 from vector<1xf32>
        %mul3A_593 = vector.broadcast %squeeze3A_592 : f32 to vector<16xf32>
        %mul3A_594 = arith.mulf %mul3A_593, %get3A_37 : vector<16xf32>
        %add3A_595 = arith.addf %add3A_590, %mul3A_594 : vector<16xf32>
        %slice3A_596 = vector.extract_strided_slice %max3A {offsets = [5], sizes = [1], strides = [1]} : vector<16xf32> to vector<1xf32>
        %squeeze3A_597 = vector.extract %slice3A_596[0] : f32 from vector<1xf32>
        %mul3A_598 = vector.broadcast %squeeze3A_597 : f32 to vector<16xf32>
        %mul3A_599 = arith.mulf %mul3A_598, %get3A_42 : vector<16xf32>
        %add3A_600 = arith.addf %add3A_595, %mul3A_599 : vector<16xf32>
        %slice3A_601 = vector.extract_strided_slice %max3A {offsets = [6], sizes = [1], strides = [1]} : vector<16xf32> to vector<1xf32>
        %squeeze3A_602 = vector.extract %slice3A_601[0] : f32 from vector<1xf32>
        %mul3A_603 = vector.broadcast %squeeze3A_602 : f32 to vector<16xf32>
        %mul3A_604 = arith.mulf %mul3A_603, %get3A_47 : vector<16xf32>
        %add3A_605 = arith.addf %add3A_600, %mul3A_604 : vector<16xf32>
        %slice3A_606 = vector.extract_strided_slice %max3A {offsets = [7], sizes = [1], strides = [1]} : vector<16xf32> to vector<1xf32>
        %squeeze3A_607 = vector.extract %slice3A_606[0] : f32 from vector<1xf32>
        %mul3A_608 = vector.broadcast %squeeze3A_607 : f32 to vector<16xf32>
        %mul3A_609 = arith.mulf %mul3A_608, %get3A_52 : vector<16xf32>
        %add3A_610 = arith.addf %add3A_605, %mul3A_609 : vector<16xf32>
        %slice3A_611 = vector.extract_strided_slice %max3A {offsets = [8], sizes = [1], strides = [1]} : vector<16xf32> to vector<1xf32>
        %squeeze3A_612 = vector.extract %slice3A_611[0] : f32 from vector<1xf32>
        %mul3A_613 = vector.broadcast %squeeze3A_612 : f32 to vector<16xf32>
        %mul3A_614 = arith.mulf %mul3A_613, %get3A_57 : vector<16xf32>
        %add3A_615 = arith.addf %add3A_610, %mul3A_614 : vector<16xf32>
        %slice3A_616 = vector.extract_strided_slice %max3A {offsets = [9], sizes = [1], strides = [1]} : vector<16xf32> to vector<1xf32>
        %squeeze3A_617 = vector.extract %slice3A_616[0] : f32 from vector<1xf32>
        %mul3A_618 = vector.broadcast %squeeze3A_617 : f32 to vector<16xf32>
        %mul3A_619 = arith.mulf %mul3A_618, %get3A_62 : vector<16xf32>
        %add3A_620 = arith.addf %add3A_615, %mul3A_619 : vector<16xf32>
        %slice3A_621 = vector.extract_strided_slice %max3A {offsets = [10], sizes = [1], strides = [1]} : vector<16xf32> to vector<1xf32>
        %squeeze3A_622 = vector.extract %slice3A_621[0] : f32 from vector<1xf32>
        %mul3A_623 = vector.broadcast %squeeze3A_622 : f32 to vector<16xf32>
        %mul3A_624 = arith.mulf %mul3A_623, %get3A_67 : vector<16xf32>
        %add3A_625 = arith.addf %add3A_620, %mul3A_624 : vector<16xf32>
        %slice3A_626 = vector.extract_strided_slice %max3A {offsets = [11], sizes = [1], strides = [1]} : vector<16xf32> to vector<1xf32>
        %squeeze3A_627 = vector.extract %slice3A_626[0] : f32 from vector<1xf32>
        %mul3A_628 = vector.broadcast %squeeze3A_627 : f32 to vector<16xf32>
        %mul3A_629 = arith.mulf %mul3A_628, %get3A_72 : vector<16xf32>
        %add3A_630 = arith.addf %add3A_625, %mul3A_629 : vector<16xf32>
        %slice3A_631 = vector.extract_strided_slice %max3A {offsets = [12], sizes = [1], strides = [1]} : vector<16xf32> to vector<1xf32>
        %squeeze3A_632 = vector.extract %slice3A_631[0] : f32 from vector<1xf32>
        %mul3A_633 = vector.broadcast %squeeze3A_632 : f32 to vector<16xf32>
        %mul3A_634 = arith.mulf %mul3A_633, %get3A_77 : vector<16xf32>
        %add3A_635 = arith.addf %add3A_630, %mul3A_634 : vector<16xf32>
        %slice3A_636 = vector.extract_strided_slice %max3A {offsets = [13], sizes = [1], strides = [1]} : vector<16xf32> to vector<1xf32>
        %squeeze3A_637 = vector.extract %slice3A_636[0] : f32 from vector<1xf32>
        %mul3A_638 = vector.broadcast %squeeze3A_637 : f32 to vector<16xf32>
        %mul3A_639 = arith.mulf %mul3A_638, %get3A_82 : vector<16xf32>
        %add3A_640 = arith.addf %add3A_635, %mul3A_639 : vector<16xf32>
        %slice3A_641 = vector.extract_strided_slice %max3A {offsets = [14], sizes = [1], strides = [1]} : vector<16xf32> to vector<1xf32>
        %squeeze3A_642 = vector.extract %slice3A_641[0] : f32 from vector<1xf32>
        %mul3A_643 = vector.broadcast %squeeze3A_642 : f32 to vector<16xf32>
        %mul3A_644 = arith.mulf %mul3A_643, %get3A_87 : vector<16xf32>
        %add3A_645 = arith.addf %add3A_640, %mul3A_644 : vector<16xf32>
        %slice3A_646 = vector.extract_strided_slice %max3A {offsets = [15], sizes = [1], strides = [1]} : vector<16xf32> to vector<1xf32>
        %squeeze3A_647 = vector.extract %slice3A_646[0] : f32 from vector<1xf32>
        %mul3A_648 = vector.broadcast %squeeze3A_647 : f32 to vector<16xf32>
        %mul3A_649 = arith.mulf %mul3A_648, %get3A_92 : vector<16xf32>
        %add3A_650 = arith.addf %add3A_645, %mul3A_649 : vector<16xf32>
        %slice3A_651 = vector.extract_strided_slice %max3A_572 {offsets = [0], sizes = [1], strides = [1]} : vector<16xf32> to vector<1xf32>
        %squeeze3A_652 = vector.extract %slice3A_651[0] : f32 from vector<1xf32>
        %mul3A_653 = vector.broadcast %squeeze3A_652 : f32 to vector<16xf32>
        %mul3A_654 = arith.mulf %mul3A_653, %get3A_97 : vector<16xf32>
        %add3A_655 = arith.addf %add3A_650, %mul3A_654 : vector<16xf32>
        %slice3A_656 = vector.extract_strided_slice %max3A_572 {offsets = [1], sizes = [1], strides = [1]} : vector<16xf32> to vector<1xf32>
        %squeeze3A_657 = vector.extract %slice3A_656[0] : f32 from vector<1xf32>
        %mul3A_658 = vector.broadcast %squeeze3A_657 : f32 to vector<16xf32>
        %mul3A_659 = arith.mulf %mul3A_658, %get3A_102 : vector<16xf32>
        %add3A_660 = arith.addf %add3A_655, %mul3A_659 : vector<16xf32>
        %slice3A_661 = vector.extract_strided_slice %max3A_572 {offsets = [2], sizes = [1], strides = [1]} : vector<16xf32> to vector<1xf32>
        %squeeze3A_662 = vector.extract %slice3A_661[0] : f32 from vector<1xf32>
        %mul3A_663 = vector.broadcast %squeeze3A_662 : f32 to vector<16xf32>
        %mul3A_664 = arith.mulf %mul3A_663, %get3A_107 : vector<16xf32>
        %add3A_665 = arith.addf %add3A_660, %mul3A_664 : vector<16xf32>
        %slice3A_666 = vector.extract_strided_slice %max3A_572 {offsets = [3], sizes = [1], strides = [1]} : vector<16xf32> to vector<1xf32>
        %squeeze3A_667 = vector.extract %slice3A_666[0] : f32 from vector<1xf32>
        %mul3A_668 = vector.broadcast %squeeze3A_667 : f32 to vector<16xf32>
        %mul3A_669 = arith.mulf %mul3A_668, %get3A_112 : vector<16xf32>
        %add3A_670 = arith.addf %add3A_665, %mul3A_669 : vector<16xf32>
        %slice3A_671 = vector.extract_strided_slice %max3A_572 {offsets = [4], sizes = [1], strides = [1]} : vector<16xf32> to vector<1xf32>
        %squeeze3A_672 = vector.extract %slice3A_671[0] : f32 from vector<1xf32>
        %mul3A_673 = vector.broadcast %squeeze3A_672 : f32 to vector<16xf32>
        %mul3A_674 = arith.mulf %mul3A_673, %get3A_117 : vector<16xf32>
        %add3A_675 = arith.addf %add3A_670, %mul3A_674 : vector<16xf32>
        %slice3A_676 = vector.extract_strided_slice %max3A_572 {offsets = [5], sizes = [1], strides = [1]} : vector<16xf32> to vector<1xf32>
        %squeeze3A_677 = vector.extract %slice3A_676[0] : f32 from vector<1xf32>
        %mul3A_678 = vector.broadcast %squeeze3A_677 : f32 to vector<16xf32>
        %mul3A_679 = arith.mulf %mul3A_678, %get3A_122 : vector<16xf32>
        %add3A_680 = arith.addf %add3A_675, %mul3A_679 : vector<16xf32>
        %slice3A_681 = vector.extract_strided_slice %max3A_572 {offsets = [6], sizes = [1], strides = [1]} : vector<16xf32> to vector<1xf32>
        %squeeze3A_682 = vector.extract %slice3A_681[0] : f32 from vector<1xf32>
        %mul3A_683 = vector.broadcast %squeeze3A_682 : f32 to vector<16xf32>
        %mul3A_684 = arith.mulf %mul3A_683, %get3A_127 : vector<16xf32>
        %add3A_685 = arith.addf %add3A_680, %mul3A_684 : vector<16xf32>
        %slice3A_686 = vector.extract_strided_slice %max3A_572 {offsets = [7], sizes = [1], strides = [1]} : vector<16xf32> to vector<1xf32>
        %squeeze3A_687 = vector.extract %slice3A_686[0] : f32 from vector<1xf32>
        %mul3A_688 = vector.broadcast %squeeze3A_687 : f32 to vector<16xf32>
        %mul3A_689 = arith.mulf %mul3A_688, %get3A_132 : vector<16xf32>
        %add3A_690 = arith.addf %add3A_685, %mul3A_689 : vector<16xf32>
        %slice3A_691 = vector.extract_strided_slice %max3A_572 {offsets = [8], sizes = [1], strides = [1]} : vector<16xf32> to vector<1xf32>
        %squeeze3A_692 = vector.extract %slice3A_691[0] : f32 from vector<1xf32>
        %mul3A_693 = vector.broadcast %squeeze3A_692 : f32 to vector<16xf32>
        %mul3A_694 = arith.mulf %mul3A_693, %get3A_137 : vector<16xf32>
        %add3A_695 = arith.addf %add3A_690, %mul3A_694 : vector<16xf32>
        %slice3A_696 = vector.extract_strided_slice %max3A_572 {offsets = [9], sizes = [1], strides = [1]} : vector<16xf32> to vector<1xf32>
        %squeeze3A_697 = vector.extract %slice3A_696[0] : f32 from vector<1xf32>
        %mul3A_698 = vector.broadcast %squeeze3A_697 : f32 to vector<16xf32>
        %mul3A_699 = arith.mulf %mul3A_698, %get3A_142 : vector<16xf32>
        %add3A_700 = arith.addf %add3A_695, %mul3A_699 : vector<16xf32>
        %slice3A_701 = vector.extract_strided_slice %max3A_572 {offsets = [10], sizes = [1], strides = [1]} : vector<16xf32> to vector<1xf32>
        %squeeze3A_702 = vector.extract %slice3A_701[0] : f32 from vector<1xf32>
        %mul3A_703 = vector.broadcast %squeeze3A_702 : f32 to vector<16xf32>
        %mul3A_704 = arith.mulf %mul3A_703, %get3A_147 : vector<16xf32>
        %add3A_705 = arith.addf %add3A_700, %mul3A_704 : vector<16xf32>
        %slice3A_706 = vector.extract_strided_slice %max3A_572 {offsets = [11], sizes = [1], strides = [1]} : vector<16xf32> to vector<1xf32>
        %squeeze3A_707 = vector.extract %slice3A_706[0] : f32 from vector<1xf32>
        %mul3A_708 = vector.broadcast %squeeze3A_707 : f32 to vector<16xf32>
        %mul3A_709 = arith.mulf %mul3A_708, %get3A_152 : vector<16xf32>
        %add3A_710 = arith.addf %add3A_705, %mul3A_709 : vector<16xf32>
        %slice3A_711 = vector.extract_strided_slice %max3A_572 {offsets = [12], sizes = [1], strides = [1]} : vector<16xf32> to vector<1xf32>
        %squeeze3A_712 = vector.extract %slice3A_711[0] : f32 from vector<1xf32>
        %mul3A_713 = vector.broadcast %squeeze3A_712 : f32 to vector<16xf32>
        %mul3A_714 = arith.mulf %mul3A_713, %get3A_157 : vector<16xf32>
        %add3A_715 = arith.addf %add3A_710, %mul3A_714 : vector<16xf32>
        %slice3A_716 = vector.extract_strided_slice %max3A_572 {offsets = [13], sizes = [1], strides = [1]} : vector<16xf32> to vector<1xf32>
        %squeeze3A_717 = vector.extract %slice3A_716[0] : f32 from vector<1xf32>
        %mul3A_718 = vector.broadcast %squeeze3A_717 : f32 to vector<16xf32>
        %mul3A_719 = arith.mulf %mul3A_718, %get3A_162 : vector<16xf32>
        %add3A_720 = arith.addf %add3A_715, %mul3A_719 : vector<16xf32>
        %slice3A_721 = vector.extract_strided_slice %max3A_572 {offsets = [14], sizes = [1], strides = [1]} : vector<16xf32> to vector<1xf32>
        %squeeze3A_722 = vector.extract %slice3A_721[0] : f32 from vector<1xf32>
        %mul3A_723 = vector.broadcast %squeeze3A_722 : f32 to vector<16xf32>
        %mul3A_724 = arith.mulf %mul3A_723, %get3A_167 : vector<16xf32>
        %add3A_725 = arith.addf %add3A_720, %mul3A_724 : vector<16xf32>
        %slice3A_726 = vector.extract_strided_slice %max3A_572 {offsets = [15], sizes = [1], strides = [1]} : vector<16xf32> to vector<1xf32>
        %squeeze3A_727 = vector.extract %slice3A_726[0] : f32 from vector<1xf32>
        %mul3A_728 = vector.broadcast %squeeze3A_727 : f32 to vector<16xf32>
        %mul3A_729 = arith.mulf %mul3A_728, %get3A_172 : vector<16xf32>
        %add3A_730 = arith.addf %add3A_725, %mul3A_729 : vector<16xf32>
        %abs3A = math.absf %add3A_730 : vector<16xf32>
        %mul3A_731 = arith.constant -2.000000e+00 : f32
        %mul3A_732 = vector.broadcast %mul3A_731 : f32 to vector<16xf32>
        %mul3A_733 = arith.mulf %mul3A_732, %abs3A : vector<16xf32>
        %exp3A = math.exp %mul3A_733 : vector<16xf32>
        %sub3A = arith.constant 1.000000e+00 : f32
        %sub3A_734 = vector.broadcast %sub3A : f32 to vector<16xf32>
        %sub3A_735 = arith.subf %sub3A_734, %exp3A : vector<16xf32>
        %add3A_736 = arith.constant 1.000000e+00 : f32
        %add3A_737 = vector.broadcast %add3A_736 : f32 to vector<16xf32>
        %add3A_738 = arith.addf %add3A_737, %exp3A : vector<16xf32>
        %div3A = arith.divf %sub3A_735, %add3A_738 : vector<16xf32>
        %lt3A_739 = arith.constant 0.000000e+00 : f32
        %lt3A_740 = vector.broadcast %lt3A_739 : f32 to vector<16xf32>
        %lt3A_741 = arith.cmpf olt, %add3A_730, %lt3A_740 : vector<16xf32>
        %neg3A = arith.constant 0.000000e+00 : f32
        %neg3A_742 = vector.broadcast %neg3A : f32 to vector<16xf32>
        %neg3A_743 = arith.subf %neg3A_742, %div3A : vector<16xf32>
        %select_n3A = arith.select %lt3A_741, %neg3A_743, %div3A : vector<16xi1>, vector<16xf32>
        %swap3A = arith.constant 1 : i32
        %swap3A_744 = arith.index_cast %swap3A : i32 to index
        %swap3A_745 = arith.index_cast %scan3A_538 : i32 to index
        %swap3A_746 = arith.constant 0 : index
        %swap3A_747 = tpu.vector_load %arg11[%swap3A_744, %swap3A_745, %swap3A_746] {strides = array<i32>} : memref<2x128x16xf32, #tpu.memory_space<vmem>>, vector<1x1x16xf32>,
        %swap3A_748 = vector.shape_cast %swap3A_747 : vector<1x1x16xf32> to vector<16xf32>
        %swap3A_749 = vector.shape_cast %select_n3A : vector<16xf32> to vector<1x1x16xf32>
        tpu.vector_store %arg11[%swap3A_744, %swap3A_745, %swap3A_746], %swap3A_749 {strides = array<i32>} : memref<2x128x16xf32, #tpu.memory_space<vmem>>, vector<1x1x16xf32>,
        %scan3A_750 = arith.constant 0 : i32
        scf.yield %scan3A_750 : i32
      }
      %scan3A_382 = arith.constant 128 : i32
      %dma_start3A_383 = arith.constant 1 : i32
      %dma_start3A_384 = arith.constant 1 : i32
      %dma_start3A_385 = arith.constant 1 : i32
      %dma_start3A_386 = arith.constant 0 : i32
      %dma_start3A_387 = arith.constant 0 : i32
      %dma_start3A_388 = tpu.memref_slice %arg11[%dma_start3A_383, %dma_start3A_386, %dma_start3A_387] : memref<2x128x16xf32, #tpu.memory_space<vmem>> -> memref<1x128x16xf32, #tpu.memory_space<vmem>>
      %dma_start3A_389 = tpu.memref_squeeze %dma_start3A_388 : memref<1x128x16xf32, #tpu.memory_space<vmem>> -> memref<128x16xf32, #tpu.memory_space<vmem>>
      %dma_start3A_390 = arith.constant 0 : i32
      %dma_start3A_391 = tpu.memref_slice %arg8[%dma_start3A_384, %dma_start3A_385, %dma_start3A_390] : memref<4x2x128xi32, #tpu.memory_space<vmem>> -> memref<1x1x128xi32, #tpu.memory_space<vmem>>
      %dma_start3A_392 = tpu.memref_squeeze %dma_start3A_391 : memref<1x1x128xi32, #tpu.memory_space<vmem>> -> memref<128xi32, #tpu.memory_space<vmem>>
      %dma_start3A_393 = arith.constant 0 : i32
      %dma_start3A_394 = arith.constant 0 : i32
      %dma_start3A_395 = tpu.memref_slice %arg14[%dma_start3A_393, %dma_start3A_394] : memref<100352x16xf32, #tpu.memory_space<vmem_shared>> -> memref<100352x16xf32, #tpu.memory_space<vmem_shared>>
      tpu.enqueue_indirect_dma source(%dma_start3A_389 : memref<128x16xf32, #tpu.memory_space<vmem>>) target(%dma_start3A_395 : memref<100352x16xf32, #tpu.memory_space<vmem_shared>>) offsets(%dma_start3A_392 : memref<128xi32, #tpu.memory_space<vmem>>) semaphore(%arg20 : memref<!tpu.dma_semaphore, #tpu.memory_space<semaphore_mem>>) {add = true}
      %add3A_396 = arith.constant 2 : i32
      %add3A_397 = arith.addi %add3A_337, %add3A_396 : i32
      %lt3A_398 = arith.constant 392 : i32
      %lt3A_399 = arith.cmpi slt, %add3A_397, %lt3A_398 : i32
      %convert_element_type3A_400 = arith.extui %lt3A_399 : i1 to i32
      %cond3A_401 = arith.constant 0 : i32
      %cond3A_402 = arith.cmpi ne, %convert_element_type3A_400, %cond3A_401 : i32
      scf.if %cond3A_402 {
        %add3A_538 = arith.constant 2 : i32
        %add3A_539 = arith.addi %add3A_337, %add3A_538 : i32
        %dma_wait3A_540 = arith.constant 3 : i32
        %dma_wait3A_541 = arith.constant 0 : i32
        %dma_wait3A_542 = arith.constant 0 : i32
        %dma_wait3A_543 = tpu.memref_slice %arg8[%dma_wait3A_540, %dma_wait3A_541, %dma_wait3A_542] : memref<4x2x128xi32, #tpu.memory_space<vmem>> -> memref<1x2x128xi32, #tpu.memory_space<vmem>>
        %dma_wait3A_544 = tpu.memref_squeeze %dma_wait3A_543 : memref<1x2x128xi32, #tpu.memory_space<vmem>> -> memref<2x128xi32, #tpu.memory_space<vmem>>
        %dma_wait3A_545 = arith.constant 0 : i32
        %dma_wait3A_546 = arith.constant 0 : i32
        %dma_wait3A_547 = tpu.memref_slice %arg4[%add3A, %add3A_539, %dma_wait3A_545, %dma_wait3A_546] : memref<32x392x2x128xi32, #tpu.memory_space<hbm>> -> memref<1x1x2x128xi32, #tpu.memory_space<hbm>>
        %dma_wait3A_548 = tpu.memref_squeeze %dma_wait3A_547 : memref<1x1x2x128xi32, #tpu.memory_space<hbm>> -> memref<2x128xi32, #tpu.memory_space<hbm>>
        %dma_wait3A_549 = arith.constant 0 : i32
        %dma_wait3A_550 = arith.constant 0 : i32
        %dma_wait3A_551 = tpu.memref_slice %arg8[%dma_wait3A_540, %dma_wait3A_549, %dma_wait3A_550] : memref<4x2x128xi32, #tpu.memory_space<vmem>> -> memref<1x2x128xi32, #tpu.memory_space<vmem>>
        %dma_wait3A_552 = tpu.memref_squeeze %dma_wait3A_551 : memref<1x2x128xi32, #tpu.memory_space<vmem>> -> memref<2x128xi32, #tpu.memory_space<vmem>>
        %dma_wait3A_553 = arith.constant 0 : i32
        %dma_wait3A_554 = arith.constant 0 : i32
        %dma_wait3A_555 = tpu.memref_slice %arg4[%add3A, %add3A_539, %dma_wait3A_553, %dma_wait3A_554] : memref<32x392x2x128xi32, #tpu.memory_space<hbm>> -> memref<1x1x2x128xi32, #tpu.memory_space<hbm>>
        %dma_wait3A_556 = tpu.memref_squeeze %dma_wait3A_555 : memref<1x1x2x128xi32, #tpu.memory_space<hbm>> -> memref<2x128xi32, #tpu.memory_space<hbm>>
        tpu.wait_dma2 semaphore(%arg22 : memref<!tpu.dma_semaphore, #tpu.memory_space<semaphore_mem>>) src(%dma_wait3A_556 : memref<2x128xi32, #tpu.memory_space<hbm>>) dst(%dma_wait3A_552 : memref<2x128xi32, #tpu.memory_space<vmem>>)
        %dma_start3A_557 = arith.constant 3 : i32
        %dma_start3A_558 = arith.constant 0 : i32
        %dma_start3A_559 = arith.constant 1 : i32
        %dma_start3A_560 = arith.constant 0 : i32
        %dma_start3A_561 = arith.constant 0 : i32
        %dma_start3A_562 = tpu.memref_slice %arg9[%dma_start3A_559, %dma_start3A_560, %dma_start3A_561] : memref<2x128x32xf32, #tpu.memory_space<vmem>> -> memref<1x128x32xf32, #tpu.memory_space<vmem>>
        %dma_start3A_563 = tpu.memref_squeeze %dma_start3A_562 : memref<1x128x32xf32, #tpu.memory_space<vmem>> -> memref<128x32xf32, #tpu.memory_space<vmem>>
        %dma_start3A_564 = arith.constant 0 : i32
        %dma_start3A_565 = tpu.memref_slice %arg8[%dma_start3A_557, %dma_start3A_558, %dma_start3A_564] : memref<4x2x128xi32, #tpu.memory_space<vmem>> -> memref<1x1x128xi32, #tpu.memory_space<vmem>>
        %dma_start3A_566 = tpu.memref_squeeze %dma_start3A_565 : memref<1x1x128xi32, #tpu.memory_space<vmem>> -> memref<128xi32, #tpu.memory_space<vmem>>
        %dma_start3A_567 = arith.constant 0 : i32
        %dma_start3A_568 = arith.constant 0 : i32
        %dma_start3A_569 = tpu.memref_slice %arg2[%dma_start3A_567, %dma_start3A_568] : memref<100000x32xf32, #tpu.memory_space<hbm>> -> memref<100000x32xf32, #tpu.memory_space<hbm>>
        tpu.enqueue_indirect_dma source(%dma_start3A_569 : memref<100000x32xf32, #tpu.memory_space<hbm>>) target(%dma_start3A_563 : memref<128x32xf32, #tpu.memory_space<vmem>>) offsets(%dma_start3A_566 : memref<128xi32, #tpu.memory_space<vmem>>) semaphore(%arg16 : memref<!tpu.dma_semaphore, #tpu.memory_space<semaphore_mem>>)
        %dma_start3A_570 = arith.constant 3 : i32
        %dma_start3A_571 = arith.constant 1 : i32
        %dma_start3A_572 = arith.constant 1 : i32
        %dma_start3A_573 = arith.constant 0 : i32
        %dma_start3A_574 = arith.constant 0 : i32
        %dma_start3A_575 = tpu.memref_slice %arg10[%dma_start3A_572, %dma_start3A_573, %dma_start3A_574] : memref<2x128x32xf32, #tpu.memory_space<vmem>> -> memref<1x128x32xf32, #tpu.memory_space<vmem>>
        %dma_start3A_576 = tpu.memref_squeeze %dma_start3A_575 : memref<1x128x32xf32, #tpu.memory_space<vmem>> -> memref<128x32xf32, #tpu.memory_space<vmem>>
        %dma_start3A_577 = arith.constant 0 : i32
        %dma_start3A_578 = tpu.memref_slice %arg8[%dma_start3A_570, %dma_start3A_571, %dma_start3A_577] : memref<4x2x128xi32, #tpu.memory_space<vmem>> -> memref<1x1x128xi32, #tpu.memory_space<vmem>>
        %dma_start3A_579 = tpu.memref_squeeze %dma_start3A_578 : memref<1x1x128xi32, #tpu.memory_space<vmem>> -> memref<128xi32, #tpu.memory_space<vmem>>
        %dma_start3A_580 = arith.constant 0 : i32
        %dma_start3A_581 = arith.constant 0 : i32
        %dma_start3A_582 = tpu.memref_slice %arg3[%dma_start3A_580, %dma_start3A_581] : memref<100000x32xf32, #tpu.memory_space<hbm>> -> memref<100000x32xf32, #tpu.memory_space<hbm>>
        tpu.enqueue_indirect_dma source(%dma_start3A_582 : memref<100000x32xf32, #tpu.memory_space<hbm>>) target(%dma_start3A_576 : memref<128x32xf32, #tpu.memory_space<vmem>>) offsets(%dma_start3A_579 : memref<128xi32, #tpu.memory_space<vmem>>) semaphore(%arg18 : memref<!tpu.dma_semaphore, #tpu.memory_space<semaphore_mem>>)
      } else {
      }
      %add3A_403 = arith.constant 2 : i32
      %add3A_404 = arith.addi %mul3A_270, %add3A_403 : i32
      %dma_wait3A_405 = arith.constant 2 : i32
      %dma_wait3A_406 = arith.constant 0 : i32
      %dma_wait3A_407 = arith.constant 0 : i32
      %dma_wait3A_408 = arith.constant 0 : i32
      %dma_wait3A_409 = arith.constant 0 : i32
      %dma_wait3A_410 = tpu.memref_slice %arg9[%dma_wait3A_407, %dma_wait3A_408, %dma_wait3A_409] : memref<2x128x32xf32, #tpu.memory_space<vmem>> -> memref<1x128x32xf32, #tpu.memory_space<vmem>>
      %dma_wait3A_411 = tpu.memref_squeeze %dma_wait3A_410 : memref<1x128x32xf32, #tpu.memory_space<vmem>> -> memref<128x32xf32, #tpu.memory_space<vmem>>
      %dma_wait3A_412 = arith.constant 0 : i32
      %dma_wait3A_413 = tpu.memref_slice %arg8[%dma_wait3A_405, %dma_wait3A_406, %dma_wait3A_412] : memref<4x2x128xi32, #tpu.memory_space<vmem>> -> memref<1x1x128xi32, #tpu.memory_space<vmem>>
      %dma_wait3A_414 = tpu.memref_squeeze %dma_wait3A_413 : memref<1x1x128xi32, #tpu.memory_space<vmem>> -> memref<128xi32, #tpu.memory_space<vmem>>
      %dma_wait3A_415 = arith.constant 0 : i32
      %dma_wait3A_416 = arith.constant 0 : i32
      %dma_wait3A_417 = tpu.memref_slice %arg2[%dma_wait3A_415, %dma_wait3A_416] : memref<100000x32xf32, #tpu.memory_space<hbm>> -> memref<100000x32xf32, #tpu.memory_space<hbm>>
      tpu.wait_indirect_dma semaphore(%arg15 : memref<!tpu.dma_semaphore, #tpu.memory_space<semaphore_mem>>) src(%dma_wait3A_417 : memref<100000x32xf32, #tpu.memory_space<hbm>>) dst(%dma_wait3A_411 : memref<128x32xf32, #tpu.memory_space<vmem>>)
      %dma_wait3A_418 = arith.constant 2 : i32
      %dma_wait3A_419 = arith.constant 1 : i32
      %dma_wait3A_420 = arith.constant 0 : i32
      %dma_wait3A_421 = arith.constant 0 : i32
      %dma_wait3A_422 = arith.constant 0 : i32
      %dma_wait3A_423 = tpu.memref_slice %arg10[%dma_wait3A_420, %dma_wait3A_421, %dma_wait3A_422] : memref<2x128x32xf32, #tpu.memory_space<vmem>> -> memref<1x128x32xf32, #tpu.memory_space<vmem>>
      %dma_wait3A_424 = tpu.memref_squeeze %dma_wait3A_423 : memref<1x128x32xf32, #tpu.memory_space<vmem>> -> memref<128x32xf32, #tpu.memory_space<vmem>>
      %dma_wait3A_425 = arith.constant 0 : i32
      %dma_wait3A_426 = tpu.memref_slice %arg8[%dma_wait3A_418, %dma_wait3A_419, %dma_wait3A_425] : memref<4x2x128xi32, #tpu.memory_space<vmem>> -> memref<1x1x128xi32, #tpu.memory_space<vmem>>
      %dma_wait3A_427 = tpu.memref_squeeze %dma_wait3A_426 : memref<1x1x128xi32, #tpu.memory_space<vmem>> -> memref<128xi32, #tpu.memory_space<vmem>>
      %dma_wait3A_428 = arith.constant 0 : i32
      %dma_wait3A_429 = arith.constant 0 : i32
      %dma_wait3A_430 = tpu.memref_slice %arg3[%dma_wait3A_428, %dma_wait3A_429] : memref<100000x32xf32, #tpu.memory_space<hbm>> -> memref<100000x32xf32, #tpu.memory_space<hbm>>
      tpu.wait_indirect_dma semaphore(%arg17 : memref<!tpu.dma_semaphore, #tpu.memory_space<semaphore_mem>>) src(%dma_wait3A_430 : memref<100000x32xf32, #tpu.memory_space<hbm>>) dst(%dma_wait3A_424 : memref<128x32xf32, #tpu.memory_space<vmem>>)
      %ge3A_431 = arith.constant 2 : i32
      %ge3A_432 = arith.cmpi sge, %add3A_404, %ge3A_431 : i32
      %convert_element_type3A_433 = arith.extui %ge3A_432 : i1 to i32
      %cond3A_434 = arith.constant 0 : i32
      %cond3A_435 = arith.cmpi ne, %convert_element_type3A_433, %cond3A_434 : i32
      scf.if %cond3A_435 {
        %dma_wait3A_538 = arith.constant 0 : i32
        %dma_wait3A_539 = arith.constant 2 : i32
        %dma_wait3A_540 = arith.constant 1 : i32
        %dma_wait3A_541 = arith.constant 0 : i32
        %dma_wait3A_542 = arith.constant 0 : i32
        %dma_wait3A_543 = tpu.memref_slice %arg11[%dma_wait3A_538, %dma_wait3A_541, %dma_wait3A_542] : memref<2x128x16xf32, #tpu.memory_space<vmem>> -> memref<1x128x16xf32, #tpu.memory_space<vmem>>
        %dma_wait3A_544 = tpu.memref_squeeze %dma_wait3A_543 : memref<1x128x16xf32, #tpu.memory_space<vmem>> -> memref<128x16xf32, #tpu.memory_space<vmem>>
        %dma_wait3A_545 = arith.constant 0 : i32
        %dma_wait3A_546 = tpu.memref_slice %arg8[%dma_wait3A_539, %dma_wait3A_540, %dma_wait3A_545] : memref<4x2x128xi32, #tpu.memory_space<vmem>> -> memref<1x1x128xi32, #tpu.memory_space<vmem>>
        %dma_wait3A_547 = tpu.memref_squeeze %dma_wait3A_546 : memref<1x1x128xi32, #tpu.memory_space<vmem>> -> memref<128xi32, #tpu.memory_space<vmem>>
        %dma_wait3A_548 = arith.constant 0 : i32
        %dma_wait3A_549 = arith.constant 0 : i32
        %dma_wait3A_550 = tpu.memref_slice %arg14[%dma_wait3A_548, %dma_wait3A_549] : memref<100352x16xf32, #tpu.memory_space<vmem_shared>> -> memref<100352x16xf32, #tpu.memory_space<vmem_shared>>
        tpu.wait_indirect_dma semaphore(%arg19 : memref<!tpu.dma_semaphore, #tpu.memory_space<semaphore_mem>>) src(%dma_wait3A_544 : memref<128x16xf32, #tpu.memory_space<vmem>>) dst(%dma_wait3A_550 : memref<100352x16xf32, #tpu.memory_space<vmem_shared>>)
      } else {
      }
      %add3A_436 = arith.constant 2 : i32
      %add3A_437 = arith.addi %add3A_404, %add3A_436 : i32
      %lt3A_438 = arith.constant 392 : i32
      %lt3A_439 = arith.cmpi slt, %add3A_437, %lt3A_438 : i32
      %convert_element_type3A_440 = arith.extui %lt3A_439 : i1 to i32
      %cond3A_441 = arith.constant 0 : i32
      %cond3A_442 = arith.cmpi ne, %convert_element_type3A_440, %cond3A_441 : i32
      scf.if %cond3A_442 {
        %add3A_538 = arith.constant 2 : i32
        %add3A_539 = arith.addi %add3A_404, %add3A_538 : i32
        %dma_start3A_540 = arith.constant 0 : i32
        %dma_start3A_541 = arith.constant 0 : i32
        %dma_start3A_542 = arith.constant 0 : i32
        %dma_start3A_543 = tpu.memref_slice %arg8[%dma_start3A_540, %dma_start3A_541, %dma_start3A_542] : memref<4x2x128xi32, #tpu.memory_space<vmem>> -> memref<1x2x128xi32, #tpu.memory_space<vmem>>
        %dma_start3A_544 = tpu.memref_squeeze %dma_start3A_543 : memref<1x2x128xi32, #tpu.memory_space<vmem>> -> memref<2x128xi32, #tpu.memory_space<vmem>>
        %dma_start3A_545 = arith.constant 0 : i32
        %dma_start3A_546 = arith.constant 0 : i32
        %dma_start3A_547 = tpu.memref_slice %arg4[%add3A, %add3A_539, %dma_start3A_545, %dma_start3A_546] : memref<32x392x2x128xi32, #tpu.memory_space<hbm>> -> memref<1x1x2x128xi32, #tpu.memory_space<hbm>>
        %dma_start3A_548 = tpu.memref_squeeze %dma_start3A_547 : memref<1x1x2x128xi32, #tpu.memory_space<hbm>> -> memref<2x128xi32, #tpu.memory_space<hbm>>
        %dma_start3A_549 = arith.constant 0 : i32
        %dma_start3A_550 = arith.constant 0 : i32
        %dma_start3A_551 = tpu.memref_slice %arg8[%dma_start3A_540, %dma_start3A_549, %dma_start3A_550] : memref<4x2x128xi32, #tpu.memory_space<vmem>> -> memref<1x2x128xi32, #tpu.memory_space<vmem>>
        %dma_start3A_552 = tpu.memref_squeeze %dma_start3A_551 : memref<1x2x128xi32, #tpu.memory_space<vmem>> -> memref<2x128xi32, #tpu.memory_space<vmem>>
        %dma_start3A_553 = arith.constant 0 : i32
        %dma_start3A_554 = arith.constant 0 : i32
        %dma_start3A_555 = tpu.memref_slice %arg4[%add3A, %add3A_539, %dma_start3A_553, %dma_start3A_554] : memref<32x392x2x128xi32, #tpu.memory_space<hbm>> -> memref<1x1x2x128xi32, #tpu.memory_space<hbm>>
        %dma_start3A_556 = tpu.memref_squeeze %dma_start3A_555 : memref<1x1x2x128xi32, #tpu.memory_space<hbm>> -> memref<2x128xi32, #tpu.memory_space<hbm>>
        tpu.enqueue_dma source(%dma_start3A_556 : memref<2x128xi32, #tpu.memory_space<hbm>>) target(%dma_start3A_552 : memref<2x128xi32, #tpu.memory_space<vmem>>) target_semaphore(%arg21 : memref<!tpu.dma_semaphore, #tpu.memory_space<semaphore_mem>>)
      } else {
      }
      %scan3A_443 = arith.constant 0 : i32
      %scan3A_444 = arith.constant 0 : i32
      %scan3A_445 = arith.constant 128 : i32
      %scan3A_446 = arith.addi %scan3A_444, %scan3A_445 : i32
      %scan3A_447 = arith.constant 1 : i32
      %scan3A_448 = scf.for %scan3A_538 = %scan3A_444 to %scan3A_446 step %scan3A_447 iter_args(%scan3A_539 = %scan3A_443) -> (i32)  : i32 {
        %get3A_540 = arith.constant 0 : i32
        %get3A_541 = arith.index_cast %get3A_540 : i32 to index
        %get3A_542 = arith.index_cast %scan3A_538 : i32 to index
        %get3A_543 = arith.constant 0 : index
        %get3A_544 = tpu.vector_load %arg9[%get3A_541, %get3A_542, %get3A_543] {strides = array<i32>} : memref<2x128x32xf32, #tpu.memory_space<vmem>>, vector<1x1x16xf32>,
        %get3A_545 = vector.shape_cast %get3A_544 : vector<1x1x16xf32> to vector<16xf32>
        %get3A_546 = arith.constant 0 : i32
        %get3A_547 = arith.index_cast %get3A_546 : i32 to index
        %get3A_548 = arith.index_cast %scan3A_538 : i32 to index
        %get3A_549 = arith.constant 0 : index
        %get3A_550 = tpu.vector_load %arg10[%get3A_547, %get3A_548, %get3A_549] {strides = array<i32>} : memref<2x128x32xf32, #tpu.memory_space<vmem>>, vector<1x1x16xf32>,
        %get3A_551 = vector.shape_cast %get3A_550 : vector<1x1x16xf32> to vector<16xf32>
        %add3A_552 = arith.addf %get3A_545, %get3A_551 : vector<16xf32>
        %get3A_553 = arith.constant 0 : i32
        %get3A_554 = arith.index_cast %get3A_553 : i32 to index
        %get3A_555 = arith.index_cast %scan3A_538 : i32 to index
        %get3A_556 = arith.constant 16 : index
        %get3A_557 = tpu.vector_load %arg9[%get3A_554, %get3A_555, %get3A_556] {strides = array<i32>} : memref<2x128x32xf32, #tpu.memory_space<vmem>>, vector<1x1x16xf32>,
        %get3A_558 = vector.shape_cast %get3A_557 : vector<1x1x16xf32> to vector<16xf32>
        %get3A_559 = arith.constant 0 : i32
        %get3A_560 = arith.index_cast %get3A_559 : i32 to index
        %get3A_561 = arith.index_cast %scan3A_538 : i32 to index
        %get3A_562 = arith.constant 16 : index
        %get3A_563 = tpu.vector_load %arg10[%get3A_560, %get3A_561, %get3A_562] {strides = array<i32>} : memref<2x128x32xf32, #tpu.memory_space<vmem>>, vector<1x1x16xf32>,
        %get3A_564 = vector.shape_cast %get3A_563 : vector<1x1x16xf32> to vector<16xf32>
        %add3A_565 = arith.addf %get3A_558, %get3A_564 : vector<16xf32>
        %mul3A_566 = arith.constant 0.00999999977 : f32
        %mul3A_567 = vector.broadcast %mul3A_566 : f32 to vector<16xf32>
        %mul3A_568 = arith.mulf %add3A_552, %mul3A_567 : vector<16xf32>
        %max3A = arith.maximumf %add3A_552, %mul3A_568 : vector<16xf32>
        %mul3A_569 = arith.constant 0.00999999977 : f32
        %mul3A_570 = vector.broadcast %mul3A_569 : f32 to vector<16xf32>
        %mul3A_571 = arith.mulf %add3A_565, %mul3A_570 : vector<16xf32>
        %max3A_572 = arith.maximumf %add3A_565, %mul3A_571 : vector<16xf32>
        %slice3A = vector.extract_strided_slice %max3A {offsets = [0], sizes = [1], strides = [1]} : vector<16xf32> to vector<1xf32>
        %squeeze3A = vector.extract %slice3A[0] : f32 from vector<1xf32>
        %mul3A_573 = vector.broadcast %squeeze3A : f32 to vector<16xf32>
        %mul3A_574 = arith.mulf %mul3A_573, %get3A_17 : vector<16xf32>
        %add3A_575 = arith.addf %get3A_175, %mul3A_574 : vector<16xf32>
        %slice3A_576 = vector.extract_strided_slice %max3A {offsets = [1], sizes = [1], strides = [1]} : vector<16xf32> to vector<1xf32>
        %squeeze3A_577 = vector.extract %slice3A_576[0] : f32 from vector<1xf32>
        %mul3A_578 = vector.broadcast %squeeze3A_577 : f32 to vector<16xf32>
        %mul3A_579 = arith.mulf %mul3A_578, %get3A_22 : vector<16xf32>
        %add3A_580 = arith.addf %add3A_575, %mul3A_579 : vector<16xf32>
        %slice3A_581 = vector.extract_strided_slice %max3A {offsets = [2], sizes = [1], strides = [1]} : vector<16xf32> to vector<1xf32>
        %squeeze3A_582 = vector.extract %slice3A_581[0] : f32 from vector<1xf32>
        %mul3A_583 = vector.broadcast %squeeze3A_582 : f32 to vector<16xf32>
        %mul3A_584 = arith.mulf %mul3A_583, %get3A_27 : vector<16xf32>
        %add3A_585 = arith.addf %add3A_580, %mul3A_584 : vector<16xf32>
        %slice3A_586 = vector.extract_strided_slice %max3A {offsets = [3], sizes = [1], strides = [1]} : vector<16xf32> to vector<1xf32>
        %squeeze3A_587 = vector.extract %slice3A_586[0] : f32 from vector<1xf32>
        %mul3A_588 = vector.broadcast %squeeze3A_587 : f32 to vector<16xf32>
        %mul3A_589 = arith.mulf %mul3A_588, %get3A_32 : vector<16xf32>
        %add3A_590 = arith.addf %add3A_585, %mul3A_589 : vector<16xf32>
        %slice3A_591 = vector.extract_strided_slice %max3A {offsets = [4], sizes = [1], strides = [1]} : vector<16xf32> to vector<1xf32>
        %squeeze3A_592 = vector.extract %slice3A_591[0] : f32 from vector<1xf32>
        %mul3A_593 = vector.broadcast %squeeze3A_592 : f32 to vector<16xf32>
        %mul3A_594 = arith.mulf %mul3A_593, %get3A_37 : vector<16xf32>
        %add3A_595 = arith.addf %add3A_590, %mul3A_594 : vector<16xf32>
        %slice3A_596 = vector.extract_strided_slice %max3A {offsets = [5], sizes = [1], strides = [1]} : vector<16xf32> to vector<1xf32>
        %squeeze3A_597 = vector.extract %slice3A_596[0] : f32 from vector<1xf32>
        %mul3A_598 = vector.broadcast %squeeze3A_597 : f32 to vector<16xf32>
        %mul3A_599 = arith.mulf %mul3A_598, %get3A_42 : vector<16xf32>
        %add3A_600 = arith.addf %add3A_595, %mul3A_599 : vector<16xf32>
        %slice3A_601 = vector.extract_strided_slice %max3A {offsets = [6], sizes = [1], strides = [1]} : vector<16xf32> to vector<1xf32>
        %squeeze3A_602 = vector.extract %slice3A_601[0] : f32 from vector<1xf32>
        %mul3A_603 = vector.broadcast %squeeze3A_602 : f32 to vector<16xf32>
        %mul3A_604 = arith.mulf %mul3A_603, %get3A_47 : vector<16xf32>
        %add3A_605 = arith.addf %add3A_600, %mul3A_604 : vector<16xf32>
        %slice3A_606 = vector.extract_strided_slice %max3A {offsets = [7], sizes = [1], strides = [1]} : vector<16xf32> to vector<1xf32>
        %squeeze3A_607 = vector.extract %slice3A_606[0] : f32 from vector<1xf32>
        %mul3A_608 = vector.broadcast %squeeze3A_607 : f32 to vector<16xf32>
        %mul3A_609 = arith.mulf %mul3A_608, %get3A_52 : vector<16xf32>
        %add3A_610 = arith.addf %add3A_605, %mul3A_609 : vector<16xf32>
        %slice3A_611 = vector.extract_strided_slice %max3A {offsets = [8], sizes = [1], strides = [1]} : vector<16xf32> to vector<1xf32>
        %squeeze3A_612 = vector.extract %slice3A_611[0] : f32 from vector<1xf32>
        %mul3A_613 = vector.broadcast %squeeze3A_612 : f32 to vector<16xf32>
        %mul3A_614 = arith.mulf %mul3A_613, %get3A_57 : vector<16xf32>
        %add3A_615 = arith.addf %add3A_610, %mul3A_614 : vector<16xf32>
        %slice3A_616 = vector.extract_strided_slice %max3A {offsets = [9], sizes = [1], strides = [1]} : vector<16xf32> to vector<1xf32>
        %squeeze3A_617 = vector.extract %slice3A_616[0] : f32 from vector<1xf32>
        %mul3A_618 = vector.broadcast %squeeze3A_617 : f32 to vector<16xf32>
        %mul3A_619 = arith.mulf %mul3A_618, %get3A_62 : vector<16xf32>
        %add3A_620 = arith.addf %add3A_615, %mul3A_619 : vector<16xf32>
        %slice3A_621 = vector.extract_strided_slice %max3A {offsets = [10], sizes = [1], strides = [1]} : vector<16xf32> to vector<1xf32>
        %squeeze3A_622 = vector.extract %slice3A_621[0] : f32 from vector<1xf32>
        %mul3A_623 = vector.broadcast %squeeze3A_622 : f32 to vector<16xf32>
        %mul3A_624 = arith.mulf %mul3A_623, %get3A_67 : vector<16xf32>
        %add3A_625 = arith.addf %add3A_620, %mul3A_624 : vector<16xf32>
        %slice3A_626 = vector.extract_strided_slice %max3A {offsets = [11], sizes = [1], strides = [1]} : vector<16xf32> to vector<1xf32>
        %squeeze3A_627 = vector.extract %slice3A_626[0] : f32 from vector<1xf32>
        %mul3A_628 = vector.broadcast %squeeze3A_627 : f32 to vector<16xf32>
        %mul3A_629 = arith.mulf %mul3A_628, %get3A_72 : vector<16xf32>
        %add3A_630 = arith.addf %add3A_625, %mul3A_629 : vector<16xf32>
        %slice3A_631 = vector.extract_strided_slice %max3A {offsets = [12], sizes = [1], strides = [1]} : vector<16xf32> to vector<1xf32>
        %squeeze3A_632 = vector.extract %slice3A_631[0] : f32 from vector<1xf32>
        %mul3A_633 = vector.broadcast %squeeze3A_632 : f32 to vector<16xf32>
        %mul3A_634 = arith.mulf %mul3A_633, %get3A_77 : vector<16xf32>
        %add3A_635 = arith.addf %add3A_630, %mul3A_634 : vector<16xf32>
        %slice3A_636 = vector.extract_strided_slice %max3A {offsets = [13], sizes = [1], strides = [1]} : vector<16xf32> to vector<1xf32>
        %squeeze3A_637 = vector.extract %slice3A_636[0] : f32 from vector<1xf32>
        %mul3A_638 = vector.broadcast %squeeze3A_637 : f32 to vector<16xf32>
        %mul3A_639 = arith.mulf %mul3A_638, %get3A_82 : vector<16xf32>
        %add3A_640 = arith.addf %add3A_635, %mul3A_639 : vector<16xf32>
        %slice3A_641 = vector.extract_strided_slice %max3A {offsets = [14], sizes = [1], strides = [1]} : vector<16xf32> to vector<1xf32>
        %squeeze3A_642 = vector.extract %slice3A_641[0] : f32 from vector<1xf32>
        %mul3A_643 = vector.broadcast %squeeze3A_642 : f32 to vector<16xf32>
        %mul3A_644 = arith.mulf %mul3A_643, %get3A_87 : vector<16xf32>
        %add3A_645 = arith.addf %add3A_640, %mul3A_644 : vector<16xf32>
        %slice3A_646 = vector.extract_strided_slice %max3A {offsets = [15], sizes = [1], strides = [1]} : vector<16xf32> to vector<1xf32>
        %squeeze3A_647 = vector.extract %slice3A_646[0] : f32 from vector<1xf32>
        %mul3A_648 = vector.broadcast %squeeze3A_647 : f32 to vector<16xf32>
        %mul3A_649 = arith.mulf %mul3A_648, %get3A_92 : vector<16xf32>
        %add3A_650 = arith.addf %add3A_645, %mul3A_649 : vector<16xf32>
        %slice3A_651 = vector.extract_strided_slice %max3A_572 {offsets = [0], sizes = [1], strides = [1]} : vector<16xf32> to vector<1xf32>
        %squeeze3A_652 = vector.extract %slice3A_651[0] : f32 from vector<1xf32>
        %mul3A_653 = vector.broadcast %squeeze3A_652 : f32 to vector<16xf32>
        %mul3A_654 = arith.mulf %mul3A_653, %get3A_97 : vector<16xf32>
        %add3A_655 = arith.addf %add3A_650, %mul3A_654 : vector<16xf32>
        %slice3A_656 = vector.extract_strided_slice %max3A_572 {offsets = [1], sizes = [1], strides = [1]} : vector<16xf32> to vector<1xf32>
        %squeeze3A_657 = vector.extract %slice3A_656[0] : f32 from vector<1xf32>
        %mul3A_658 = vector.broadcast %squeeze3A_657 : f32 to vector<16xf32>
        %mul3A_659 = arith.mulf %mul3A_658, %get3A_102 : vector<16xf32>
        %add3A_660 = arith.addf %add3A_655, %mul3A_659 : vector<16xf32>
        %slice3A_661 = vector.extract_strided_slice %max3A_572 {offsets = [2], sizes = [1], strides = [1]} : vector<16xf32> to vector<1xf32>
        %squeeze3A_662 = vector.extract %slice3A_661[0] : f32 from vector<1xf32>
        %mul3A_663 = vector.broadcast %squeeze3A_662 : f32 to vector<16xf32>
        %mul3A_664 = arith.mulf %mul3A_663, %get3A_107 : vector<16xf32>
        %add3A_665 = arith.addf %add3A_660, %mul3A_664 : vector<16xf32>
        %slice3A_666 = vector.extract_strided_slice %max3A_572 {offsets = [3], sizes = [1], strides = [1]} : vector<16xf32> to vector<1xf32>
        %squeeze3A_667 = vector.extract %slice3A_666[0] : f32 from vector<1xf32>
        %mul3A_668 = vector.broadcast %squeeze3A_667 : f32 to vector<16xf32>
        %mul3A_669 = arith.mulf %mul3A_668, %get3A_112 : vector<16xf32>
        %add3A_670 = arith.addf %add3A_665, %mul3A_669 : vector<16xf32>
        %slice3A_671 = vector.extract_strided_slice %max3A_572 {offsets = [4], sizes = [1], strides = [1]} : vector<16xf32> to vector<1xf32>
        %squeeze3A_672 = vector.extract %slice3A_671[0] : f32 from vector<1xf32>
        %mul3A_673 = vector.broadcast %squeeze3A_672 : f32 to vector<16xf32>
        %mul3A_674 = arith.mulf %mul3A_673, %get3A_117 : vector<16xf32>
        %add3A_675 = arith.addf %add3A_670, %mul3A_674 : vector<16xf32>
        %slice3A_676 = vector.extract_strided_slice %max3A_572 {offsets = [5], sizes = [1], strides = [1]} : vector<16xf32> to vector<1xf32>
        %squeeze3A_677 = vector.extract %slice3A_676[0] : f32 from vector<1xf32>
        %mul3A_678 = vector.broadcast %squeeze3A_677 : f32 to vector<16xf32>
        %mul3A_679 = arith.mulf %mul3A_678, %get3A_122 : vector<16xf32>
        %add3A_680 = arith.addf %add3A_675, %mul3A_679 : vector<16xf32>
        %slice3A_681 = vector.extract_strided_slice %max3A_572 {offsets = [6], sizes = [1], strides = [1]} : vector<16xf32> to vector<1xf32>
        %squeeze3A_682 = vector.extract %slice3A_681[0] : f32 from vector<1xf32>
        %mul3A_683 = vector.broadcast %squeeze3A_682 : f32 to vector<16xf32>
        %mul3A_684 = arith.mulf %mul3A_683, %get3A_127 : vector<16xf32>
        %add3A_685 = arith.addf %add3A_680, %mul3A_684 : vector<16xf32>
        %slice3A_686 = vector.extract_strided_slice %max3A_572 {offsets = [7], sizes = [1], strides = [1]} : vector<16xf32> to vector<1xf32>
        %squeeze3A_687 = vector.extract %slice3A_686[0] : f32 from vector<1xf32>
        %mul3A_688 = vector.broadcast %squeeze3A_687 : f32 to vector<16xf32>
        %mul3A_689 = arith.mulf %mul3A_688, %get3A_132 : vector<16xf32>
        %add3A_690 = arith.addf %add3A_685, %mul3A_689 : vector<16xf32>
        %slice3A_691 = vector.extract_strided_slice %max3A_572 {offsets = [8], sizes = [1], strides = [1]} : vector<16xf32> to vector<1xf32>
        %squeeze3A_692 = vector.extract %slice3A_691[0] : f32 from vector<1xf32>
        %mul3A_693 = vector.broadcast %squeeze3A_692 : f32 to vector<16xf32>
        %mul3A_694 = arith.mulf %mul3A_693, %get3A_137 : vector<16xf32>
        %add3A_695 = arith.addf %add3A_690, %mul3A_694 : vector<16xf32>
        %slice3A_696 = vector.extract_strided_slice %max3A_572 {offsets = [9], sizes = [1], strides = [1]} : vector<16xf32> to vector<1xf32>
        %squeeze3A_697 = vector.extract %slice3A_696[0] : f32 from vector<1xf32>
        %mul3A_698 = vector.broadcast %squeeze3A_697 : f32 to vector<16xf32>
        %mul3A_699 = arith.mulf %mul3A_698, %get3A_142 : vector<16xf32>
        %add3A_700 = arith.addf %add3A_695, %mul3A_699 : vector<16xf32>
        %slice3A_701 = vector.extract_strided_slice %max3A_572 {offsets = [10], sizes = [1], strides = [1]} : vector<16xf32> to vector<1xf32>
        %squeeze3A_702 = vector.extract %slice3A_701[0] : f32 from vector<1xf32>
        %mul3A_703 = vector.broadcast %squeeze3A_702 : f32 to vector<16xf32>
        %mul3A_704 = arith.mulf %mul3A_703, %get3A_147 : vector<16xf32>
        %add3A_705 = arith.addf %add3A_700, %mul3A_704 : vector<16xf32>
        %slice3A_706 = vector.extract_strided_slice %max3A_572 {offsets = [11], sizes = [1], strides = [1]} : vector<16xf32> to vector<1xf32>
        %squeeze3A_707 = vector.extract %slice3A_706[0] : f32 from vector<1xf32>
        %mul3A_708 = vector.broadcast %squeeze3A_707 : f32 to vector<16xf32>
        %mul3A_709 = arith.mulf %mul3A_708, %get3A_152 : vector<16xf32>
        %add3A_710 = arith.addf %add3A_705, %mul3A_709 : vector<16xf32>
        %slice3A_711 = vector.extract_strided_slice %max3A_572 {offsets = [12], sizes = [1], strides = [1]} : vector<16xf32> to vector<1xf32>
        %squeeze3A_712 = vector.extract %slice3A_711[0] : f32 from vector<1xf32>
        %mul3A_713 = vector.broadcast %squeeze3A_712 : f32 to vector<16xf32>
        %mul3A_714 = arith.mulf %mul3A_713, %get3A_157 : vector<16xf32>
        %add3A_715 = arith.addf %add3A_710, %mul3A_714 : vector<16xf32>
        %slice3A_716 = vector.extract_strided_slice %max3A_572 {offsets = [13], sizes = [1], strides = [1]} : vector<16xf32> to vector<1xf32>
        %squeeze3A_717 = vector.extract %slice3A_716[0] : f32 from vector<1xf32>
        %mul3A_718 = vector.broadcast %squeeze3A_717 : f32 to vector<16xf32>
        %mul3A_719 = arith.mulf %mul3A_718, %get3A_162 : vector<16xf32>
        %add3A_720 = arith.addf %add3A_715, %mul3A_719 : vector<16xf32>
        %slice3A_721 = vector.extract_strided_slice %max3A_572 {offsets = [14], sizes = [1], strides = [1]} : vector<16xf32> to vector<1xf32>
        %squeeze3A_722 = vector.extract %slice3A_721[0] : f32 from vector<1xf32>
        %mul3A_723 = vector.broadcast %squeeze3A_722 : f32 to vector<16xf32>
        %mul3A_724 = arith.mulf %mul3A_723, %get3A_167 : vector<16xf32>
        %add3A_725 = arith.addf %add3A_720, %mul3A_724 : vector<16xf32>
        %slice3A_726 = vector.extract_strided_slice %max3A_572 {offsets = [15], sizes = [1], strides = [1]} : vector<16xf32> to vector<1xf32>
        %squeeze3A_727 = vector.extract %slice3A_726[0] : f32 from vector<1xf32>
        %mul3A_728 = vector.broadcast %squeeze3A_727 : f32 to vector<16xf32>
        %mul3A_729 = arith.mulf %mul3A_728, %get3A_172 : vector<16xf32>
        %add3A_730 = arith.addf %add3A_725, %mul3A_729 : vector<16xf32>
        %abs3A = math.absf %add3A_730 : vector<16xf32>
        %mul3A_731 = arith.constant -2.000000e+00 : f32
        %mul3A_732 = vector.broadcast %mul3A_731 : f32 to vector<16xf32>
        %mul3A_733 = arith.mulf %mul3A_732, %abs3A : vector<16xf32>
        %exp3A = math.exp %mul3A_733 : vector<16xf32>
        %sub3A = arith.constant 1.000000e+00 : f32
        %sub3A_734 = vector.broadcast %sub3A : f32 to vector<16xf32>
        %sub3A_735 = arith.subf %sub3A_734, %exp3A : vector<16xf32>
        %add3A_736 = arith.constant 1.000000e+00 : f32
        %add3A_737 = vector.broadcast %add3A_736 : f32 to vector<16xf32>
        %add3A_738 = arith.addf %add3A_737, %exp3A : vector<16xf32>
        %div3A = arith.divf %sub3A_735, %add3A_738 : vector<16xf32>
        %lt3A_739 = arith.constant 0.000000e+00 : f32
        %lt3A_740 = vector.broadcast %lt3A_739 : f32 to vector<16xf32>
        %lt3A_741 = arith.cmpf olt, %add3A_730, %lt3A_740 : vector<16xf32>
        %neg3A = arith.constant 0.000000e+00 : f32
        %neg3A_742 = vector.broadcast %neg3A : f32 to vector<16xf32>
        %neg3A_743 = arith.subf %neg3A_742, %div3A : vector<16xf32>
        %select_n3A = arith.select %lt3A_741, %neg3A_743, %div3A : vector<16xi1>, vector<16xf32>
        %swap3A = arith.constant 0 : i32
        %swap3A_744 = arith.index_cast %swap3A : i32 to index
        %swap3A_745 = arith.index_cast %scan3A_538 : i32 to index
        %swap3A_746 = arith.constant 0 : index
        %swap3A_747 = tpu.vector_load %arg11[%swap3A_744, %swap3A_745, %swap3A_746] {strides = array<i32>} : memref<2x128x16xf32, #tpu.memory_space<vmem>>, vector<1x1x16xf32>,
        %swap3A_748 = vector.shape_cast %swap3A_747 : vector<1x1x16xf32> to vector<16xf32>
        %swap3A_749 = vector.shape_cast %select_n3A : vector<16xf32> to vector<1x1x16xf32>
        tpu.vector_store %arg11[%swap3A_744, %swap3A_745, %swap3A_746], %swap3A_749 {strides = array<i32>} : memref<2x128x16xf32, #tpu.memory_space<vmem>>, vector<1x1x16xf32>,
        %scan3A_750 = arith.constant 0 : i32
        scf.yield %scan3A_750 : i32
      }
      %scan3A_449 = arith.constant 128 : i32
      %dma_start3A_450 = arith.constant 0 : i32
      %dma_start3A_451 = arith.constant 2 : i32
      %dma_start3A_452 = arith.constant 1 : i32
      %dma_start3A_453 = arith.constant 0 : i32
      %dma_start3A_454 = arith.constant 0 : i32
      %dma_start3A_455 = tpu.memref_slice %arg11[%dma_start3A_450, %dma_start3A_453, %dma_start3A_454] : memref<2x128x16xf32, #tpu.memory_space<vmem>> -> memref<1x128x16xf32, #tpu.memory_space<vmem>>
      %dma_start3A_456 = tpu.memref_squeeze %dma_start3A_455 : memref<1x128x16xf32, #tpu.memory_space<vmem>> -> memref<128x16xf32, #tpu.memory_space<vmem>>
      %dma_start3A_457 = arith.constant 0 : i32
      %dma_start3A_458 = tpu.memref_slice %arg8[%dma_start3A_451, %dma_start3A_452, %dma_start3A_457] : memref<4x2x128xi32, #tpu.memory_space<vmem>> -> memref<1x1x128xi32, #tpu.memory_space<vmem>>
      %dma_start3A_459 = tpu.memref_squeeze %dma_start3A_458 : memref<1x1x128xi32, #tpu.memory_space<vmem>> -> memref<128xi32, #tpu.memory_space<vmem>>
      %dma_start3A_460 = arith.constant 0 : i32
      %dma_start3A_461 = arith.constant 0 : i32
      %dma_start3A_462 = tpu.memref_slice %arg14[%dma_start3A_460, %dma_start3A_461] : memref<100352x16xf32, #tpu.memory_space<vmem_shared>> -> memref<100352x16xf32, #tpu.memory_space<vmem_shared>>
      tpu.enqueue_indirect_dma source(%dma_start3A_456 : memref<128x16xf32, #tpu.memory_space<vmem>>) target(%dma_start3A_462 : memref<100352x16xf32, #tpu.memory_space<vmem_shared>>) offsets(%dma_start3A_459 : memref<128xi32, #tpu.memory_space<vmem>>) semaphore(%arg19 : memref<!tpu.dma_semaphore, #tpu.memory_space<semaphore_mem>>) {add = true}
      %add3A_463 = arith.constant 2 : i32
      %add3A_464 = arith.addi %add3A_404, %add3A_463 : i32
      %lt3A_465 = arith.constant 392 : i32
      %lt3A_466 = arith.cmpi slt, %add3A_464, %lt3A_465 : i32
      %convert_element_type3A_467 = arith.extui %lt3A_466 : i1 to i32
      %cond3A_468 = arith.constant 0 : i32
      %cond3A_469 = arith.cmpi ne, %convert_element_type3A_467, %cond3A_468 : i32
      scf.if %cond3A_469 {
        %add3A_538 = arith.constant 2 : i32
        %add3A_539 = arith.addi %add3A_404, %add3A_538 : i32
        %dma_wait3A_540 = arith.constant 0 : i32
        %dma_wait3A_541 = arith.constant 0 : i32
        %dma_wait3A_542 = arith.constant 0 : i32
        %dma_wait3A_543 = tpu.memref_slice %arg8[%dma_wait3A_540, %dma_wait3A_541, %dma_wait3A_542] : memref<4x2x128xi32, #tpu.memory_space<vmem>> -> memref<1x2x128xi32, #tpu.memory_space<vmem>>
        %dma_wait3A_544 = tpu.memref_squeeze %dma_wait3A_543 : memref<1x2x128xi32, #tpu.memory_space<vmem>> -> memref<2x128xi32, #tpu.memory_space<vmem>>
        %dma_wait3A_545 = arith.constant 0 : i32
        %dma_wait3A_546 = arith.constant 0 : i32
        %dma_wait3A_547 = tpu.memref_slice %arg4[%add3A, %add3A_539, %dma_wait3A_545, %dma_wait3A_546] : memref<32x392x2x128xi32, #tpu.memory_space<hbm>> -> memref<1x1x2x128xi32, #tpu.memory_space<hbm>>
        %dma_wait3A_548 = tpu.memref_squeeze %dma_wait3A_547 : memref<1x1x2x128xi32, #tpu.memory_space<hbm>> -> memref<2x128xi32, #tpu.memory_space<hbm>>
        %dma_wait3A_549 = arith.constant 0 : i32
        %dma_wait3A_550 = arith.constant 0 : i32
        %dma_wait3A_551 = tpu.memref_slice %arg8[%dma_wait3A_540, %dma_wait3A_549, %dma_wait3A_550] : memref<4x2x128xi32, #tpu.memory_space<vmem>> -> memref<1x2x128xi32, #tpu.memory_space<vmem>>
        %dma_wait3A_552 = tpu.memref_squeeze %dma_wait3A_551 : memref<1x2x128xi32, #tpu.memory_space<vmem>> -> memref<2x128xi32, #tpu.memory_space<vmem>>
        %dma_wait3A_553 = arith.constant 0 : i32
        %dma_wait3A_554 = arith.constant 0 : i32
        %dma_wait3A_555 = tpu.memref_slice %arg4[%add3A, %add3A_539, %dma_wait3A_553, %dma_wait3A_554] : memref<32x392x2x128xi32, #tpu.memory_space<hbm>> -> memref<1x1x2x128xi32, #tpu.memory_space<hbm>>
        %dma_wait3A_556 = tpu.memref_squeeze %dma_wait3A_555 : memref<1x1x2x128xi32, #tpu.memory_space<hbm>> -> memref<2x128xi32, #tpu.memory_space<hbm>>
        tpu.wait_dma2 semaphore(%arg21 : memref<!tpu.dma_semaphore, #tpu.memory_space<semaphore_mem>>) src(%dma_wait3A_556 : memref<2x128xi32, #tpu.memory_space<hbm>>) dst(%dma_wait3A_552 : memref<2x128xi32, #tpu.memory_space<vmem>>)
        %dma_start3A_557 = arith.constant 0 : i32
        %dma_start3A_558 = arith.constant 0 : i32
        %dma_start3A_559 = arith.constant 0 : i32
        %dma_start3A_560 = arith.constant 0 : i32
        %dma_start3A_561 = arith.constant 0 : i32
        %dma_start3A_562 = tpu.memref_slice %arg9[%dma_start3A_559, %dma_start3A_560, %dma_start3A_561] : memref<2x128x32xf32, #tpu.memory_space<vmem>> -> memref<1x128x32xf32, #tpu.memory_space<vmem>>
        %dma_start3A_563 = tpu.memref_squeeze %dma_start3A_562 : memref<1x128x32xf32, #tpu.memory_space<vmem>> -> memref<128x32xf32, #tpu.memory_space<vmem>>
        %dma_start3A_564 = arith.constant 0 : i32
        %dma_start3A_565 = tpu.memref_slice %arg8[%dma_start3A_557, %dma_start3A_558, %dma_start3A_564] : memref<4x2x128xi32, #tpu.memory_space<vmem>> -> memref<1x1x128xi32, #tpu.memory_space<vmem>>
        %dma_start3A_566 = tpu.memref_squeeze %dma_start3A_565 : memref<1x1x128xi32, #tpu.memory_space<vmem>> -> memref<128xi32, #tpu.memory_space<vmem>>
        %dma_start3A_567 = arith.constant 0 : i32
        %dma_start3A_568 = arith.constant 0 : i32
        %dma_start3A_569 = tpu.memref_slice %arg2[%dma_start3A_567, %dma_start3A_568] : memref<100000x32xf32, #tpu.memory_space<hbm>> -> memref<100000x32xf32, #tpu.memory_space<hbm>>
        tpu.enqueue_indirect_dma source(%dma_start3A_569 : memref<100000x32xf32, #tpu.memory_space<hbm>>) target(%dma_start3A_563 : memref<128x32xf32, #tpu.memory_space<vmem>>) offsets(%dma_start3A_566 : memref<128xi32, #tpu.memory_space<vmem>>) semaphore(%arg15 : memref<!tpu.dma_semaphore, #tpu.memory_space<semaphore_mem>>)
        %dma_start3A_570 = arith.constant 0 : i32
        %dma_start3A_571 = arith.constant 1 : i32
        %dma_start3A_572 = arith.constant 0 : i32
        %dma_start3A_573 = arith.constant 0 : i32
        %dma_start3A_574 = arith.constant 0 : i32
        %dma_start3A_575 = tpu.memref_slice %arg10[%dma_start3A_572, %dma_start3A_573, %dma_start3A_574] : memref<2x128x32xf32, #tpu.memory_space<vmem>> -> memref<1x128x32xf32, #tpu.memory_space<vmem>>
        %dma_start3A_576 = tpu.memref_squeeze %dma_start3A_575 : memref<1x128x32xf32, #tpu.memory_space<vmem>> -> memref<128x32xf32, #tpu.memory_space<vmem>>
        %dma_start3A_577 = arith.constant 0 : i32
        %dma_start3A_578 = tpu.memref_slice %arg8[%dma_start3A_570, %dma_start3A_571, %dma_start3A_577] : memref<4x2x128xi32, #tpu.memory_space<vmem>> -> memref<1x1x128xi32, #tpu.memory_space<vmem>>
        %dma_start3A_579 = tpu.memref_squeeze %dma_start3A_578 : memref<1x1x128xi32, #tpu.memory_space<vmem>> -> memref<128xi32, #tpu.memory_space<vmem>>
        %dma_start3A_580 = arith.constant 0 : i32
        %dma_start3A_581 = arith.constant 0 : i32
        %dma_start3A_582 = tpu.memref_slice %arg3[%dma_start3A_580, %dma_start3A_581] : memref<100000x32xf32, #tpu.memory_space<hbm>> -> memref<100000x32xf32, #tpu.memory_space<hbm>>
        tpu.enqueue_indirect_dma source(%dma_start3A_582 : memref<100000x32xf32, #tpu.memory_space<hbm>>) target(%dma_start3A_576 : memref<128x32xf32, #tpu.memory_space<vmem>>) offsets(%dma_start3A_579 : memref<128xi32, #tpu.memory_space<vmem>>) semaphore(%arg17 : memref<!tpu.dma_semaphore, #tpu.memory_space<semaphore_mem>>)
      } else {
      }
      %add3A_470 = arith.constant 3 : i32
      %add3A_471 = arith.addi %mul3A_270, %add3A_470 : i32
      %dma_wait3A_472 = arith.constant 3 : i32
      %dma_wait3A_473 = arith.constant 0 : i32
      %dma_wait3A_474 = arith.constant 1 : i32
      %dma_wait3A_475 = arith.constant 0 : i32
      %dma_wait3A_476 = arith.constant 0 : i32
      %dma_wait3A_477 = tpu.memref_slice %arg9[%dma_wait3A_474, %dma_wait3A_475, %dma_wait3A_476] : memref<2x128x32xf32, #tpu.memory_space<vmem>> -> memref<1x128x32xf32, #tpu.memory_space<vmem>>
      %dma_wait3A_478 = tpu.memref_squeeze %dma_wait3A_477 : memref<1x128x32xf32, #tpu.memory_space<vmem>> -> memref<128x32xf32, #tpu.memory_space<vmem>>
      %dma_wait3A_479 = arith.constant 0 : i32
      %dma_wait3A_480 = tpu.memref_slice %arg8[%dma_wait3A_472, %dma_wait3A_473, %dma_wait3A_479] : memref<4x2x128xi32, #tpu.memory_space<vmem>> -> memref<1x1x128xi32, #tpu.memory_space<vmem>>
      %dma_wait3A_481 = tpu.memref_squeeze %dma_wait3A_480 : memref<1x1x128xi32, #tpu.memory_space<vmem>> -> memref<128xi32, #tpu.memory_space<vmem>>
      %dma_wait3A_482 = arith.constant 0 : i32
      %dma_wait3A_483 = arith.constant 0 : i32
      %dma_wait3A_484 = tpu.memref_slice %arg2[%dma_wait3A_482, %dma_wait3A_483] : memref<100000x32xf32, #tpu.memory_space<hbm>> -> memref<100000x32xf32, #tpu.memory_space<hbm>>
      tpu.wait_indirect_dma semaphore(%arg16 : memref<!tpu.dma_semaphore, #tpu.memory_space<semaphore_mem>>) src(%dma_wait3A_484 : memref<100000x32xf32, #tpu.memory_space<hbm>>) dst(%dma_wait3A_478 : memref<128x32xf32, #tpu.memory_space<vmem>>)
      %dma_wait3A_485 = arith.constant 3 : i32
      %dma_wait3A_486 = arith.constant 1 : i32
      %dma_wait3A_487 = arith.constant 1 : i32
      %dma_wait3A_488 = arith.constant 0 : i32
      %dma_wait3A_489 = arith.constant 0 : i32
      %dma_wait3A_490 = tpu.memref_slice %arg10[%dma_wait3A_487, %dma_wait3A_488, %dma_wait3A_489] : memref<2x128x32xf32, #tpu.memory_space<vmem>> -> memref<1x128x32xf32, #tpu.memory_space<vmem>>
      %dma_wait3A_491 = tpu.memref_squeeze %dma_wait3A_490 : memref<1x128x32xf32, #tpu.memory_space<vmem>> -> memref<128x32xf32, #tpu.memory_space<vmem>>
      %dma_wait3A_492 = arith.constant 0 : i32
      %dma_wait3A_493 = tpu.memref_slice %arg8[%dma_wait3A_485, %dma_wait3A_486, %dma_wait3A_492] : memref<4x2x128xi32, #tpu.memory_space<vmem>> -> memref<1x1x128xi32, #tpu.memory_space<vmem>>
      %dma_wait3A_494 = tpu.memref_squeeze %dma_wait3A_493 : memref<1x1x128xi32, #tpu.memory_space<vmem>> -> memref<128xi32, #tpu.memory_space<vmem>>
      %dma_wait3A_495 = arith.constant 0 : i32
      %dma_wait3A_496 = arith.constant 0 : i32
      %dma_wait3A_497 = tpu.memref_slice %arg3[%dma_wait3A_495, %dma_wait3A_496] : memref<100000x32xf32, #tpu.memory_space<hbm>> -> memref<100000x32xf32, #tpu.memory_space<hbm>>
      tpu.wait_indirect_dma semaphore(%arg18 : memref<!tpu.dma_semaphore, #tpu.memory_space<semaphore_mem>>) src(%dma_wait3A_497 : memref<100000x32xf32, #tpu.memory_space<hbm>>) dst(%dma_wait3A_491 : memref<128x32xf32, #tpu.memory_space<vmem>>)
      %ge3A_498 = arith.constant 2 : i32
      %ge3A_499 = arith.cmpi sge, %add3A_471, %ge3A_498 : i32
      %convert_element_type3A_500 = arith.extui %ge3A_499 : i1 to i32
      %cond3A_501 = arith.constant 0 : i32
      %cond3A_502 = arith.cmpi ne, %convert_element_type3A_500, %cond3A_501 : i32
      scf.if %cond3A_502 {
        %dma_wait3A_538 = arith.constant 1 : i32
        %dma_wait3A_539 = arith.constant 3 : i32
        %dma_wait3A_540 = arith.constant 1 : i32
        %dma_wait3A_541 = arith.constant 0 : i32
        %dma_wait3A_542 = arith.constant 0 : i32
        %dma_wait3A_543 = tpu.memref_slice %arg11[%dma_wait3A_538, %dma_wait3A_541, %dma_wait3A_542] : memref<2x128x16xf32, #tpu.memory_space<vmem>> -> memref<1x128x16xf32, #tpu.memory_space<vmem>>
        %dma_wait3A_544 = tpu.memref_squeeze %dma_wait3A_543 : memref<1x128x16xf32, #tpu.memory_space<vmem>> -> memref<128x16xf32, #tpu.memory_space<vmem>>
        %dma_wait3A_545 = arith.constant 0 : i32
        %dma_wait3A_546 = tpu.memref_slice %arg8[%dma_wait3A_539, %dma_wait3A_540, %dma_wait3A_545] : memref<4x2x128xi32, #tpu.memory_space<vmem>> -> memref<1x1x128xi32, #tpu.memory_space<vmem>>
        %dma_wait3A_547 = tpu.memref_squeeze %dma_wait3A_546 : memref<1x1x128xi32, #tpu.memory_space<vmem>> -> memref<128xi32, #tpu.memory_space<vmem>>
        %dma_wait3A_548 = arith.constant 0 : i32
        %dma_wait3A_549 = arith.constant 0 : i32
        %dma_wait3A_550 = tpu.memref_slice %arg14[%dma_wait3A_548, %dma_wait3A_549] : memref<100352x16xf32, #tpu.memory_space<vmem_shared>> -> memref<100352x16xf32, #tpu.memory_space<vmem_shared>>
        tpu.wait_indirect_dma semaphore(%arg20 : memref<!tpu.dma_semaphore, #tpu.memory_space<semaphore_mem>>) src(%dma_wait3A_544 : memref<128x16xf32, #tpu.memory_space<vmem>>) dst(%dma_wait3A_550 : memref<100352x16xf32, #tpu.memory_space<vmem_shared>>)
      } else {
      }
      %add3A_503 = arith.constant 2 : i32
      %add3A_504 = arith.addi %add3A_471, %add3A_503 : i32
      %lt3A_505 = arith.constant 392 : i32
      %lt3A_506 = arith.cmpi slt, %add3A_504, %lt3A_505 : i32
      %convert_element_type3A_507 = arith.extui %lt3A_506 : i1 to i32
      %cond3A_508 = arith.constant 0 : i32
      %cond3A_509 = arith.cmpi ne, %convert_element_type3A_507, %cond3A_508 : i32
      scf.if %cond3A_509 {
        %add3A_538 = arith.constant 2 : i32
        %add3A_539 = arith.addi %add3A_471, %add3A_538 : i32
        %dma_start3A_540 = arith.constant 1 : i32
        %dma_start3A_541 = arith.constant 0 : i32
        %dma_start3A_542 = arith.constant 0 : i32
        %dma_start3A_543 = tpu.memref_slice %arg8[%dma_start3A_540, %dma_start3A_541, %dma_start3A_542] : memref<4x2x128xi32, #tpu.memory_space<vmem>> -> memref<1x2x128xi32, #tpu.memory_space<vmem>>
        %dma_start3A_544 = tpu.memref_squeeze %dma_start3A_543 : memref<1x2x128xi32, #tpu.memory_space<vmem>> -> memref<2x128xi32, #tpu.memory_space<vmem>>
        %dma_start3A_545 = arith.constant 0 : i32
        %dma_start3A_546 = arith.constant 0 : i32
        %dma_start3A_547 = tpu.memref_slice %arg4[%add3A, %add3A_539, %dma_start3A_545, %dma_start3A_546] : memref<32x392x2x128xi32, #tpu.memory_space<hbm>> -> memref<1x1x2x128xi32, #tpu.memory_space<hbm>>
        %dma_start3A_548 = tpu.memref_squeeze %dma_start3A_547 : memref<1x1x2x128xi32, #tpu.memory_space<hbm>> -> memref<2x128xi32, #tpu.memory_space<hbm>>
        %dma_start3A_549 = arith.constant 0 : i32
        %dma_start3A_550 = arith.constant 0 : i32
        %dma_start3A_551 = tpu.memref_slice %arg8[%dma_start3A_540, %dma_start3A_549, %dma_start3A_550] : memref<4x2x128xi32, #tpu.memory_space<vmem>> -> memref<1x2x128xi32, #tpu.memory_space<vmem>>
        %dma_start3A_552 = tpu.memref_squeeze %dma_start3A_551 : memref<1x2x128xi32, #tpu.memory_space<vmem>> -> memref<2x128xi32, #tpu.memory_space<vmem>>
        %dma_start3A_553 = arith.constant 0 : i32
        %dma_start3A_554 = arith.constant 0 : i32
        %dma_start3A_555 = tpu.memref_slice %arg4[%add3A, %add3A_539, %dma_start3A_553, %dma_start3A_554] : memref<32x392x2x128xi32, #tpu.memory_space<hbm>> -> memref<1x1x2x128xi32, #tpu.memory_space<hbm>>
        %dma_start3A_556 = tpu.memref_squeeze %dma_start3A_555 : memref<1x1x2x128xi32, #tpu.memory_space<hbm>> -> memref<2x128xi32, #tpu.memory_space<hbm>>
        tpu.enqueue_dma source(%dma_start3A_556 : memref<2x128xi32, #tpu.memory_space<hbm>>) target(%dma_start3A_552 : memref<2x128xi32, #tpu.memory_space<vmem>>) target_semaphore(%arg22 : memref<!tpu.dma_semaphore, #tpu.memory_space<semaphore_mem>>)
      } else {
      }
      %scan3A_510 = arith.constant 0 : i32
      %scan3A_511 = arith.constant 0 : i32
      %scan3A_512 = arith.constant 128 : i32
      %scan3A_513 = arith.addi %scan3A_511, %scan3A_512 : i32
      %scan3A_514 = arith.constant 1 : i32
      %scan3A_515 = scf.for %scan3A_538 = %scan3A_511 to %scan3A_513 step %scan3A_514 iter_args(%scan3A_539 = %scan3A_510) -> (i32)  : i32 {
        %get3A_540 = arith.constant 1 : i32
        %get3A_541 = arith.index_cast %get3A_540 : i32 to index
        %get3A_542 = arith.index_cast %scan3A_538 : i32 to index
        %get3A_543 = arith.constant 0 : index
        %get3A_544 = tpu.vector_load %arg9[%get3A_541, %get3A_542, %get3A_543] {strides = array<i32>} : memref<2x128x32xf32, #tpu.memory_space<vmem>>, vector<1x1x16xf32>,
        %get3A_545 = vector.shape_cast %get3A_544 : vector<1x1x16xf32> to vector<16xf32>
        %get3A_546 = arith.constant 1 : i32
        %get3A_547 = arith.index_cast %get3A_546 : i32 to index
        %get3A_548 = arith.index_cast %scan3A_538 : i32 to index
        %get3A_549 = arith.constant 0 : index
        %get3A_550 = tpu.vector_load %arg10[%get3A_547, %get3A_548, %get3A_549] {strides = array<i32>} : memref<2x128x32xf32, #tpu.memory_space<vmem>>, vector<1x1x16xf32>,
        %get3A_551 = vector.shape_cast %get3A_550 : vector<1x1x16xf32> to vector<16xf32>
        %add3A_552 = arith.addf %get3A_545, %get3A_551 : vector<16xf32>
        %get3A_553 = arith.constant 1 : i32
        %get3A_554 = arith.index_cast %get3A_553 : i32 to index
        %get3A_555 = arith.index_cast %scan3A_538 : i32 to index
        %get3A_556 = arith.constant 16 : index
        %get3A_557 = tpu.vector_load %arg9[%get3A_554, %get3A_555, %get3A_556] {strides = array<i32>} : memref<2x128x32xf32, #tpu.memory_space<vmem>>, vector<1x1x16xf32>,
        %get3A_558 = vector.shape_cast %get3A_557 : vector<1x1x16xf32> to vector<16xf32>
        %get3A_559 = arith.constant 1 : i32
        %get3A_560 = arith.index_cast %get3A_559 : i32 to index
        %get3A_561 = arith.index_cast %scan3A_538 : i32 to index
        %get3A_562 = arith.constant 16 : index
        %get3A_563 = tpu.vector_load %arg10[%get3A_560, %get3A_561, %get3A_562] {strides = array<i32>} : memref<2x128x32xf32, #tpu.memory_space<vmem>>, vector<1x1x16xf32>,
        %get3A_564 = vector.shape_cast %get3A_563 : vector<1x1x16xf32> to vector<16xf32>
        %add3A_565 = arith.addf %get3A_558, %get3A_564 : vector<16xf32>
        %mul3A_566 = arith.constant 0.00999999977 : f32
        %mul3A_567 = vector.broadcast %mul3A_566 : f32 to vector<16xf32>
        %mul3A_568 = arith.mulf %add3A_552, %mul3A_567 : vector<16xf32>
        %max3A = arith.maximumf %add3A_552, %mul3A_568 : vector<16xf32>
        %mul3A_569 = arith.constant 0.00999999977 : f32
        %mul3A_570 = vector.broadcast %mul3A_569 : f32 to vector<16xf32>
        %mul3A_571 = arith.mulf %add3A_565, %mul3A_570 : vector<16xf32>
        %max3A_572 = arith.maximumf %add3A_565, %mul3A_571 : vector<16xf32>
        %slice3A = vector.extract_strided_slice %max3A {offsets = [0], sizes = [1], strides = [1]} : vector<16xf32> to vector<1xf32>
        %squeeze3A = vector.extract %slice3A[0] : f32 from vector<1xf32>
        %mul3A_573 = vector.broadcast %squeeze3A : f32 to vector<16xf32>
        %mul3A_574 = arith.mulf %mul3A_573, %get3A_17 : vector<16xf32>
        %add3A_575 = arith.addf %get3A_175, %mul3A_574 : vector<16xf32>
        %slice3A_576 = vector.extract_strided_slice %max3A {offsets = [1], sizes = [1], strides = [1]} : vector<16xf32> to vector<1xf32>
        %squeeze3A_577 = vector.extract %slice3A_576[0] : f32 from vector<1xf32>
        %mul3A_578 = vector.broadcast %squeeze3A_577 : f32 to vector<16xf32>
        %mul3A_579 = arith.mulf %mul3A_578, %get3A_22 : vector<16xf32>
        %add3A_580 = arith.addf %add3A_575, %mul3A_579 : vector<16xf32>
        %slice3A_581 = vector.extract_strided_slice %max3A {offsets = [2], sizes = [1], strides = [1]} : vector<16xf32> to vector<1xf32>
        %squeeze3A_582 = vector.extract %slice3A_581[0] : f32 from vector<1xf32>
        %mul3A_583 = vector.broadcast %squeeze3A_582 : f32 to vector<16xf32>
        %mul3A_584 = arith.mulf %mul3A_583, %get3A_27 : vector<16xf32>
        %add3A_585 = arith.addf %add3A_580, %mul3A_584 : vector<16xf32>
        %slice3A_586 = vector.extract_strided_slice %max3A {offsets = [3], sizes = [1], strides = [1]} : vector<16xf32> to vector<1xf32>
        %squeeze3A_587 = vector.extract %slice3A_586[0] : f32 from vector<1xf32>
        %mul3A_588 = vector.broadcast %squeeze3A_587 : f32 to vector<16xf32>
        %mul3A_589 = arith.mulf %mul3A_588, %get3A_32 : vector<16xf32>
        %add3A_590 = arith.addf %add3A_585, %mul3A_589 : vector<16xf32>
        %slice3A_591 = vector.extract_strided_slice %max3A {offsets = [4], sizes = [1], strides = [1]} : vector<16xf32> to vector<1xf32>
        %squeeze3A_592 = vector.extract %slice3A_591[0] : f32 from vector<1xf32>
        %mul3A_593 = vector.broadcast %squeeze3A_592 : f32 to vector<16xf32>
        %mul3A_594 = arith.mulf %mul3A_593, %get3A_37 : vector<16xf32>
        %add3A_595 = arith.addf %add3A_590, %mul3A_594 : vector<16xf32>
        %slice3A_596 = vector.extract_strided_slice %max3A {offsets = [5], sizes = [1], strides = [1]} : vector<16xf32> to vector<1xf32>
        %squeeze3A_597 = vector.extract %slice3A_596[0] : f32 from vector<1xf32>
        %mul3A_598 = vector.broadcast %squeeze3A_597 : f32 to vector<16xf32>
        %mul3A_599 = arith.mulf %mul3A_598, %get3A_42 : vector<16xf32>
        %add3A_600 = arith.addf %add3A_595, %mul3A_599 : vector<16xf32>
        %slice3A_601 = vector.extract_strided_slice %max3A {offsets = [6], sizes = [1], strides = [1]} : vector<16xf32> to vector<1xf32>
        %squeeze3A_602 = vector.extract %slice3A_601[0] : f32 from vector<1xf32>
        %mul3A_603 = vector.broadcast %squeeze3A_602 : f32 to vector<16xf32>
        %mul3A_604 = arith.mulf %mul3A_603, %get3A_47 : vector<16xf32>
        %add3A_605 = arith.addf %add3A_600, %mul3A_604 : vector<16xf32>
        %slice3A_606 = vector.extract_strided_slice %max3A {offsets = [7], sizes = [1], strides = [1]} : vector<16xf32> to vector<1xf32>
        %squeeze3A_607 = vector.extract %slice3A_606[0] : f32 from vector<1xf32>
        %mul3A_608 = vector.broadcast %squeeze3A_607 : f32 to vector<16xf32>
        %mul3A_609 = arith.mulf %mul3A_608, %get3A_52 : vector<16xf32>
        %add3A_610 = arith.addf %add3A_605, %mul3A_609 : vector<16xf32>
        %slice3A_611 = vector.extract_strided_slice %max3A {offsets = [8], sizes = [1], strides = [1]} : vector<16xf32> to vector<1xf32>
        %squeeze3A_612 = vector.extract %slice3A_611[0] : f32 from vector<1xf32>
        %mul3A_613 = vector.broadcast %squeeze3A_612 : f32 to vector<16xf32>
        %mul3A_614 = arith.mulf %mul3A_613, %get3A_57 : vector<16xf32>
        %add3A_615 = arith.addf %add3A_610, %mul3A_614 : vector<16xf32>
        %slice3A_616 = vector.extract_strided_slice %max3A {offsets = [9], sizes = [1], strides = [1]} : vector<16xf32> to vector<1xf32>
        %squeeze3A_617 = vector.extract %slice3A_616[0] : f32 from vector<1xf32>
        %mul3A_618 = vector.broadcast %squeeze3A_617 : f32 to vector<16xf32>
        %mul3A_619 = arith.mulf %mul3A_618, %get3A_62 : vector<16xf32>
        %add3A_620 = arith.addf %add3A_615, %mul3A_619 : vector<16xf32>
        %slice3A_621 = vector.extract_strided_slice %max3A {offsets = [10], sizes = [1], strides = [1]} : vector<16xf32> to vector<1xf32>
        %squeeze3A_622 = vector.extract %slice3A_621[0] : f32 from vector<1xf32>
        %mul3A_623 = vector.broadcast %squeeze3A_622 : f32 to vector<16xf32>
        %mul3A_624 = arith.mulf %mul3A_623, %get3A_67 : vector<16xf32>
        %add3A_625 = arith.addf %add3A_620, %mul3A_624 : vector<16xf32>
        %slice3A_626 = vector.extract_strided_slice %max3A {offsets = [11], sizes = [1], strides = [1]} : vector<16xf32> to vector<1xf32>
        %squeeze3A_627 = vector.extract %slice3A_626[0] : f32 from vector<1xf32>
        %mul3A_628 = vector.broadcast %squeeze3A_627 : f32 to vector<16xf32>
        %mul3A_629 = arith.mulf %mul3A_628, %get3A_72 : vector<16xf32>
        %add3A_630 = arith.addf %add3A_625, %mul3A_629 : vector<16xf32>
        %slice3A_631 = vector.extract_strided_slice %max3A {offsets = [12], sizes = [1], strides = [1]} : vector<16xf32> to vector<1xf32>
        %squeeze3A_632 = vector.extract %slice3A_631[0] : f32 from vector<1xf32>
        %mul3A_633 = vector.broadcast %squeeze3A_632 : f32 to vector<16xf32>
        %mul3A_634 = arith.mulf %mul3A_633, %get3A_77 : vector<16xf32>
        %add3A_635 = arith.addf %add3A_630, %mul3A_634 : vector<16xf32>
        %slice3A_636 = vector.extract_strided_slice %max3A {offsets = [13], sizes = [1], strides = [1]} : vector<16xf32> to vector<1xf32>
        %squeeze3A_637 = vector.extract %slice3A_636[0] : f32 from vector<1xf32>
        %mul3A_638 = vector.broadcast %squeeze3A_637 : f32 to vector<16xf32>
        %mul3A_639 = arith.mulf %mul3A_638, %get3A_82 : vector<16xf32>
        %add3A_640 = arith.addf %add3A_635, %mul3A_639 : vector<16xf32>
        %slice3A_641 = vector.extract_strided_slice %max3A {offsets = [14], sizes = [1], strides = [1]} : vector<16xf32> to vector<1xf32>
        %squeeze3A_642 = vector.extract %slice3A_641[0] : f32 from vector<1xf32>
        %mul3A_643 = vector.broadcast %squeeze3A_642 : f32 to vector<16xf32>
        %mul3A_644 = arith.mulf %mul3A_643, %get3A_87 : vector<16xf32>
        %add3A_645 = arith.addf %add3A_640, %mul3A_644 : vector<16xf32>
        %slice3A_646 = vector.extract_strided_slice %max3A {offsets = [15], sizes = [1], strides = [1]} : vector<16xf32> to vector<1xf32>
        %squeeze3A_647 = vector.extract %slice3A_646[0] : f32 from vector<1xf32>
        %mul3A_648 = vector.broadcast %squeeze3A_647 : f32 to vector<16xf32>
        %mul3A_649 = arith.mulf %mul3A_648, %get3A_92 : vector<16xf32>
        %add3A_650 = arith.addf %add3A_645, %mul3A_649 : vector<16xf32>
        %slice3A_651 = vector.extract_strided_slice %max3A_572 {offsets = [0], sizes = [1], strides = [1]} : vector<16xf32> to vector<1xf32>
        %squeeze3A_652 = vector.extract %slice3A_651[0] : f32 from vector<1xf32>
        %mul3A_653 = vector.broadcast %squeeze3A_652 : f32 to vector<16xf32>
        %mul3A_654 = arith.mulf %mul3A_653, %get3A_97 : vector<16xf32>
        %add3A_655 = arith.addf %add3A_650, %mul3A_654 : vector<16xf32>
        %slice3A_656 = vector.extract_strided_slice %max3A_572 {offsets = [1], sizes = [1], strides = [1]} : vector<16xf32> to vector<1xf32>
        %squeeze3A_657 = vector.extract %slice3A_656[0] : f32 from vector<1xf32>
        %mul3A_658 = vector.broadcast %squeeze3A_657 : f32 to vector<16xf32>
        %mul3A_659 = arith.mulf %mul3A_658, %get3A_102 : vector<16xf32>
        %add3A_660 = arith.addf %add3A_655, %mul3A_659 : vector<16xf32>
        %slice3A_661 = vector.extract_strided_slice %max3A_572 {offsets = [2], sizes = [1], strides = [1]} : vector<16xf32> to vector<1xf32>
        %squeeze3A_662 = vector.extract %slice3A_661[0] : f32 from vector<1xf32>
        %mul3A_663 = vector.broadcast %squeeze3A_662 : f32 to vector<16xf32>
        %mul3A_664 = arith.mulf %mul3A_663, %get3A_107 : vector<16xf32>
        %add3A_665 = arith.addf %add3A_660, %mul3A_664 : vector<16xf32>
        %slice3A_666 = vector.extract_strided_slice %max3A_572 {offsets = [3], sizes = [1], strides = [1]} : vector<16xf32> to vector<1xf32>
        %squeeze3A_667 = vector.extract %slice3A_666[0] : f32 from vector<1xf32>
        %mul3A_668 = vector.broadcast %squeeze3A_667 : f32 to vector<16xf32>
        %mul3A_669 = arith.mulf %mul3A_668, %get3A_112 : vector<16xf32>
        %add3A_670 = arith.addf %add3A_665, %mul3A_669 : vector<16xf32>
        %slice3A_671 = vector.extract_strided_slice %max3A_572 {offsets = [4], sizes = [1], strides = [1]} : vector<16xf32> to vector<1xf32>
        %squeeze3A_672 = vector.extract %slice3A_671[0] : f32 from vector<1xf32>
        %mul3A_673 = vector.broadcast %squeeze3A_672 : f32 to vector<16xf32>
        %mul3A_674 = arith.mulf %mul3A_673, %get3A_117 : vector<16xf32>
        %add3A_675 = arith.addf %add3A_670, %mul3A_674 : vector<16xf32>
        %slice3A_676 = vector.extract_strided_slice %max3A_572 {offsets = [5], sizes = [1], strides = [1]} : vector<16xf32> to vector<1xf32>
        %squeeze3A_677 = vector.extract %slice3A_676[0] : f32 from vector<1xf32>
        %mul3A_678 = vector.broadcast %squeeze3A_677 : f32 to vector<16xf32>
        %mul3A_679 = arith.mulf %mul3A_678, %get3A_122 : vector<16xf32>
        %add3A_680 = arith.addf %add3A_675, %mul3A_679 : vector<16xf32>
        %slice3A_681 = vector.extract_strided_slice %max3A_572 {offsets = [6], sizes = [1], strides = [1]} : vector<16xf32> to vector<1xf32>
        %squeeze3A_682 = vector.extract %slice3A_681[0] : f32 from vector<1xf32>
        %mul3A_683 = vector.broadcast %squeeze3A_682 : f32 to vector<16xf32>
        %mul3A_684 = arith.mulf %mul3A_683, %get3A_127 : vector<16xf32>
        %add3A_685 = arith.addf %add3A_680, %mul3A_684 : vector<16xf32>
        %slice3A_686 = vector.extract_strided_slice %max3A_572 {offsets = [7], sizes = [1], strides = [1]} : vector<16xf32> to vector<1xf32>
        %squeeze3A_687 = vector.extract %slice3A_686[0] : f32 from vector<1xf32>
        %mul3A_688 = vector.broadcast %squeeze3A_687 : f32 to vector<16xf32>
        %mul3A_689 = arith.mulf %mul3A_688, %get3A_132 : vector<16xf32>
        %add3A_690 = arith.addf %add3A_685, %mul3A_689 : vector<16xf32>
        %slice3A_691 = vector.extract_strided_slice %max3A_572 {offsets = [8], sizes = [1], strides = [1]} : vector<16xf32> to vector<1xf32>
        %squeeze3A_692 = vector.extract %slice3A_691[0] : f32 from vector<1xf32>
        %mul3A_693 = vector.broadcast %squeeze3A_692 : f32 to vector<16xf32>
        %mul3A_694 = arith.mulf %mul3A_693, %get3A_137 : vector<16xf32>
        %add3A_695 = arith.addf %add3A_690, %mul3A_694 : vector<16xf32>
        %slice3A_696 = vector.extract_strided_slice %max3A_572 {offsets = [9], sizes = [1], strides = [1]} : vector<16xf32> to vector<1xf32>
        %squeeze3A_697 = vector.extract %slice3A_696[0] : f32 from vector<1xf32>
        %mul3A_698 = vector.broadcast %squeeze3A_697 : f32 to vector<16xf32>
        %mul3A_699 = arith.mulf %mul3A_698, %get3A_142 : vector<16xf32>
        %add3A_700 = arith.addf %add3A_695, %mul3A_699 : vector<16xf32>
        %slice3A_701 = vector.extract_strided_slice %max3A_572 {offsets = [10], sizes = [1], strides = [1]} : vector<16xf32> to vector<1xf32>
        %squeeze3A_702 = vector.extract %slice3A_701[0] : f32 from vector<1xf32>
        %mul3A_703 = vector.broadcast %squeeze3A_702 : f32 to vector<16xf32>
        %mul3A_704 = arith.mulf %mul3A_703, %get3A_147 : vector<16xf32>
        %add3A_705 = arith.addf %add3A_700, %mul3A_704 : vector<16xf32>
        %slice3A_706 = vector.extract_strided_slice %max3A_572 {offsets = [11], sizes = [1], strides = [1]} : vector<16xf32> to vector<1xf32>
        %squeeze3A_707 = vector.extract %slice3A_706[0] : f32 from vector<1xf32>
        %mul3A_708 = vector.broadcast %squeeze3A_707 : f32 to vector<16xf32>
        %mul3A_709 = arith.mulf %mul3A_708, %get3A_152 : vector<16xf32>
        %add3A_710 = arith.addf %add3A_705, %mul3A_709 : vector<16xf32>
        %slice3A_711 = vector.extract_strided_slice %max3A_572 {offsets = [12], sizes = [1], strides = [1]} : vector<16xf32> to vector<1xf32>
        %squeeze3A_712 = vector.extract %slice3A_711[0] : f32 from vector<1xf32>
        %mul3A_713 = vector.broadcast %squeeze3A_712 : f32 to vector<16xf32>
        %mul3A_714 = arith.mulf %mul3A_713, %get3A_157 : vector<16xf32>
        %add3A_715 = arith.addf %add3A_710, %mul3A_714 : vector<16xf32>
        %slice3A_716 = vector.extract_strided_slice %max3A_572 {offsets = [13], sizes = [1], strides = [1]} : vector<16xf32> to vector<1xf32>
        %squeeze3A_717 = vector.extract %slice3A_716[0] : f32 from vector<1xf32>
        %mul3A_718 = vector.broadcast %squeeze3A_717 : f32 to vector<16xf32>
        %mul3A_719 = arith.mulf %mul3A_718, %get3A_162 : vector<16xf32>
        %add3A_720 = arith.addf %add3A_715, %mul3A_719 : vector<16xf32>
        %slice3A_721 = vector.extract_strided_slice %max3A_572 {offsets = [14], sizes = [1], strides = [1]} : vector<16xf32> to vector<1xf32>
        %squeeze3A_722 = vector.extract %slice3A_721[0] : f32 from vector<1xf32>
        %mul3A_723 = vector.broadcast %squeeze3A_722 : f32 to vector<16xf32>
        %mul3A_724 = arith.mulf %mul3A_723, %get3A_167 : vector<16xf32>
        %add3A_725 = arith.addf %add3A_720, %mul3A_724 : vector<16xf32>
        %slice3A_726 = vector.extract_strided_slice %max3A_572 {offsets = [15], sizes = [1], strides = [1]} : vector<16xf32> to vector<1xf32>
        %squeeze3A_727 = vector.extract %slice3A_726[0] : f32 from vector<1xf32>
        %mul3A_728 = vector.broadcast %squeeze3A_727 : f32 to vector<16xf32>
        %mul3A_729 = arith.mulf %mul3A_728, %get3A_172 : vector<16xf32>
        %add3A_730 = arith.addf %add3A_725, %mul3A_729 : vector<16xf32>
        %abs3A = math.absf %add3A_730 : vector<16xf32>
        %mul3A_731 = arith.constant -2.000000e+00 : f32
        %mul3A_732 = vector.broadcast %mul3A_731 : f32 to vector<16xf32>
        %mul3A_733 = arith.mulf %mul3A_732, %abs3A : vector<16xf32>
        %exp3A = math.exp %mul3A_733 : vector<16xf32>
        %sub3A = arith.constant 1.000000e+00 : f32
        %sub3A_734 = vector.broadcast %sub3A : f32 to vector<16xf32>
        %sub3A_735 = arith.subf %sub3A_734, %exp3A : vector<16xf32>
        %add3A_736 = arith.constant 1.000000e+00 : f32
        %add3A_737 = vector.broadcast %add3A_736 : f32 to vector<16xf32>
        %add3A_738 = arith.addf %add3A_737, %exp3A : vector<16xf32>
        %div3A = arith.divf %sub3A_735, %add3A_738 : vector<16xf32>
        %lt3A_739 = arith.constant 0.000000e+00 : f32
        %lt3A_740 = vector.broadcast %lt3A_739 : f32 to vector<16xf32>
        %lt3A_741 = arith.cmpf olt, %add3A_730, %lt3A_740 : vector<16xf32>
        %neg3A = arith.constant 0.000000e+00 : f32
        %neg3A_742 = vector.broadcast %neg3A : f32 to vector<16xf32>
        %neg3A_743 = arith.subf %neg3A_742, %div3A : vector<16xf32>
        %select_n3A = arith.select %lt3A_741, %neg3A_743, %div3A : vector<16xi1>, vector<16xf32>
        %swap3A = arith.constant 1 : i32
        %swap3A_744 = arith.index_cast %swap3A : i32 to index
        %swap3A_745 = arith.index_cast %scan3A_538 : i32 to index
        %swap3A_746 = arith.constant 0 : index
        %swap3A_747 = tpu.vector_load %arg11[%swap3A_744, %swap3A_745, %swap3A_746] {strides = array<i32>} : memref<2x128x16xf32, #tpu.memory_space<vmem>>, vector<1x1x16xf32>,
        %swap3A_748 = vector.shape_cast %swap3A_747 : vector<1x1x16xf32> to vector<16xf32>
        %swap3A_749 = vector.shape_cast %select_n3A : vector<16xf32> to vector<1x1x16xf32>
        tpu.vector_store %arg11[%swap3A_744, %swap3A_745, %swap3A_746], %swap3A_749 {strides = array<i32>} : memref<2x128x16xf32, #tpu.memory_space<vmem>>, vector<1x1x16xf32>,
        %scan3A_750 = arith.constant 0 : i32
        scf.yield %scan3A_750 : i32
      }
      %scan3A_516 = arith.constant 128 : i32
      %dma_start3A_517 = arith.constant 1 : i32
      %dma_start3A_518 = arith.constant 3 : i32
      %dma_start3A_519 = arith.constant 1 : i32
      %dma_start3A_520 = arith.constant 0 : i32
      %dma_start3A_521 = arith.constant 0 : i32
      %dma_start3A_522 = tpu.memref_slice %arg11[%dma_start3A_517, %dma_start3A_520, %dma_start3A_521] : memref<2x128x16xf32, #tpu.memory_space<vmem>> -> memref<1x128x16xf32, #tpu.memory_space<vmem>>
      %dma_start3A_523 = tpu.memref_squeeze %dma_start3A_522 : memref<1x128x16xf32, #tpu.memory_space<vmem>> -> memref<128x16xf32, #tpu.memory_space<vmem>>
      %dma_start3A_524 = arith.constant 0 : i32
      %dma_start3A_525 = tpu.memref_slice %arg8[%dma_start3A_518, %dma_start3A_519, %dma_start3A_524] : memref<4x2x128xi32, #tpu.memory_space<vmem>> -> memref<1x1x128xi32, #tpu.memory_space<vmem>>
      %dma_start3A_526 = tpu.memref_squeeze %dma_start3A_525 : memref<1x1x128xi32, #tpu.memory_space<vmem>> -> memref<128xi32, #tpu.memory_space<vmem>>
      %dma_start3A_527 = arith.constant 0 : i32
      %dma_start3A_528 = arith.constant 0 : i32
      %dma_start3A_529 = tpu.memref_slice %arg14[%dma_start3A_527, %dma_start3A_528] : memref<100352x16xf32, #tpu.memory_space<vmem_shared>> -> memref<100352x16xf32, #tpu.memory_space<vmem_shared>>
      tpu.enqueue_indirect_dma source(%dma_start3A_523 : memref<128x16xf32, #tpu.memory_space<vmem>>) target(%dma_start3A_529 : memref<100352x16xf32, #tpu.memory_space<vmem_shared>>) offsets(%dma_start3A_526 : memref<128xi32, #tpu.memory_space<vmem>>) semaphore(%arg20 : memref<!tpu.dma_semaphore, #tpu.memory_space<semaphore_mem>>) {add = true}
      %add3A_530 = arith.constant 2 : i32
      %add3A_531 = arith.addi %add3A_471, %add3A_530 : i32
      %lt3A_532 = arith.constant 392 : i32
      %lt3A_533 = arith.cmpi slt, %add3A_531, %lt3A_532 : i32
      %convert_element_type3A_534 = arith.extui %lt3A_533 : i1 to i32
      %cond3A_535 = arith.constant 0 : i32
      %cond3A_536 = arith.cmpi ne, %convert_element_type3A_534, %cond3A_535 : i32
      scf.if %cond3A_536 {
        %add3A_538 = arith.constant 2 : i32
        %add3A_539 = arith.addi %add3A_471, %add3A_538 : i32
        %dma_wait3A_540 = arith.constant 1 : i32
        %dma_wait3A_541 = arith.constant 0 : i32
        %dma_wait3A_542 = arith.constant 0 : i32
        %dma_wait3A_543 = tpu.memref_slice %arg8[%dma_wait3A_540, %dma_wait3A_541, %dma_wait3A_542] : memref<4x2x128xi32, #tpu.memory_space<vmem>> -> memref<1x2x128xi32, #tpu.memory_space<vmem>>
        %dma_wait3A_544 = tpu.memref_squeeze %dma_wait3A_543 : memref<1x2x128xi32, #tpu.memory_space<vmem>> -> memref<2x128xi32, #tpu.memory_space<vmem>>
        %dma_wait3A_545 = arith.constant 0 : i32
        %dma_wait3A_546 = arith.constant 0 : i32
        %dma_wait3A_547 = tpu.memref_slice %arg4[%add3A, %add3A_539, %dma_wait3A_545, %dma_wait3A_546] : memref<32x392x2x128xi32, #tpu.memory_space<hbm>> -> memref<1x1x2x128xi32, #tpu.memory_space<hbm>>
        %dma_wait3A_548 = tpu.memref_squeeze %dma_wait3A_547 : memref<1x1x2x128xi32, #tpu.memory_space<hbm>> -> memref<2x128xi32, #tpu.memory_space<hbm>>
        %dma_wait3A_549 = arith.constant 0 : i32
        %dma_wait3A_550 = arith.constant 0 : i32
        %dma_wait3A_551 = tpu.memref_slice %arg8[%dma_wait3A_540, %dma_wait3A_549, %dma_wait3A_550] : memref<4x2x128xi32, #tpu.memory_space<vmem>> -> memref<1x2x128xi32, #tpu.memory_space<vmem>>
        %dma_wait3A_552 = tpu.memref_squeeze %dma_wait3A_551 : memref<1x2x128xi32, #tpu.memory_space<vmem>> -> memref<2x128xi32, #tpu.memory_space<vmem>>
        %dma_wait3A_553 = arith.constant 0 : i32
        %dma_wait3A_554 = arith.constant 0 : i32
        %dma_wait3A_555 = tpu.memref_slice %arg4[%add3A, %add3A_539, %dma_wait3A_553, %dma_wait3A_554] : memref<32x392x2x128xi32, #tpu.memory_space<hbm>> -> memref<1x1x2x128xi32, #tpu.memory_space<hbm>>
        %dma_wait3A_556 = tpu.memref_squeeze %dma_wait3A_555 : memref<1x1x2x128xi32, #tpu.memory_space<hbm>> -> memref<2x128xi32, #tpu.memory_space<hbm>>
        tpu.wait_dma2 semaphore(%arg22 : memref<!tpu.dma_semaphore, #tpu.memory_space<semaphore_mem>>) src(%dma_wait3A_556 : memref<2x128xi32, #tpu.memory_space<hbm>>) dst(%dma_wait3A_552 : memref<2x128xi32, #tpu.memory_space<vmem>>)
        %dma_start3A_557 = arith.constant 1 : i32
        %dma_start3A_558 = arith.constant 0 : i32
        %dma_start3A_559 = arith.constant 1 : i32
        %dma_start3A_560 = arith.constant 0 : i32
        %dma_start3A_561 = arith.constant 0 : i32
        %dma_start3A_562 = tpu.memref_slice %arg9[%dma_start3A_559, %dma_start3A_560, %dma_start3A_561] : memref<2x128x32xf32, #tpu.memory_space<vmem>> -> memref<1x128x32xf32, #tpu.memory_space<vmem>>
        %dma_start3A_563 = tpu.memref_squeeze %dma_start3A_562 : memref<1x128x32xf32, #tpu.memory_space<vmem>> -> memref<128x32xf32, #tpu.memory_space<vmem>>
        %dma_start3A_564 = arith.constant 0 : i32
        %dma_start3A_565 = tpu.memref_slice %arg8[%dma_start3A_557, %dma_start3A_558, %dma_start3A_564] : memref<4x2x128xi32, #tpu.memory_space<vmem>> -> memref<1x1x128xi32, #tpu.memory_space<vmem>>
        %dma_start3A_566 = tpu.memref_squeeze %dma_start3A_565 : memref<1x1x128xi32, #tpu.memory_space<vmem>> -> memref<128xi32, #tpu.memory_space<vmem>>
        %dma_start3A_567 = arith.constant 0 : i32
        %dma_start3A_568 = arith.constant 0 : i32
        %dma_start3A_569 = tpu.memref_slice %arg2[%dma_start3A_567, %dma_start3A_568] : memref<100000x32xf32, #tpu.memory_space<hbm>> -> memref<100000x32xf32, #tpu.memory_space<hbm>>
        tpu.enqueue_indirect_dma source(%dma_start3A_569 : memref<100000x32xf32, #tpu.memory_space<hbm>>) target(%dma_start3A_563 : memref<128x32xf32, #tpu.memory_space<vmem>>) offsets(%dma_start3A_566 : memref<128xi32, #tpu.memory_space<vmem>>) semaphore(%arg16 : memref<!tpu.dma_semaphore, #tpu.memory_space<semaphore_mem>>)
        %dma_start3A_570 = arith.constant 1 : i32
        %dma_start3A_571 = arith.constant 1 : i32
        %dma_start3A_572 = arith.constant 1 : i32
        %dma_start3A_573 = arith.constant 0 : i32
        %dma_start3A_574 = arith.constant 0 : i32
        %dma_start3A_575 = tpu.memref_slice %arg10[%dma_start3A_572, %dma_start3A_573, %dma_start3A_574] : memref<2x128x32xf32, #tpu.memory_space<vmem>> -> memref<1x128x32xf32, #tpu.memory_space<vmem>>
        %dma_start3A_576 = tpu.memref_squeeze %dma_start3A_575 : memref<1x128x32xf32, #tpu.memory_space<vmem>> -> memref<128x32xf32, #tpu.memory_space<vmem>>
        %dma_start3A_577 = arith.constant 0 : i32
        %dma_start3A_578 = tpu.memref_slice %arg8[%dma_start3A_570, %dma_start3A_571, %dma_start3A_577] : memref<4x2x128xi32, #tpu.memory_space<vmem>> -> memref<1x1x128xi32, #tpu.memory_space<vmem>>
        %dma_start3A_579 = tpu.memref_squeeze %dma_start3A_578 : memref<1x1x128xi32, #tpu.memory_space<vmem>> -> memref<128xi32, #tpu.memory_space<vmem>>
        %dma_start3A_580 = arith.constant 0 : i32
        %dma_start3A_581 = arith.constant 0 : i32
        %dma_start3A_582 = tpu.memref_slice %arg3[%dma_start3A_580, %dma_start3A_581] : memref<100000x32xf32, #tpu.memory_space<hbm>> -> memref<100000x32xf32, #tpu.memory_space<hbm>>
        tpu.enqueue_indirect_dma source(%dma_start3A_582 : memref<100000x32xf32, #tpu.memory_space<hbm>>) target(%dma_start3A_576 : memref<128x32xf32, #tpu.memory_space<vmem>>) offsets(%dma_start3A_579 : memref<128xi32, #tpu.memory_space<vmem>>) semaphore(%arg18 : memref<!tpu.dma_semaphore, #tpu.memory_space<semaphore_mem>>)
      } else {
      }
      %scan3A_537 = arith.constant 0 : i32
      scf.yield %scan3A_537 : i32
    }
    %scan3A_236 = arith.constant 98 : i32
    %dma_wait3A = arith.constant 0 : i32
    %dma_wait3A_237 = arith.constant 0 : i32
    %dma_wait3A_238 = arith.constant 1 : i32
    %dma_wait3A_239 = arith.constant 0 : i32
    %dma_wait3A_240 = arith.constant 0 : i32
    %dma_wait3A_241 = tpu.memref_slice %arg11[%dma_wait3A, %dma_wait3A_239, %dma_wait3A_240] : memref<2x128x16xf32, #tpu.memory_space<vmem>> -> memref<1x128x16xf32, #tpu.memory_space<vmem>>
    %dma_wait3A_242 = tpu.memref_squeeze %dma_wait3A_241 : memref<1x128x16xf32, #tpu.memory_space<vmem>> -> memref<128x16xf32, #tpu.memory_space<vmem>>
    %dma_wait3A_243 = arith.constant 0 : i32
    %dma_wait3A_244 = tpu.memref_slice %arg8[%dma_wait3A_237, %dma_wait3A_238, %dma_wait3A_243] : memref<4x2x128xi32, #tpu.memory_space<vmem>> -> memref<1x1x128xi32, #tpu.memory_space<vmem>>
    %dma_wait3A_245 = tpu.memref_squeeze %dma_wait3A_244 : memref<1x1x128xi32, #tpu.memory_space<vmem>> -> memref<128xi32, #tpu.memory_space<vmem>>
    %dma_wait3A_246 = arith.constant 0 : i32
    %dma_wait3A_247 = arith.constant 0 : i32
    %dma_wait3A_248 = tpu.memref_slice %arg14[%dma_wait3A_246, %dma_wait3A_247] : memref<100352x16xf32, #tpu.memory_space<vmem_shared>> -> memref<100352x16xf32, #tpu.memory_space<vmem_shared>>
    tpu.wait_indirect_dma semaphore(%arg19 : memref<!tpu.dma_semaphore, #tpu.memory_space<semaphore_mem>>) src(%dma_wait3A_242 : memref<128x16xf32, #tpu.memory_space<vmem>>) dst(%dma_wait3A_248 : memref<100352x16xf32, #tpu.memory_space<vmem_shared>>)
    %dma_wait3A_249 = arith.constant 1 : i32
    %dma_wait3A_250 = arith.constant 1 : i32
    %dma_wait3A_251 = arith.constant 1 : i32
    %dma_wait3A_252 = arith.constant 0 : i32
    %dma_wait3A_253 = arith.constant 0 : i32
    %dma_wait3A_254 = tpu.memref_slice %arg11[%dma_wait3A_249, %dma_wait3A_252, %dma_wait3A_253] : memref<2x128x16xf32, #tpu.memory_space<vmem>> -> memref<1x128x16xf32, #tpu.memory_space<vmem>>
    %dma_wait3A_255 = tpu.memref_squeeze %dma_wait3A_254 : memref<1x128x16xf32, #tpu.memory_space<vmem>> -> memref<128x16xf32, #tpu.memory_space<vmem>>
    %dma_wait3A_256 = arith.constant 0 : i32
    %dma_wait3A_257 = tpu.memref_slice %arg8[%dma_wait3A_250, %dma_wait3A_251, %dma_wait3A_256] : memref<4x2x128xi32, #tpu.memory_space<vmem>> -> memref<1x1x128xi32, #tpu.memory_space<vmem>>
    %dma_wait3A_258 = tpu.memref_squeeze %dma_wait3A_257 : memref<1x1x128xi32, #tpu.memory_space<vmem>> -> memref<128xi32, #tpu.memory_space<vmem>>
    %dma_wait3A_259 = arith.constant 0 : i32
    %dma_wait3A_260 = arith.constant 0 : i32
    %dma_wait3A_261 = tpu.memref_slice %arg14[%dma_wait3A_259, %dma_wait3A_260] : memref<100352x16xf32, #tpu.memory_space<vmem_shared>> -> memref<100352x16xf32, #tpu.memory_space<vmem_shared>>
    tpu.wait_indirect_dma semaphore(%arg20 : memref<!tpu.dma_semaphore, #tpu.memory_space<semaphore_mem>>) src(%dma_wait3A_255 : memref<128x16xf32, #tpu.memory_space<vmem>>) dst(%dma_wait3A_261 : memref<100352x16xf32, #tpu.memory_space<vmem_shared>>)
    %barrier3A_262 = arith.constant 0 : index
    tpu.barrier barrier_id(%barrier3A_262)
    %mul3A_263 = arith.constant 6248 : i32
    %mul3A_264 = arith.muli %arg1, %mul3A_263 : i32
    "tpu.region"() ({
      %run_scoped3A_267 = tpu.sem_alloc : memref<!tpu.dma_semaphore, #tpu.memory_space<semaphore_mem>>
      %dma_start3A_268 = arith.constant 0 : i32
      %dma_start3A_269 = tpu.memref_slice %arg7[%arg0, %mul3A_264, %dma_start3A_268] : memref<2x100000x16xf32, #tpu.memory_space<hbm>> -> memref<1x6248x16xf32, #tpu.memory_space<hbm>>
      %dma_start3A_270 = tpu.memref_squeeze %dma_start3A_269 : memref<1x6248x16xf32, #tpu.memory_space<hbm>> -> memref<6248x16xf32, #tpu.memory_space<hbm>>
      %dma_start3A_271 = arith.constant 0 : i32
      %dma_start3A_272 = tpu.memref_slice %arg14[%mul3A_264, %dma_start3A_271] : memref<100352x16xf32, #tpu.memory_space<vmem_shared>> -> memref<6248x16xf32, #tpu.memory_space<vmem_shared>>
      tpu.enqueue_dma source(%dma_start3A_272 : memref<6248x16xf32, #tpu.memory_space<vmem_shared>>) target(%dma_start3A_270 : memref<6248x16xf32, #tpu.memory_space<hbm>>) target_semaphore(%run_scoped3A_267 : memref<!tpu.dma_semaphore, #tpu.memory_space<semaphore_mem>>)
      %dma_wait3A_273 = arith.constant 0 : i32
      %dma_wait3A_274 = tpu.memref_slice %arg7[%arg0, %mul3A_264, %dma_wait3A_273] : memref<2x100000x16xf32, #tpu.memory_space<hbm>> -> memref<1x6248x16xf32, #tpu.memory_space<hbm>>
      %dma_wait3A_275 = tpu.memref_squeeze %dma_wait3A_274 : memref<1x6248x16xf32, #tpu.memory_space<hbm>> -> memref<6248x16xf32, #tpu.memory_space<hbm>>
      %dma_wait3A_276 = arith.constant 0 : i32
      %dma_wait3A_277 = tpu.memref_slice %arg14[%mul3A_264, %dma_wait3A_276] : memref<100352x16xf32, #tpu.memory_space<vmem_shared>> -> memref<6248x16xf32, #tpu.memory_space<vmem_shared>>
      tpu.wait_dma2 semaphore(%run_scoped3A_267 : memref<!tpu.dma_semaphore, #tpu.memory_space<semaphore_mem>>) src(%dma_wait3A_277 : memref<6248x16xf32, #tpu.memory_space<vmem_shared>>) dst(%dma_wait3A_275 : memref<6248x16xf32, #tpu.memory_space<hbm>>)
      tpu.yield
    }) : () -> ()
    %eq3A = arith.constant 15 : i32
    %eq3A_265 = arith.cmpi eq, %arg1, %eq3A : i32
    %convert_element_type3A = arith.extui %eq3A_265 : i1 to i32
    %cond3A = arith.constant 0 : i32
    %cond3A_266 = arith.cmpi ne, %convert_element_type3A, %cond3A : i32
    scf.if %cond3A_266 {
      "tpu.region"() ({
        %run_scoped3A_267 = tpu.sem_alloc : memref<!tpu.dma_semaphore, #tpu.memory_space<semaphore_mem>>
        %dma_start3A_268 = arith.constant 99968 : i32
        %dma_start3A_269 = arith.constant 0 : i32
        %dma_start3A_270 = tpu.memref_slice %arg7[%arg0, %dma_start3A_268, %dma_start3A_269] : memref<2x100000x16xf32, #tpu.memory_space<hbm>> -> memref<1x32x16xf32, #tpu.memory_space<hbm>>
        %dma_start3A_271 = tpu.memref_squeeze %dma_start3A_270 : memref<1x32x16xf32, #tpu.memory_space<hbm>> -> memref<32x16xf32, #tpu.memory_space<hbm>>
        %dma_start3A_272 = arith.constant 99968 : i32
        %dma_start3A_273 = arith.constant 0 : i32
        %dma_start3A_274 = tpu.memref_slice %arg14[%dma_start3A_272, %dma_start3A_273] : memref<100352x16xf32, #tpu.memory_space<vmem_shared>> -> memref<32x16xf32, #tpu.memory_space<vmem_shared>>
        tpu.enqueue_dma source(%dma_start3A_274 : memref<32x16xf32, #tpu.memory_space<vmem_shared>>) target(%dma_start3A_271 : memref<32x16xf32, #tpu.memory_space<hbm>>) target_semaphore(%run_scoped3A_267 : memref<!tpu.dma_semaphore, #tpu.memory_space<semaphore_mem>>)
        %dma_wait3A_275 = arith.constant 99968 : i32
        %dma_wait3A_276 = arith.constant 0 : i32
        %dma_wait3A_277 = tpu.memref_slice %arg7[%arg0, %dma_wait3A_275, %dma_wait3A_276] : memref<2x100000x16xf32, #tpu.memory_space<hbm>> -> memref<1x32x16xf32, #tpu.memory_space<hbm>>
        %dma_wait3A_278 = tpu.memref_squeeze %dma_wait3A_277 : memref<1x32x16xf32, #tpu.memory_space<hbm>> -> memref<32x16xf32, #tpu.memory_space<hbm>>
        %dma_wait3A_279 = arith.constant 99968 : i32
        %dma_wait3A_280 = arith.constant 0 : i32
        %dma_wait3A_281 = tpu.memref_slice %arg14[%dma_wait3A_279, %dma_wait3A_280] : memref<100352x16xf32, #tpu.memory_space<vmem_shared>> -> memref<32x16xf32, #tpu.memory_space<vmem_shared>>
        tpu.wait_dma2 semaphore(%run_scoped3A_267 : memref<!tpu.dma_semaphore, #tpu.memory_space<semaphore_mem>>) src(%dma_wait3A_281 : memref<32x16xf32, #tpu.memory_space<vmem_shared>>) dst(%dma_wait3A_278 : memref<32x16xf32, #tpu.memory_space<hbm>>)
        tpu.yield
      }) : () -> ()
    } else {
    }
    return
  }
}

module attributes {stable_mosaic.version = 14 : i64} {
  func.func @body(%arg0: i32, %arg1: memref<4000x26xf32, #tpu.memory_space<vmem>>, %arg2: memref<4000x2xf32, #tpu.memory_space<vmem>>, %arg3: memref<26x32xf32, #tpu.memory_space<vmem>>, %arg4: memref<2x32xf32, #tpu.memory_space<vmem>>, %arg5: memref<1x32xf32, #tpu.memory_space<vmem>>, %arg6: memref<4000x32xf32, #tpu.memory_space<vmem>>, %arg7: memref<4000x32xf32, #tpu.memory_space<vmem>>) attributes {dimension_semantics = [#tpu.dimension_semantics<arbitrary>], iteration_bounds = array<i64: 25>, scalar_prefetch = 0 : i64, scratch_operands = 0 : i64, tpu.core_type = #tpu.core_type<tc>, window_params = [{transform_indices = @transform_0, window_bounds = array<i64: 4000, 26>}, {transform_indices = @transform_1, window_bounds = array<i64: 4000, 2>}, {pipeline_mode = #tpu.pipeline_mode<synchronous>, transform_indices = @transform_2, window_bounds = array<i64: 26, 32>}, {pipeline_mode = #tpu.pipeline_mode<synchronous>, transform_indices = @transform_3, window_bounds = array<i64: 2, 32>}, {pipeline_mode = #tpu.pipeline_mode<synchronous>, transform_indices = @transform_4, window_bounds = array<i64: 1, 32>}, {transform_indices = @transform_5, window_bounds = array<i64: 4000, 32>}, {transform_indices = @transform_6, window_bounds = array<i64: 4000, 32>}]} {
    %get3A = arith.constant 0 : index
    %get3A_0 = arith.constant 0 : index
    %get3A_1 = vector.load %arg1[%get3A, %get3A_0] : memref<4000x26xf32, #tpu.memory_space<vmem>>, vector<4000x26xf32>
    %get3A_2 = arith.constant 0 : index
    %get3A_3 = arith.constant 0 : index
    %get3A_4 = vector.load %arg3[%get3A_2, %get3A_3] : memref<26x32xf32, #tpu.memory_space<vmem>>, vector<26x32xf32>
    %dot_general3A = arith.constant dense<0.000000e+00> : vector<4000x32xf32>
    %dot_general3A_5 = tpu.matmul %get3A_1, %get3A_4, %dot_general3A {dimension_numbers = #tpu.dot_dimension_numbers<[1], [0], [0], [1], [0, 0, 1, 1], [], []>, transpose_lhs_hint = false} : vector<4000x26xf32>, vector<26x32xf32>, vector<4000x32xf32> -> vector<4000x32xf32>
    %get3A_6 = arith.constant 0 : index
    %get3A_7 = arith.constant 0 : index
    %get3A_8 = vector.load %arg5[%get3A_6, %get3A_7] : memref<1x32xf32, #tpu.memory_space<vmem>>, vector<1x32xf32>
    %add3A = vector.broadcast %get3A_8 : vector<1x32xf32> to vector<4000x32xf32>
    %add3A_9 = arith.addf %dot_general3A_5, %add3A : vector<4000x32xf32>
    %swap3A = arith.constant 0 : index
    %swap3A_10 = arith.constant 0 : index
    %swap3A_11 = vector.load %arg6[%swap3A, %swap3A_10] : memref<4000x32xf32, #tpu.memory_space<vmem>>, vector<4000x32xf32>
    tpu.vector_store %arg6[%swap3A, %swap3A_10], %add3A_9 {strides = array<i32>} : memref<4000x32xf32, #tpu.memory_space<vmem>>, vector<4000x32xf32>,
    %get3A_12 = arith.constant 0 : index
    %get3A_13 = arith.constant 0 : index
    %get3A_14 = vector.load %arg2[%get3A_12, %get3A_13] : memref<4000x2xf32, #tpu.memory_space<vmem>>, vector<4000x2xf32>
    %get3A_15 = arith.constant 0 : index
    %get3A_16 = arith.constant 0 : index
    %get3A_17 = vector.load %arg4[%get3A_15, %get3A_16] : memref<2x32xf32, #tpu.memory_space<vmem>>, vector<2x32xf32>
    %dot_general3A_18 = arith.constant dense<0.000000e+00> : vector<4000x32xf32>
    %dot_general3A_19 = tpu.matmul %get3A_14, %get3A_17, %dot_general3A_18 {dimension_numbers = #tpu.dot_dimension_numbers<[1], [0], [0], [1], [0, 0, 1, 1], [], []>, transpose_lhs_hint = false} : vector<4000x2xf32>, vector<2x32xf32>, vector<4000x32xf32> -> vector<4000x32xf32>
    %swap3A_20 = arith.constant 0 : index
    %swap3A_21 = arith.constant 0 : index
    %swap3A_22 = vector.load %arg7[%swap3A_20, %swap3A_21] : memref<4000x32xf32, #tpu.memory_space<vmem>>, vector<4000x32xf32>
    tpu.vector_store %arg7[%swap3A_20, %swap3A_21], %dot_general3A_19 {strides = array<i32>} : memref<4000x32xf32, #tpu.memory_space<vmem>>, vector<4000x32xf32>,
    return
  }
  func.func @transform_0(%arg0: i32) -> (i32, i32) {
    %c0_i32 = arith.constant 0 : i32
    %c0_i32_0 = arith.constant 0 : i32
    return %arg0, %c0_i32 : i32, i32
  }
  func.func @transform_1(%arg0: i32) -> (i32, i32) {
    %c0_i32 = arith.constant 0 : i32
    %c0_i32_0 = arith.constant 0 : i32
    return %arg0, %c0_i32 : i32, i32
  }
  func.func @transform_2(%arg0: i32) -> (i32, i32) {
    %c0_i32 = arith.constant 0 : i32
    %c0_i32_0 = arith.constant 0 : i32
    %c0_i32_1 = arith.constant 0 : i32
    return %c0_i32, %c0_i32_0 : i32, i32
  }
  func.func @transform_3(%arg0: i32) -> (i32, i32) {
    %c0_i32 = arith.constant 0 : i32
    %c0_i32_0 = arith.constant 0 : i32
    %c0_i32_1 = arith.constant 0 : i32
    return %c0_i32, %c0_i32_0 : i32, i32
  }
  func.func @transform_4(%arg0: i32) -> (i32, i32) {
    %c0_i32 = arith.constant 0 : i32
    %c0_i32_0 = arith.constant 0 : i32
    %c0_i32_1 = arith.constant 0 : i32
    return %c0_i32, %c0_i32_0 : i32, i32
  }
  func.func @transform_5(%arg0: i32) -> (i32, i32) {
    %c0_i32 = arith.constant 0 : i32
    %c0_i32_0 = arith.constant 0 : i32
    return %arg0, %c0_i32 : i32, i32
  }
  func.func @transform_6(%arg0: i32) -> (i32, i32) {
    %c0_i32 = arith.constant 0 : i32
    %c0_i32_0 = arith.constant 0 : i32
    return %arg0, %c0_i32 : i32, i32
  }
}

module attributes {stable_mosaic.version = 14 : i64} {
  func.func @body(%arg0: i32, %arg1: memref<4000x2xf32, #tpu.memory_space<vmem>>, %arg2: memref<4000x16xf32, #tpu.memory_space<vmem>>, %arg3: memref<4000x8xf32, #tpu.memory_space<vmem>>, %arg4: memref<2x4000x16xf32, #tpu.memory_space<vmem>>, %arg5: memref<42x32xf32, #tpu.memory_space<vmem>>, %arg6: memref<1x32xf32, #tpu.memory_space<vmem>>, %arg7: memref<32x16xf32, #tpu.memory_space<vmem>>, %arg8: memref<1x16xf32, #tpu.memory_space<vmem>>, %arg9: memref<4000x16xf32, #tpu.memory_space<vmem>>) attributes {dimension_semantics = [#tpu.dimension_semantics<arbitrary>], iteration_bounds = array<i64: 25>, scalar_prefetch = 0 : i64, scratch_operands = 0 : i64, tpu.core_type = #tpu.core_type<tc>, window_params = [{transform_indices = @transform_0, window_bounds = array<i64: 4000, 2>}, {transform_indices = @transform_1, window_bounds = array<i64: 4000, 16>}, {transform_indices = @transform_2, window_bounds = array<i64: 4000, 8>}, {transform_indices = @transform_3, window_bounds = array<i64: 2, 4000, 16>}, {pipeline_mode = #tpu.pipeline_mode<synchronous>, transform_indices = @transform_4, window_bounds = array<i64: 42, 32>}, {pipeline_mode = #tpu.pipeline_mode<synchronous>, transform_indices = @transform_5, window_bounds = array<i64: 1, 32>}, {pipeline_mode = #tpu.pipeline_mode<synchronous>, transform_indices = @transform_6, window_bounds = array<i64: 32, 16>}, {pipeline_mode = #tpu.pipeline_mode<synchronous>, transform_indices = @transform_7, window_bounds = array<i64: 1, 16>}, {transform_indices = @transform_8, window_bounds = array<i64: 4000, 16>}]} {
    %get3A = arith.constant 0 : index
    %get3A_0 = arith.constant 0 : index
    %get3A_1 = arith.constant 0 : index
    %get3A_2 = vector.load %arg4[%get3A, %get3A_0, %get3A_1] : memref<2x4000x16xf32, #tpu.memory_space<vmem>>, vector<1x4000x16xf32>
    %get3A_3 = vector.shape_cast %get3A_2 : vector<1x4000x16xf32> to vector<4000x16xf32>
    %get3A_4 = arith.constant 1 : index
    %get3A_5 = arith.constant 0 : index
    %get3A_6 = arith.constant 0 : index
    %get3A_7 = vector.load %arg4[%get3A_4, %get3A_5, %get3A_6] : memref<2x4000x16xf32, #tpu.memory_space<vmem>>, vector<1x4000x16xf32>
    %get3A_8 = vector.shape_cast %get3A_7 : vector<1x4000x16xf32> to vector<4000x16xf32>
    %add3A = arith.addf %get3A_3, %get3A_8 : vector<4000x16xf32>
    %get3A_9 = arith.constant 0 : index
    %get3A_10 = arith.constant 0 : index
    %get3A_11 = vector.load %arg1[%get3A_9, %get3A_10] : memref<4000x2xf32, #tpu.memory_space<vmem>>, vector<4000x2xf32>
    %get3A_12 = arith.constant 0 : index
    %get3A_13 = arith.constant 0 : index
    %get3A_14 = vector.load %arg2[%get3A_12, %get3A_13] : memref<4000x16xf32, #tpu.memory_space<vmem>>, vector<4000x16xf32>
    %get3A_15 = arith.constant 0 : index
    %get3A_16 = arith.constant 0 : index
    %get3A_17 = vector.load %arg3[%get3A_15, %get3A_16] : memref<4000x8xf32, #tpu.memory_space<vmem>>, vector<4000x8xf32>
    %concatenate3A = tpu.concatenate %get3A_11, %get3A_14, %add3A, %get3A_17 in 1 : vector<4000x2xf32>, vector<4000x16xf32>, vector<4000x16xf32>, vector<4000x8xf32> -> vector<4000x42xf32>
    %get3A_18 = arith.constant 0 : index
    %get3A_19 = arith.constant 0 : index
    %get3A_20 = vector.load %arg5[%get3A_18, %get3A_19] : memref<42x32xf32, #tpu.memory_space<vmem>>, vector<42x32xf32>
    %dot_general3A = arith.constant dense<0.000000e+00> : vector<4000x32xf32>
    %dot_general3A_21 = tpu.matmul %concatenate3A, %get3A_20, %dot_general3A {dimension_numbers = #tpu.dot_dimension_numbers<[1], [0], [0], [1], [0, 0, 1, 1], [], []>, transpose_lhs_hint = false} : vector<4000x42xf32>, vector<42x32xf32>, vector<4000x32xf32> -> vector<4000x32xf32>
    %get3A_22 = arith.constant 0 : index
    %get3A_23 = arith.constant 0 : index
    %get3A_24 = vector.load %arg6[%get3A_22, %get3A_23] : memref<1x32xf32, #tpu.memory_space<vmem>>, vector<1x32xf32>
    %add3A_25 = vector.broadcast %get3A_24 : vector<1x32xf32> to vector<4000x32xf32>
    %add3A_26 = arith.addf %dot_general3A_21, %add3A_25 : vector<4000x32xf32>
    %mul3A = arith.constant 0.00999999977 : f32
    %mul3A_27 = vector.broadcast %mul3A : f32 to vector<4000x32xf32>
    %mul3A_28 = arith.mulf %mul3A_27, %add3A_26 : vector<4000x32xf32>
    %max3A = arith.maximumf %add3A_26, %mul3A_28 : vector<4000x32xf32>
    %get3A_29 = arith.constant 0 : index
    %get3A_30 = arith.constant 0 : index
    %get3A_31 = vector.load %arg7[%get3A_29, %get3A_30] : memref<32x16xf32, #tpu.memory_space<vmem>>, vector<32x16xf32>
    %dot_general3A_32 = arith.constant dense<0.000000e+00> : vector<4000x16xf32>
    %dot_general3A_33 = tpu.matmul %max3A, %get3A_31, %dot_general3A_32 {dimension_numbers = #tpu.dot_dimension_numbers<[1], [0], [0], [1], [0, 0, 1, 1], [], []>, transpose_lhs_hint = false} : vector<4000x32xf32>, vector<32x16xf32>, vector<4000x16xf32> -> vector<4000x16xf32>
    %get3A_34 = arith.constant 0 : index
    %get3A_35 = arith.constant 0 : index
    %get3A_36 = vector.load %arg8[%get3A_34, %get3A_35] : memref<1x16xf32, #tpu.memory_space<vmem>>, vector<1x16xf32>
    %add3A_37 = vector.broadcast %get3A_36 : vector<1x16xf32> to vector<4000x16xf32>
    %add3A_38 = arith.addf %dot_general3A_33, %add3A_37 : vector<4000x16xf32>
    %tanh3A = math.tanh %add3A_38 : vector<4000x16xf32>
    %swap3A = arith.constant 0 : index
    %swap3A_39 = arith.constant 0 : index
    %swap3A_40 = vector.load %arg9[%swap3A, %swap3A_39] : memref<4000x16xf32, #tpu.memory_space<vmem>>, vector<4000x16xf32>
    tpu.vector_store %arg9[%swap3A, %swap3A_39], %tanh3A {strides = array<i32>} : memref<4000x16xf32, #tpu.memory_space<vmem>>, vector<4000x16xf32>,
    return
  }
  func.func @transform_0(%arg0: i32) -> (i32, i32) {
    %c0_i32 = arith.constant 0 : i32
    %c0_i32_0 = arith.constant 0 : i32
    return %arg0, %c0_i32 : i32, i32
  }
  func.func @transform_1(%arg0: i32) -> (i32, i32) {
    %c0_i32 = arith.constant 0 : i32
    %c0_i32_0 = arith.constant 0 : i32
    return %arg0, %c0_i32 : i32, i32
  }
  func.func @transform_2(%arg0: i32) -> (i32, i32) {
    %c0_i32 = arith.constant 0 : i32
    %c0_i32_0 = arith.constant 0 : i32
    return %arg0, %c0_i32 : i32, i32
  }
  func.func @transform_3(%arg0: i32) -> (i32, i32, i32) {
    %c0_i32 = arith.constant 0 : i32
    %c0_i32_0 = arith.constant 0 : i32
    %c0_i32_1 = arith.constant 0 : i32
    return %c0_i32, %arg0, %c0_i32_0 : i32, i32, i32
  }
  func.func @transform_4(%arg0: i32) -> (i32, i32) {
    %c0_i32 = arith.constant 0 : i32
    %c0_i32_0 = arith.constant 0 : i32
    %c0_i32_1 = arith.constant 0 : i32
    return %c0_i32, %c0_i32_0 : i32, i32
  }
  func.func @transform_5(%arg0: i32) -> (i32, i32) {
    %c0_i32 = arith.constant 0 : i32
    %c0_i32_0 = arith.constant 0 : i32
    %c0_i32_1 = arith.constant 0 : i32
    return %c0_i32, %c0_i32_0 : i32, i32
  }
  func.func @transform_6(%arg0: i32) -> (i32, i32) {
    %c0_i32 = arith.constant 0 : i32
    %c0_i32_0 = arith.constant 0 : i32
    %c0_i32_1 = arith.constant 0 : i32
    return %c0_i32, %c0_i32_0 : i32, i32
  }
  func.func @transform_7(%arg0: i32) -> (i32, i32) {
    %c0_i32 = arith.constant 0 : i32
    %c0_i32_0 = arith.constant 0 : i32
    %c0_i32_1 = arith.constant 0 : i32
    return %c0_i32, %c0_i32_0 : i32, i32
  }
  func.func @transform_8(%arg0: i32) -> (i32, i32) {
    %c0_i32 = arith.constant 0 : i32
    %c0_i32_0 = arith.constant 0 : i32
    return %arg0, %c0_i32 : i32, i32
  }
}

</mosaic_0001>

<sc_bundles>
// kernel: kernel.5.cloned.1.call-start
scs
__scs_entry_jumppad:
0x0: {  	(pc) =	sbr.rel $0x88, $3  }
0x1: {  	(tag) =	ssettag $0x0;
	lr =	simm.s32 $0x1  }
0x2: {  	[smem:$0x3F95] =	sst lr;
	_ =	strace $0xD0000000  }
0x3: {  	_ = 	snop  }
0x4: {  	_ = 	snop  }
0x5: {  	_ = 	snop  }
0x6: {  	_ = 	snop  }
0x7: {  	_ = 	snop  }
__scs_overlays_trampoline_lowered:
0x8: {  	[smem:$0x3FA4] =	sst s0  }
0x9: {  	[smem:$0x3FA5] =	sst s1  }
0xa: {  	[smem:$0x3FA6] =	sst s2  }
0xb: {  	[smem:$0x3FA7] =	sst s3  }
0xc: {  	[smem:$0x3FA8] =	sst s4  }
0xd: {  	[smem:$0x3FA9] =	sst s5  }
0xe: {  	[smem:$0x3FAA] =	sst s6  }
0xf: {  	[smem:$0x3FAB] =	sst s7  }
0x10: {  	[smem:$0x3FAC] =	sst s8  }
0x11: {  	[smem:$0x3FAD] =	sst s9;
	s0 =	simm.s32 @!p0 $0x0  }
0x12: {  	s1 =	sld [smem:$0x3F93];
	s0 =	simm.s32 @p0 $0x1  }
0x13: {  	[smem:$0x3FAE] =	sst s0;
	s0 =	simm.s32 @!p1 $0x0  }
0x14: {  	s2 =	sld [smem:$0x3F92];
	s0 =	simm.s32 @p1 $0x1  }
0x15: {  	[smem:$0x3FAF] =	sst s0;
	s0 =	simm.s32 @!p2 $0x0  }
0x16: {  	s3 =	sld [smem:$0x3FDB];
	s0 =	simm.s32 @p2 $0x1  }
0x17: {  	s4 =	simm.s32 $0x1BF5;
	[smem:$0x3FB1] =	sst s0  }
0x18: {  	s0 =	sld [smem:$0x3F94];
	_ =	swait.ge [sflag:s4], $0x0  }
0x19: {  	s7 =	sld [smem:$0x3F95]  }
0x1a: {  	s8 =	sadd.s32 $0xFFFFE003, lr  }
0x1b: {  	s9 =	sadd.s32 $0xFFFFFEF7, lr;
	s5 =	simm.s32 $0xFFFFFFFF;
	p2 =	slt.u32 s8, $0xFFFFF086  }
0x1c: {  	p1 =	slt.u32 s9, $0xF7A;
	s5 =	simm.s32 @!p2 $0x0  }
0x1d: {  	s5 =	simm.s32 @p1 $0x1;
	p0 =	seq.s32 s7, s2  }
0x1e: {  	s7 =	smul.u32 @!p0 $0xF7A, s2;
	p2 =	seq.s32 @!p0 s5, $0x0  }
0x1f: {  	s9 =	smul.u32 $0xF7A, s1;
	s8 =	simm.s32 @!p0 $0x1BF5;
	p2 =	por !p2, p0  }
0x20: {  	[sflag:s8] =	ssyncset.s32 @!p0 $0xFFFFF086;
	s6 =	sadd.s32 @!p0 s3, s7;
	s7 =	simm.s32 @!p0 $0x108  }
0x21: {  	s3 =	sadd.s32 s3, s9;
	s6 =	sadd.s32 @!p0 $0x88, s6;
	s7 =	simm.s32 @p2 $0x1082  }
0x22: {  	[simem:s7], [sflag:s8] =	dma.local @!p0 [hbm:s6], $0xF7A  }
0x23: {  	s9 =	sor.u32 $0xD0000000, s2;
	s6 =	simm.s32 $0x108;
	_ =	swait.ge @!p0 [sflag:s8], $0x0  }
0x24: {  	s3 =	sadd.s32 $0x88, s3;
	s6 =	simm.s32 @!p1 $0x1082;
	[sflag:s4] =	ssyncset.s32 $0xFFFFF086  }
0x25: {  	[simem:s6], [sflag:s4] =	dma.local [hbm:s3], $0xF7A  }
0x26: {  	[smem:$0x3F95] =	sst s1;
	(tag) =	ssettag s2;
	_ =	strace s9  }
0x27: {  	s1 =	sld [smem:$0x3FA5]  }
0x28: {  	s2 =	sld [smem:$0x3FA6]  }
0x29: {  	s4 =	sld [smem:$0x3FA8]  }
0x2a: {  	p0 =	seq.s32 s5, $0x0;
	s5 =	sld [smem:$0x3FA9]  }
0x2b: {  	s6 =	sld [smem:$0x3FAA]  }
0x2c: {  	s7 =	sld [smem:$0x3FAB]  }
0x2d: {  	s3 =	simm.s32 $0x108;
	s8 =	sld [smem:$0x3FAC]  }
0x2e: {  	s3 =	simm.s32 @!p0 $0x1082;
	s9 =	sld [smem:$0x3FAD]  }
0x2f: {  	lr =	sadd.s32 s0, s3;
	s0 =	sld [smem:$0x3FA4]  }
0x30: {  	s3 =	sld [smem:$0x3FA7]  }
0x31: {  	[smem:$0x3FB0] =	sst s10  }
0x32: {  	s10 =	sld [smem:$0x3FAE];
	_ =	sdelay $0x3  }
0x33: {  	p0 =	seq.s32 s10, $0x1;
	s10 =	sld [smem:$0x3FB0];
	_ =	sdelay $0x3  }
0x34: {  	[smem:$0x3FB0] =	sst s10  }
0x35: {  	s10 =	sld [smem:$0x3FAF];
	_ =	sdelay $0x3  }
0x36: {  	p1 =	seq.s32 s10, $0x1;
	s10 =	sld [smem:$0x3FB0];
	_ =	sdelay $0x3  }
0x37: {  	[smem:$0x3FB0] =	sst s10  }
0x38: {  	s10 =	sld [smem:$0x3FB1]  }
0x39: {  	_ = 	snop;
	(pc) =	sbr.ind lr, $3  }
0x3a: {  	_ = 	snop  }
0x3b: {  	_ = 	snop  }
0x3c: {  	p2 =	seq.s32 s10, $0x1;
	s10 =	sld [smem:$0x3FB0]  }
0x3d: {  	_ =	shalt  }
0x3e: {  	_ =	shalt  }
0x3f: {  	_ =	shalt  }
0x40: {  	_ =	shalt  }
0x41: {  	_ =	shalt  }
0x42: {  	_ =	shalt  }
0x43: {  	_ =	shalt  }
0x44: {  	_ =	shalt  }
0x45: {  	_ =	shalt  }
0x46: {  	_ =	shalt  }
0x47: {  	_ =	shalt  }
0x48: {  	_ =	shalt  }
0x49: {  	_ =	shalt  }
0x4a: {  	_ =	shalt  }
0x4b: {  	_ =	shalt  }
0x4c: {  	_ =	shalt  }
0x4d: {  	_ =	shalt  }
0x4e: {  	_ =	shalt  }
0x4f: {  	_ =	shalt  }
0x50: {  	_ =	shalt  }
0x51: {  	_ =	shalt  }
0x52: {  	_ =	shalt  }
0x53: {  	_ =	shalt  }
0x54: {  	_ =	shalt  }
0x55: {  	_ =	shalt  }
0x56: {  	_ =	shalt  }
0x57: {  	_ =	shalt  }
0x58: {  	_ =	shalt  }
0x59: {  	_ =	shalt  }
0x5a: {  	_ =	shalt  }
0x5b: {  	_ =	shalt  }
0x5c: {  	_ =	shalt  }
0x5d: {  	_ =	shalt  }
0x5e: {  	_ =	shalt  }
0x5f: {  	_ =	shalt  }
0x60: {  	_ =	shalt  }
0x61: {  	_ =	shalt  }
0x62: {  	_ =	shalt  }
0x63: {  	_ =	shalt  }
0x64: {  	_ =	shalt  }
0x65: {  	_ =	shalt  }
0x66: {  	_ =	shalt  }
0x67: {  	_ =	shalt  }
0x68: {  	_ =	shalt  }
0x69: {  	_ =	shalt  }
0x6a: {  	_ =	shalt  }
0x6b: {  	_ =	shalt  }
0x6c: {  	_ =	shalt  }
0x6d: {  	_ =	shalt  }
0x6e: {  	_ =	shalt  }
0x6f: {  	_ =	shalt  }
0x70: {  	_ =	shalt  }
0x71: {  	_ =	shalt  }
0x72: {  	_ =	shalt  }
0x73: {  	_ =	shalt  }
0x74: {  	_ =	shalt  }
0x75: {  	_ =	shalt  }
0x76: {  	_ =	shalt  }
0x77: {  	_ =	shalt  }
0x78: {  	_ =	shalt  }
0x79: {  	_ =	shalt  }
0x7a: {  	_ =	shalt  }
0x7b: {  	_ =	shalt  }
0x7c: {  	_ =	shalt  }
0x7d: {  	_ =	shalt  }
0x7e: {  	_ =	shalt  }
0x7f: {  	_ =	shalt  }
0x80: {  	_ =	shalt  }
0x81: {  	_ =	shalt  }
0x82: {  	_ =	shalt  }
0x83: {  	_ =	shalt  }
0x84: {  	_ =	shalt  }
0x85: {  	_ =	shalt  }
0x86: {  	_ =	shalt  }
0x87: {  	_ =	shalt  }
.Lfunc_end0:
.L_simem_size_0:
called_computation_lowered:
.L_overlay_start_0:
0x88: {  	s2 =	sld [smem:$0x3FD9]  }
0x89: {  	s3 =	sld [smem:$0x3FFE];
	_ =	sdelay $0x1  }
0x8a: {  	s1 =	srdreg.scid  }
0x8b: {  	s0 =	sand.u32 $0x1, s1  }
0x8c: {  	s17 =	sshll.u32 s0, $0xA;
	s2 =	sadd.s32 s3, s2  }
0x8d: {  	s2 =	sadd.s32 s2, s17  }
0x8e: {  	[smem:$0x3FBC] =	sst s2  }
0x8f: {  	_ = 	snop  }
0x90: {  	s2 =	sld [smem:$0x3FC2]  }
0x91: {  	s18 =	sld [smem:$0x3FD0];
	(tm) =	ssettm $0x1  }
0x92: {  	s4 =	sld [smem:$0x3FFB];
	_ =	sdelay $0x3  }
0x93: {  	_ =	strace s4  }
0x94: {  	s4 =	sld [smem:$0x3FFC];
	_ =	sdelay $0x3  }
0x95: {  	_ =	strace s4  }
0x96: {  	s4 =	sld [smem:$0x3FFD];
	_ =	sdelay $0x3  }
0x97: {  	_ =	strace s4  }
0x98: {  	_ =	strace $0x8FFFFFFF  }
0x99: {  	s19 =	sld [smem:$0x3FDB];
	_ =	sdelay $0x1  }
0x9a: {  	s5 =	simm.s32 $_scs_section_size  }
0x9b: {  	s6 =	simm.s32 $_size__tile_overlayer_lowered;
	s7 =	simm.s32 $_tile_overlayer_lowered  }
0x9c: {  	s22 =	simm.s32 $0x1BFF;
	s21 =	sshll.u32 s7, $0x1;
	s4 =	sadd.s32 s5, s19  }
0x9d: {  	s8 =	simm.s32 $0x0;
	s20 =	sshll.u32 s6, $0x1;
	s6 =	sadd.s32 s21, s4  }
0x9e: {  	[timem:s8], [sflag:s22] =	dma.local [hbm:s6], s20  }
0x9f: {  	_ =	swait.ge [sflag:s22], s20  }
0xa0: {  	s5 =	ssub.s32 $0x0, s20;
	[sflag:s22] =	ssyncset.done $0x0  }
0xa1: {  	[sflag:s22] =	ssyncadd.s32 s5;
	_ =	sdelay $0x1  }
0xa2: {  	s23 =	simm.s32 $0x1B8B  }
0xa3: {  	_ =	swait.ge [sflag:s23], $0x1  }
0xa4: {  	[sflag:s23] =	ssyncset.done $0x0  }
0xa5: {  	s25 =	simm.s32 $0x1B8E;
	s24 =	sld [smem:$0x3FFE];
	[sflag:s23] =	ssyncadd.s32 $0xFFFFFFFF  }
0xa6: {  	s26 =	simm.s32 $execute0_lowered;
	[smem:$0x3FD2] =	sst s25  }
0xa7: {  	s6 =	sshll.u32 s26, $0x1;
	_ =	strace $0x80000046;
	[dreg:$0x1] =	wrdreg $0xFFFFFFFF  }
0xa8: {  	s28 =	simm.s32 $_size_execute0_lowered;
	s4 =	sadd.s32 s4, s6;
	[dreg:$0x0] =	wrdreg $0x0  }
0xa9: {  	s6 =	sshll.u32 s28, $0x1;
	[dreg:$0x2] =	wrdreg s4  }
0xaa: {  	[dreg:$0x3] =	wrdreg s6  }
0xab: {  	[dreg:$0x4] =	wrdreg $0xC0  }
0xac: {  	_ =	task [dreg:s8], $0x5FFFF  }
0xad: {  	[dreg:$0x1] =	wrdreg $0xFFFFFFFF  }
0xae: {  	[dreg:$0x0] =	wrdreg $0x60  }
0xaf: {  	[dreg:$0x2] =	wrdreg s24  }
0xb0: {  	[dreg:$0x3] =	wrdreg s18  }
0xb1: {  	[dreg:$0x4] =	wrdreg s2  }
0xb2: {  	[dreg:$0x5] =	wrdreg $0x56100  }
0xb3: {  	[dreg:$0x6] =	wrdreg $0x9  }
0xb4: {  	_ =	task.clear_ibuf [dreg:s8], $0x7FFFF;
	_ =	strace $0x90000046  }
0xb5: {  	s29 =	simm.s32 $0x9;
	_ =	strace $0x80000048  }
0xb6: {  	_ =	swait.ge [sflag:s29], $0x1  }
0xb7: {  	[sflag:s29] =	ssyncadd.s32 $0xFFFFFFFF  }
0xb8: {  	_ =	strace $0x90000048  }
0xb9: {  	_ =	sfence  }
0xba: {  	s30 =	sld [smem:$0x0];
	_ =	sdelay $0x2  }
0xbb: {  	s31 =	sshll.u32 s1, $0xD;
	s1 =	sshrl.u32 s1, $0x2  }
0xbc: {  	s3 =	sand.u32 $0x4000, s31;
	s1 =	sadd.s32 s1, s30  }
0xbd: {  	s0 =	sor.u32 s3, s0;
	s1 =	sshll.u32 s1, $0x11  }
0xbe: {  	s0 =	sor.u32 s1, s0  }
0xbf: {  	s0 =	sadd.s32 $0x8F2B, s0  }
0xc0: {  	[sflag:s0] =	ssyncadd.remote.s32 $0x1  }
0xc1: {  	_ =	sfence.sel $0xFFFF  }
0xc2: {  	[dreg:$0x0] =	wrdreg $0xFFFFFFFF;
	(pc) =	sbr.abs _section_cstart, $3  }
0xc3: {  	[dreg:$0x1] =	wrdreg $0xFFFFFFFF  }
0xc4: {  	_ =	task.clear_ibuf [dreg:s8], $0x2FFFF;
	_ =	strace $0x9FFFFFFF  }
0xc5: {  	(tm) =	ssettm $0x7FFFFFFF  }
tec
execute0_lowered:
.L_overlay_start_1:
0x0: {  	(tag) =	ssettag $0x1  }
0x1: {  	s0 =	rddreg [dreg:$0x0]  }
0x2: {  	s3 =	rddreg [dreg:$0x3];
	s1 =	simm.s32 $0x0;
	s22 =	srdreg.scid  }
0x3: {  	s11 =	stileid.u32;
	s20 =	simm.s32 $0x9;
	s30 =	simm.s32 $0x1400  }
0x4: {  	s31 =	simm.s32 $0x180;
	s19 =	simm.s32 $0x200;
	s21 =	simm.s32 $0x7  }
0x5: {  	s16 =	simm.s32 $0x300;
	s17 =	simm.s32 $0x4C00;
	s18 =	simm.s32 $0x8  }
0x6: {  	[smem:$0x7FF] =	sst s1;
	s6 =	sadd.s32 $0x188000, s0;
	s5 =	smul.u32 $0x62000, s11  }
0x7: {  	s1 =	sand.u32 $0x1, s22;
	s7 =	sadd.s32 $0x1E9C00, s0;
	s8 =	sadd.s32 $0x24B800, s0  }
0x8: {  	s0 =	sadd.s32 $0x2AD800, s0;
	s23 =	smul.u32 $0x18680, s11;
	s22 =	simm.s32 $0x4400  }
0x9: {  	p0 =	sne.s32 s11, $0xF;
	_ =	strace $0x80000047;
	s2 =	sshll.u32 s1, $0x4  }
0xa: {  	s4 =	ssub.s32 $0x2, s1;
	s1 =	smul.u32 $0x186A00, s1;
	s2 =	sor.u32 s11, s2  }
0xb: {  	s9 =	sshrl.u32 s4, $0x1;
	s5 =	sshrl.u32 s5, $0x2;
	s28 =	sadd.s32 s23, s3  }
0xc: {  	s11 =	simm.s32 $0x4;
	s2 =	smul.u32 $0x18800, s2;
	s4 =	ssub.s32 s4, s9  }
0xd: {  	s9 =	sadd.s32 s5, s3;
	s25 =	sadd.s32 s23, s1;
	s1 =	sshrl.u32 s1, $0x3  }
0xe: {  	s23 =	simm.s32 $0x80;
	s5 =	simm.s32 $0x280;
	s26 =	sshrl.u32 s25, $0x3  }
0xf: {  	s1 =	sadd.s32 s0, s1;
	s29 =	smax.u32 s4, $0x1;
	s4 =	simm.s32 $0x2  }
0x10: {  	s25 =	simm.s32 $0x5;
	s10 =	sshrl.u32 s2, $0x3;
	s24 =	sor.u32 $0x200, s2  }
0x11: {  	s13 =	sor.u32 $0x300, s2;
	s14 =	sor.u32 $0x400, s2;
	[dreg:$0xa] =	wrdreg s29  }
0x12: {  	s15 =	sor.u32 $0x500, s2;
	s0 =	sadd.s32 s0, s26;
	[dreg:$0x7] =	wrdreg s24  }
0x13: {  	s1 =	sadd.s32 $0x30D00, s1;
	s2 =	simm.s32 $0x3;
	[dreg:$0x8] =	wrdreg s0  }
.Ltmp0:
0x14: {  	s10 =	sadd.s32 s8, s10;
	[dreg:$0x9] =	wrdreg s1;
	(pc) =	sbr.rel .LBB2_1-.Ltmp0, $4  }
0x15: {  	s26 =	simm.s32 $0x0;
	s0 =	sshrl.u32 s28, $0x3;
	[dreg:$0x5] =	wrdreg s10  }
0x16: {  	s1 =	sadd.s32 $0x186800, s3;
	s10 =	sadd.s32 $0x20, s10;
	[dreg:$0xb] =	wrdreg s0  }
0x17: {  	s24 =	simm.s32 $0x380;
	s0 =	sshrl.u32 @!p0 s1, $0x3;
	[dreg:$0x6] =	wrdreg s10  }
0x18: {  	v0 =	vimm.f32 $0.0e+00;
	s1 =	simm.s32 $0x1;
	[dreg:$0xc] =	wrdreg s0;
	s0 =	simm.s32 $0x3400  }
.LBB2_16:
0x19: {  	_ =	swait.ge [sflag:s25], $0x800  }
0x1a: {  	[sflag:s25] =	ssyncset.done $0x0  }
0x1b: {  	s10 =	simm.s32 $0x6;
	[sflag:s25] =	ssyncadd.s32 $0xFFFFF800  }
0x1c: {  	_ =	swait.ge [sflag:s10], $0x800  }
0x1d: {  	[sflag:s10] =	ssyncset.done $0x0  }
0x1e: {  	[sflag:s10] =	ssyncadd.s32 $0xFFFFF800  }
0x1f: {  	s26 =	stileid.u32;
	[bflag:$0x0] =	sbarrier.arrive $0xFFFF  }
0x20: {  	s10 =	sshll.u32 s26, $0x6;
	s12 =	rddreg [dreg:$0x8]  }
0x21: {  	s10 =	sor.u32 $0x1C09, s10;
	s26 =	rddreg [dreg:$0xb]  }
0x22: {  	[hbm:s12], [sflag:s10] =	dma.local [spmem:s26], $0x30D0  }
0x23: {  	_ =	swait.ge [sflag:s20], $0x30D0  }
0x24: {  	[sflag:s20] =	ssyncset.done $0x0;
	s12 =	rddreg [dreg:$0x9]  }
0x25: {  	s26 =	rddreg [dreg:$0xc];
	[sflag:s20] =	ssyncadd.s32 $0xFFFFCF30  }
0x26: {  	[hbm:s12], [sflag:s10] =	dma.local @!p0 [spmem:s26], $0x40  }
0x27: {  	s10 =	simm.s32 @!p0 $0x9  }
0x28: {  	_ =	swait.ge @!p0 [sflag:s10], $0x40  }
0x29: {  	s28 =	rddreg [dreg:$0xd]  }
0x2a: {  	s29 =	rddreg [dreg:$0xa];
	s26 =	sadd.s32 $0x1, s28  }
0x2b: {  	p1 =	sne.s32 s26, s29  }
.Ltmp1:
0x2c: {  	_ = 	snop;
	(pc) =	sbr.rel @!p1 .LBB2_17-.Ltmp1, $3  }
0x2d: {  	_ =	sdelay $0x1  }
0x2e: {  	[sflag:s10] =	ssyncset.done @!p0 $0x0  }
0x2f: {  	[sflag:s10] =	ssyncadd.s32 @!p0 $0xFFFFFFC0  }
.LBB2_1:
0x30: {  	[dreg:$0xd] =	wrdreg s26  }
0x31: {  	s10 =	rddreg [dreg:$0x1];
	s12 =	simm.s32 $0x0;
	s29 =	simm.s32 $0x5400  }
0x32: {  	[tilespmem:s29], [sflag:$0x9] =	stream.linear.gather [hbm4b:s10+s12], $0x200, $0x38;
	[tilespmem:$0x1DE10] =	vst v63  }
0x33: {  	_ =	swait.ge [sflag:s20], $0x200  }
0x34: {  	[sflag:s20] =	ssyncset.done $0x0  }
0x35: {  	[sflag:s20] =	ssyncadd.s32 $0xFFFFFE00  }
0x36: {  	s29 =	simm.s32 $0x5600;
	s28 =	rddreg [dreg:$0x2]  }
0x37: {  	[tilespmem:s29], [sflag:$0x9] =	stream.linear.gather [hbm4b:s28+s12], $0x10, $0x38;
	[tilespmem:$0x1DE10] =	vst v63  }
0x38: {  	_ =	swait.ge [sflag:s20], $0x10  }
0x39: {  	[sflag:s20] =	ssyncset.done $0x0  }
0x3a: {  	s10 =	simm.s32 $0x0;
	[sflag:s20] =	ssyncadd.s32 $0xFFFFFFF0  }
.LBB2_2:
0x3b: {  	p1 =	sne.s32 s10, $0x1FC0  }
.Ltmp2:
0x3c: {  	_ = 	snop;
	(pc) =	sbr.rel @p1 .LBB2_2-.Ltmp2, $3  }
0x3d: {  	_ =	sdelay $0x1  }
0x3e: {  	s12 =	sshra.s32 s10, $0x2  }
0x3f: {  	s10 =	sadd.s32 $0x40, s10;
	[tilespmem:s12+$0x4400] =	vst v0  }
0x40: {  	s10 =	sadd.s32 $0x0, s9  }
0x41: {  	[spmem:s10] =	stream.linear.scatter [tilespmem:s22], [sflag:$0x9], $0x800, $0x38;
	[tilespmem:$0x1DE10] =	vst v63  }
0x42: {  	s10 =	simm.s32 $0x2000;
	_ =	swait.ge [sflag:s20], $0x800  }
.LBB2_4:
0x43: {  	s12 =	sshra.s32 s10, $0x2;
	[sflag:s20] =	ssyncset.done $0x0;
	p1 =	sne.s32 s10, $0x60000  }
.Ltmp3:
0x44: {  	s12 =	sadd.s32 s12, s9;
	[sflag:s20] =	ssyncadd.s32 $0xFFFFF800;
	(pc) =	sbr.rel @p1 .LBB2_4-.Ltmp3, $3  }
0x45: {  	[spmem:s12] =	stream.linear.scatter [tilespmem:s22], [sflag:$0x9], $0x800, $0x38;
	[tilespmem:$0x1DE10] =	vst v63  }
0x46: {  	s10 =	sadd.s32 $0x2000, s10;
	_ =	sdelay $0x1  }
0x47: {  	_ =	swait.ge [sflag:s20], $0x800  }
0x48: {  	[sflag:s20] =	ssyncset.done $0x0  }
0x49: {  	[sflag:s20] =	ssyncadd.s32 $0xFFFFF800  }
0x4a: {  	[bflag:$0x0] =	sbarrier.arrive $0xFFFF  }
0x4b: {  	v1 =	vld [tilespmem:$0x5400]  }
0x4c: {  	v2 =	vld [tilespmem:$0x5410]  }
0x4d: {  	v3 =	vld [tilespmem:$0x5420]  }
0x4e: {  	v4 =	vld [tilespmem:$0x5430]  }
0x4f: {  	v5 =	vld [tilespmem:$0x5440]  }
0x50: {  	v6 =	vld [tilespmem:$0x5450]  }
0x51: {  	v7 =	vld [tilespmem:$0x5460]  }
0x52: {  	v8 =	vld [tilespmem:$0x5470]  }
0x53: {  	v9 =	vld [tilespmem:$0x5480]  }
0x54: {  	v10 =	vld [tilespmem:$0x5490]  }
0x55: {  	v11 =	vld [tilespmem:$0x54A0]  }
0x56: {  	v12 =	vld [tilespmem:$0x54B0]  }
0x57: {  	v13 =	vld [tilespmem:$0x54C0]  }
0x58: {  	v14 =	vld [tilespmem:$0x54D0]  }
0x59: {  	v15 =	vld [tilespmem:$0x54E0]  }
0x5a: {  	v16 =	vld [tilespmem:$0x54F0]  }
0x5b: {  	v17 =	vld [tilespmem:$0x5500]  }
0x5c: {  	v18 =	vld [tilespmem:$0x5510]  }
0x5d: {  	v19 =	vld [tilespmem:$0x5520]  }
0x5e: {  	v20 =	vld [tilespmem:$0x5530]  }
0x5f: {  	v21 =	vld [tilespmem:$0x5540]  }
0x60: {  	v22 =	vld [tilespmem:$0x5550]  }
0x61: {  	v23 =	vld [tilespmem:$0x5560]  }
0x62: {  	v24 =	vld [tilespmem:$0x5570]  }
0x63: {  	v25 =	vld [tilespmem:$0x5580]  }
0x64: {  	v26 =	vld [tilespmem:$0x5590]  }
0x65: {  	v27 =	vld [tilespmem:$0x55A0]  }
0x66: {  	v28 =	vld [tilespmem:$0x55B0]  }
0x67: {  	v29 =	vld [tilespmem:$0x55C0]  }
0x68: {  	v30 =	vld [tilespmem:$0x55D0]  }
0x69: {  	v31 =	vld [tilespmem:$0x55E0]  }
0x6a: {  	s26 =	simm.s32 $0x0;
	v32 =	vld [tilespmem:$0x55F0];
	s10 =	rddreg [dreg:$0x5]  }
0x6b: {  	v33 =	vld [tilespmem:$0x5600];
	[tilespmem:s26], [sflag:$0x9] =	stream.linear.gather [hbm4b:s10+s26], $0x100, $0x38  }
0x6c: {  	_ =	swait.ge [sflag:s20], $0x100  }
0x6d: {  	[sflag:s20] =	ssyncset.done $0x0  }
0x6e: {  	s12 =	simm.s32 $0x400;
	[sflag:s20] =	ssyncadd.s32 $0xFFFFFF00  }
0x6f: {  	[tilespmem:s12], [sflag:$0x1] =	stream.indirect.gather [hbm4b:s6+s23], $0x20, s26, s23, $0xb8;
	[tilespmem:$0x1DE10] =	vst v63  }
0x70: {  	s28 =	simm.s32 $0x2400  }
0x71: {  	[tilespmem:s28], [sflag:$0x3] =	stream.indirect.gather [hbm4b:s7+s23], $0x20, s23, s23, $0xb8;
	[tilespmem:$0x1DE10] =	vst v63  }
0x72: {  	s29 =	rddreg [dreg:$0x6];
	s12 =	simm.s32 $0x100  }
0x73: {  	[tilespmem:s12], [sflag:$0x9] =	stream.linear.gather [hbm4b:s29+s26], $0x100, $0x38;
	[tilespmem:$0x1DE10] =	vst v63  }
0x74: {  	_ =	swait.ge [sflag:s20], $0x100  }
0x75: {  	[sflag:s20] =	ssyncset.done $0x0  }
0x76: {  	[sflag:s20] =	ssyncadd.s32 $0xFFFFFF00  }
0x77: {  	[tilespmem:s30], [sflag:$0x2] =	stream.indirect.gather [hbm4b:s6+s23], $0x20, s12, s23, $0xb8;
	[tilespmem:$0x1DE10] =	vst v63  }
0x78: {  	s26 =	simm.s32 $0x0  }
0x79: {  	[tilespmem:s0], [sflag:$0x4] =	stream.indirect.gather [hbm4b:s7+s23], $0x20, s31, s23, $0xb8;
	[tilespmem:$0x1DE10] =	vst v63  }
.LBB2_6:
0x7a: {  	_ =	swait.ge [sflag:s1], $0x1000  }
0x7b: {  	[sflag:s1] =	ssyncset.done $0x0  }
0x7c: {  	[sflag:s1] =	ssyncadd.s32 $0xFFFFF000  }
0x7d: {  	_ =	swait.ge [sflag:s2], $0x1000  }
0x7e: {  	p1 =	seq.s32 s26, $0x0;
	[sflag:s2] =	ssyncset.done $0x0  }
0x7f: {  	s10 =	simm.s32 @!p1 $0x5;
	[sflag:s2] =	ssyncadd.s32 $0xFFFFF000  }
0x80: {  	_ =	swait.ge @!p1 [sflag:s10], $0x800  }
0x81: {  	s28 =	sshll.u32 s26, $0xA;
	s12 =	rddreg [dreg:$0x7]  }
0x82: {  	s12 =	sadd.s32 s28, s12  }
0x83: {  	[sflag:s10] =	ssyncset.done @!p1 $0x0;
	s12 =	sshrl.u32 s12, $0x3  }
0x84: {  	[sflag:s10] =	ssyncadd.s32 @!p1 $0xFFFFF800;
	s10 =	sadd.s32 s8, s12;
	s12 =	simm.s32 $0x0  }
0x85: {  	[tilespmem:s19], [sflag:$0x7] =	stream.linear.gather [hbm4b:s10+s12], $0x100, $0x38;
	[tilespmem:$0x1DE10] =	vst v63  }
0x86: {  	s12 =	simm.s32 $0x0  }
0x87: {  	v34 =	vld [tilespmem:s12+$0x2400]  }
0x88: {  	v35 =	vld [tilespmem:s12+$0x400];
	_ =	sdelay $0x4  }
0x89: {  	v34 =	vadd.f32 v34, v35;
	_ =	sdelay $0x1  }
0x8a: {  	v35 =	vmul.f32 $9.999999770e-03, v34;
	_ =	sdelay $0x1  }
0x8b: {  	v34 =	vmax.f32 v34, v35  }
0x8c: {  	v35 =	vbroadcast v34, $0x0;
	_ =	sdelay $0x1  }
0x8d: {  	v36 =	vbroadcast v34, $0x1;
	v35 =	vmul.f32 v35, v1;
	_ =	sdelay $0x1  }
0x8e: {  	v37 =	vbroadcast v34, $0x2;
	v36 =	vmul.f32 v36, v2;
	v35 =	vadd.f32 v35, v33;
	_ =	sdelay $0x1  }
0x8f: {  	v55 =	vbroadcast v34, $0x3;
	v54 =	vmul.f32 v37, v3;
	v35 =	vadd.f32 v35, v36;
	_ =	sdelay $0x1  }
0x90: {  	v57 =	vbroadcast v34, $0x4;
	v56 =	vmul.f32 v55, v4;
	v35 =	vadd.f32 v35, v54;
	_ =	sdelay $0x1  }
0x91: {  	v59 =	vbroadcast v34, $0x5;
	v58 =	vmul.f32 v57, v5;
	v35 =	vadd.f32 v35, v56;
	_ =	sdelay $0x1  }
0x92: {  	v61 =	vbroadcast v34, $0x6;
	v60 =	vmul.f32 v59, v6;
	v35 =	vadd.f32 v35, v58;
	_ =	sdelay $0x1  }
0x93: {  	v63 =	vbroadcast v34, $0x7;
	v62 =	vmul.f32 v61, v7;
	v35 =	vadd.f32 v35, v60;
	_ =	sdelay $0x1  }
0x94: {  	v41 =	vbroadcast v34, $0x8;
	v40 =	vmul.f32 v63, v8;
	v35 =	vadd.f32 v35, v62;
	_ =	sdelay $0x1  }
0x95: {  	v43 =	vbroadcast v34, $0x9;
	v42 =	vmul.f32 v41, v9;
	v35 =	vadd.f32 v35, v40;
	_ =	sdelay $0x1  }
0x96: {  	v45 =	vbroadcast v34, $0xA;
	v44 =	vmul.f32 v43, v10;
	v35 =	vadd.f32 v35, v42  }
0x97: {  	v38 =	vld [tilespmem:s12+$0x2410]  }
0x98: {  	v39 =	vld [tilespmem:s12+$0x410];
	v47 =	vbroadcast v34, $0xB;
	v46 =	vmul.f32 v45, v11;
	v35 =	vadd.f32 v35, v44;
	_ =	sdelay $0x1  }
0x99: {  	v49 =	vbroadcast v34, $0xC;
	v48 =	vmul.f32 v47, v12;
	v35 =	vadd.f32 v35, v46;
	_ =	sdelay $0x1  }
0x9a: {  	v51 =	vbroadcast v34, $0xD;
	v50 =	vmul.f32 v49, v13;
	v35 =	vadd.f32 v35, v48  }
0x9b: {  	v38 =	vadd.f32 v38, v39  }
0x9c: {  	v53 =	vbroadcast v34, $0xE;
	v52 =	vmul.f32 v51, v14;
	v35 =	vadd.f32 v35, v50  }
0x9d: {  	v39 =	vmul.f32 $9.999999770e-03, v38  }
0x9e: {  	v34 =	vbroadcast v34, $0xF;
	v54 =	vmul.f32 v53, v15;
	v35 =	vadd.f32 v35, v52  }
0x9f: {  	v37 =	vmax.f32 v38, v39  }
0xa0: {  	v34 =	vmul.f32 v34, v16;
	v55 =	vbroadcast v37, $0x0;
	v35 =	vadd.f32 v35, v54;
	_ =	sdelay $0x1  }
0xa1: {  	v57 =	vbroadcast v37, $0x1;
	v56 =	vmul.f32 v55, v17;
	v34 =	vadd.f32 v35, v34;
	_ =	sdelay $0x1  }
0xa2: {  	v59 =	vbroadcast v37, $0x2;
	v58 =	vmul.f32 v57, v18;
	v34 =	vadd.f32 v34, v56;
	_ =	sdelay $0x1  }
0xa3: {  	v61 =	vbroadcast v37, $0x3;
	v60 =	vmul.f32 v59, v19;
	v34 =	vadd.f32 v34, v58;
	_ =	sdelay $0x1  }
0xa4: {  	v63 =	vbroadcast v37, $0x4;
	v62 =	vmul.f32 v61, v20;
	v34 =	vadd.f32 v34, v60;
	_ =	sdelay $0x1  }
0xa5: {  	v41 =	vbroadcast v37, $0x5;
	v40 =	vmul.f32 v63, v21;
	v34 =	vadd.f32 v34, v62;
	_ =	sdelay $0x1  }
0xa6: {  	v43 =	vbroadcast v37, $0x6;
	v42 =	vmul.f32 v41, v22;
	v34 =	vadd.f32 v34, v40;
	_ =	sdelay $0x1  }
0xa7: {  	v45 =	vbroadcast v37, $0x7;
	v44 =	vmul.f32 v43, v23;
	v34 =	vadd.f32 v34, v42;
	_ =	sdelay $0x1  }
0xa8: {  	v47 =	vbroadcast v37, $0x8;
	v46 =	vmul.f32 v45, v24;
	v34 =	vadd.f32 v34, v44;
	_ =	sdelay $0x1  }
0xa9: {  	v49 =	vbroadcast v37, $0x9;
	v48 =	vmul.f32 v47, v25;
	v34 =	vadd.f32 v34, v46;
	_ =	sdelay $0x1  }
0xaa: {  	v51 =	vbroadcast v37, $0xA;
	v50 =	vmul.f32 v49, v26;
	v34 =	vadd.f32 v34, v48;
	_ =	sdelay $0x1  }
0xab: {  	v53 =	vbroadcast v37, $0xB;
	v52 =	vmul.f32 v51, v27;
	v34 =	vadd.f32 v34, v50;
	_ =	sdelay $0x1  }
0xac: {  	v55 =	vbroadcast v37, $0xC;
	v54 =	vmul.f32 v53, v28;
	v34 =	vadd.f32 v34, v52;
	_ =	sdelay $0x1  }
0xad: {  	v57 =	vbroadcast v37, $0xD;
	v56 =	vmul.f32 v55, v29;
	v34 =	vadd.f32 v34, v54;
	_ =	sdelay $0x1  }
0xae: {  	v59 =	vbroadcast v37, $0xE;
	v58 =	vmul.f32 v57, v30;
	v34 =	vadd.f32 v34, v56;
	_ =	sdelay $0x1  }
0xaf: {  	v61 =	vbroadcast v37, $0xF;
	v60 =	vmul.f32 v59, v31;
	v34 =	vadd.f32 v34, v58;
	_ =	sdelay $0x1  }
0xb0: {  	v62 =	vmul.f32 v61, v32;
	v34 =	vadd.f32 v34, v60;
	_ =	sdelay $0x1  }
0xb1: {  	v34 =	vadd.f32 v34, v62;
	_ =	sdelay $0x1  }
0xb2: {  	v35 =	vand.u32 $0x7FFFFFFF, v34  }
0xb3: {  	v35 =	vmul.f32 $-2.000000000e+00, v35;
	_ =	sdelay $0x1  }
0xb4: {  	v35 =	vmul.f32 $1.442695020e+00, v35;
	_ =	sdelay $0x1  }
0xb5: {  	(erf) = vpow2.f32 v35;
	_ =	sdelay $0x8  }
0xb6: {  	v35 =	vpop (erf)  }
0xb7: {  	v63 =	vadd.f32 $1.000000000e+00, v35;
	_ =	sdelay $0x1  }
0xb8: {  	(erf) = vrcp.f32 v63;
	_ =	sdelay $0x7  }
0xb9: {  	v35 =	vsub.f32 $1.000000000e+00, v35  }
0xba: {  	v36 =	vpop (erf)  }
0xbb: {  	v35 =	vmul.f32 v36, v35;
	_ =	sdelay $0x1  }
0xbc: {  	v36 =	vsub.f32 $0.0e+00, v35  }
0xbd: {  	vm0 =	vlt.f32 v34, $0.0e+00  }
0xbe: {  	s29 =	simm.s32 $0x4400;
	v34 =	vsel vm0, v36, v35  }
0xbf: {  	s12 =	simm.s32 $0x20;
	[tilespmem:s29+$0x0] =	vst v34  }
0xc0: {  	s10 =	simm.s32 $0x100;
	v34 =	vld [tilespmem:s12+$0x2400]  }
.LBB2_7:
0xc1: {  	p2 =	sne.s32 s10, $0x3F80;
	v35 =	vld [tilespmem:s12+$0x400];
	_ =	sdelay $0x4  }
0xc2: {  	v34 =	vadd.f32 v34, v35;
	_ =	sdelay $0x1  }
0xc3: {  	v35 =	vmul.f32 $9.999999770e-03, v34;
	_ =	sdelay $0x1  }
0xc4: {  	v34 =	vmax.f32 v34, v35  }
0xc5: {  	v35 =	vbroadcast v34, $0x0;
	_ =	sdelay $0x1  }
0xc6: {  	v36 =	vbroadcast v34, $0x1;
	v35 =	vmul.f32 v35, v1;
	_ =	sdelay $0x1  }
0xc7: {  	v37 =	vbroadcast v34, $0x2;
	v36 =	vmul.f32 v36, v2;
	v35 =	vadd.f32 v35, v33;
	_ =	sdelay $0x1  }
0xc8: {  	v35 =	vadd.f32 v35, v36;
	v36 =	vmul.f32 v37, v3;
	v37 =	vbroadcast v34, $0x3;
	_ =	sdelay $0x1  }
0xc9: {  	v35 =	vadd.f32 v35, v36;
	v36 =	vmul.f32 v37, v4;
	v37 =	vbroadcast v34, $0x4;
	_ =	sdelay $0x1  }
0xca: {  	v35 =	vadd.f32 v35, v36;
	v36 =	vmul.f32 v37, v5;
	v37 =	vbroadcast v34, $0x5;
	_ =	sdelay $0x1  }
0xcb: {  	v35 =	vadd.f32 v35, v36;
	v36 =	vmul.f32 v37, v6;
	v37 =	vbroadcast v34, $0x6;
	_ =	sdelay $0x1  }
0xcc: {  	v35 =	vadd.f32 v35, v36;
	v36 =	vmul.f32 v37, v7;
	v37 =	vbroadcast v34, $0x7;
	_ =	sdelay $0x1  }
0xcd: {  	v35 =	vadd.f32 v35, v36;
	v36 =	vmul.f32 v37, v8;
	v37 =	vbroadcast v34, $0x8;
	_ =	sdelay $0x1  }
0xce: {  	v35 =	vadd.f32 v35, v36;
	v36 =	vmul.f32 v37, v9;
	v37 =	vbroadcast v34, $0x9;
	_ =	sdelay $0x1  }
0xcf: {  	v35 =	vadd.f32 v35, v36;
	v36 =	vmul.f32 v37, v10;
	v37 =	vbroadcast v34, $0xA  }
0xd0: {  	v38 =	vld [tilespmem:s12+$0x2410]  }
0xd1: {  	v39 =	vld [tilespmem:s12+$0x410];
	v35 =	vadd.f32 v35, v36;
	v36 =	vmul.f32 v37, v11;
	v37 =	vbroadcast v34, $0xB;
	_ =	sdelay $0x1  }
0xd2: {  	v35 =	vadd.f32 v35, v36;
	v36 =	vmul.f32 v37, v12;
	v37 =	vbroadcast v34, $0xC;
	_ =	sdelay $0x1  }
0xd3: {  	v35 =	vadd.f32 v35, v36;
	v36 =	vmul.f32 v37, v13;
	v37 =	vbroadcast v34, $0xD  }
0xd4: {  	v38 =	vadd.f32 v38, v39  }
0xd5: {  	v35 =	vadd.f32 v35, v36;
	v36 =	vmul.f32 v37, v14;
	v37 =	vbroadcast v34, $0xE  }
0xd6: {  	v39 =	vmul.f32 $9.999999770e-03, v38  }
0xd7: {  	v34 =	vbroadcast v34, $0xF;
	v35 =	vadd.f32 v35, v36;
	v36 =	vmul.f32 v37, v15  }
0xd8: {  	v37 =	vmax.f32 v38, v39  }
0xd9: {  	v34 =	vmul.f32 v34, v16;
	v35 =	vadd.f32 v35, v36;
	v36 =	vbroadcast v37, $0x0;
	_ =	sdelay $0x1  }
0xda: {  	v34 =	vadd.f32 v35, v34;
	v35 =	vmul.f32 v36, v17;
	v36 =	vbroadcast v37, $0x1;
	_ =	sdelay $0x1  }
0xdb: {  	v34 =	vadd.f32 v34, v35;
	v35 =	vmul.f32 v36, v18;
	v36 =	vbroadcast v37, $0x2;
	_ =	sdelay $0x1  }
0xdc: {  	v34 =	vadd.f32 v34, v35;
	v35 =	vmul.f32 v36, v19;
	v36 =	vbroadcast v37, $0x3;
	_ =	sdelay $0x1  }
0xdd: {  	v34 =	vadd.f32 v34, v35;
	v35 =	vmul.f32 v36, v20;
	v36 =	vbroadcast v37, $0x4;
	_ =	sdelay $0x1  }
0xde: {  	v34 =	vadd.f32 v34, v35;
	v35 =	vmul.f32 v36, v21;
	v36 =	vbroadcast v37, $0x5;
	_ =	sdelay $0x1  }
0xdf: {  	v34 =	vadd.f32 v34, v35;
	v35 =	vmul.f32 v36, v22;
	v36 =	vbroadcast v37, $0x6;
	_ =	sdelay $0x1  }
0xe0: {  	v34 =	vadd.f32 v34, v35;
	v35 =	vmul.f32 v36, v23;
	v36 =	vbroadcast v37, $0x7;
	_ =	sdelay $0x1  }
0xe1: {  	v34 =	vadd.f32 v34, v35;
	v35 =	vmul.f32 v36, v24;
	v36 =	vbroadcast v37, $0x8;
	_ =	sdelay $0x1  }
0xe2: {  	v34 =	vadd.f32 v34, v35;
	v35 =	vmul.f32 v36, v25;
	v36 =	vbroadcast v37, $0x9;
	_ =	sdelay $0x1  }
0xe3: {  	v34 =	vadd.f32 v34, v35;
	v35 =	vmul.f32 v36, v26;
	v36 =	vbroadcast v37, $0xA;
	_ =	sdelay $0x1  }
0xe4: {  	v34 =	vadd.f32 v34, v35;
	v35 =	vmul.f32 v36, v27;
	v36 =	vbroadcast v37, $0xB;
	_ =	sdelay $0x1  }
0xe5: {  	v34 =	vadd.f32 v34, v35;
	v35 =	vmul.f32 v36, v28;
	v36 =	vbroadcast v37, $0xC;
	_ =	sdelay $0x1  }
0xe6: {  	v34 =	vadd.f32 v34, v35;
	v35 =	vmul.f32 v36, v29;
	v36 =	vbroadcast v37, $0xD;
	_ =	sdelay $0x1  }
0xe7: {  	v34 =	vadd.f32 v34, v35;
	v35 =	vmul.f32 v36, v30;
	v36 =	vbroadcast v37, $0xE;
	_ =	sdelay $0x1  }
0xe8: {  	v34 =	vadd.f32 v34, v35;
	v35 =	vmul.f32 v36, v31;
	v36 =	vbroadcast v37, $0xF;
	_ =	sdelay $0x1  }
0xe9: {  	v34 =	vadd.f32 v34, v35;
	v35 =	vmul.f32 v36, v32;
	_ =	sdelay $0x1  }
0xea: {  	v34 =	vadd.f32 v34, v35;
	_ =	sdelay $0x1  }
0xeb: {  	v35 =	vand.u32 $0x7FFFFFFF, v34  }
0xec: {  	v35 =	vmul.f32 $-2.000000000e+00, v35;
	_ =	sdelay $0x1  }
0xed: {  	v35 =	vmul.f32 $1.442695020e+00, v35;
	_ =	sdelay $0x1  }
0xee: {  	(erf) = vpow2.f32 v35;
	_ =	sdelay $0x8  }
0xef: {  	v35 =	vpop (erf)  }
0xf0: {  	v36 =	vadd.f32 $1.000000000e+00, v35;
	_ =	sdelay $0x1  }
0xf1: {  	(erf) = vrcp.f32 v36;
	_ =	sdelay $0x7  }
0xf2: {  	v35 =	vsub.f32 $1.000000000e+00, v35  }
0xf3: {  	v36 =	vpop (erf)  }
0xf4: {  	v35 =	vmul.f32 v36, v35;
	_ =	sdelay $0x1  }
.Ltmp4:
0xf5: {  	v36 =	vsub.f32 $0.0e+00, v35;
	(pc) =	sbr.rel @p2 .LBB2_7-.Ltmp4, $4  }
0xf6: {  	vm0 =	vlt.f32 v34, $0.0e+00  }
0xf7: {  	s29 =	sadd.s32 $0x10, s29;
	v34 =	vsel vm0, v36, v35  }
0xf8: {  	s12 =	sshra.s32 s10, $0x2;
	[tilespmem:s29+$0x0] =	vst v34  }
0xf9: {  	s10 =	sadd.s32 $0x80, s10;
	v34 =	vld [tilespmem:s12+$0x2400]  }
0xfa: {  	v35 =	vld [tilespmem:s12+$0x400];
	_ =	sdelay $0x4  }
0xfb: {  	v34 =	vadd.f32 v34, v35;
	_ =	sdelay $0x1  }
0xfc: {  	v35 =	vmul.f32 $9.999999770e-03, v34;
	_ =	sdelay $0x1  }
0xfd: {  	v34 =	vmax.f32 v34, v35  }
0xfe: {  	v35 =	vbroadcast v34, $0x0;
	_ =	sdelay $0x1  }
0xff: {  	v36 =	vbroadcast v34, $0x1;
	v35 =	vmul.f32 v35, v1;
	_ =	sdelay $0x1  }
0x100: {  	v37 =	vbroadcast v34, $0x2;
	v36 =	vmul.f32 v36, v2;
	v35 =	vadd.f32 v35, v33;
	_ =	sdelay $0x1  }
0x101: {  	v63 =	vbroadcast v34, $0x3;
	v62 =	vmul.f32 v37, v3;
	v35 =	vadd.f32 v35, v36;
	_ =	sdelay $0x1  }
0x102: {  	v41 =	vbroadcast v34, $0x4;
	v40 =	vmul.f32 v63, v4;
	v35 =	vadd.f32 v35, v62;
	_ =	sdelay $0x1  }
0x103: {  	v43 =	vbroadcast v34, $0x5;
	v42 =	vmul.f32 v41, v5;
	v35 =	vadd.f32 v35, v40;
	_ =	sdelay $0x1  }
0x104: {  	v45 =	vbroadcast v34, $0x6;
	v44 =	vmul.f32 v43, v6;
	v35 =	vadd.f32 v35, v42;
	_ =	sdelay $0x1  }
0x105: {  	v47 =	vbroadcast v34, $0x7;
	v46 =	vmul.f32 v45, v7;
	v35 =	vadd.f32 v35, v44;
	_ =	sdelay $0x1  }
0x106: {  	v49 =	vbroadcast v34, $0x8;
	v48 =	vmul.f32 v47, v8;
	v35 =	vadd.f32 v35, v46;
	_ =	sdelay $0x1  }
0x107: {  	v51 =	vbroadcast v34, $0x9;
	v50 =	vmul.f32 v49, v9;
	v35 =	vadd.f32 v35, v48;
	_ =	sdelay $0x1  }
0x108: {  	v53 =	vbroadcast v34, $0xA;
	v52 =	vmul.f32 v51, v10;
	v35 =	vadd.f32 v35, v50  }
0x109: {  	v38 =	vld [tilespmem:s12+$0x2410]  }
0x10a: {  	v39 =	vld [tilespmem:s12+$0x410];
	v55 =	vbroadcast v34, $0xB;
	v54 =	vmul.f32 v53, v11;
	v35 =	vadd.f32 v35, v52;
	_ =	sdelay $0x1  }
0x10b: {  	v57 =	vbroadcast v34, $0xC;
	v56 =	vmul.f32 v55, v12;
	v35 =	vadd.f32 v35, v54;
	_ =	sdelay $0x1  }
0x10c: {  	v59 =	vbroadcast v34, $0xD;
	v58 =	vmul.f32 v57, v13;
	v35 =	vadd.f32 v35, v56  }
0x10d: {  	v38 =	vadd.f32 v38, v39  }
0x10e: {  	v61 =	vbroadcast v34, $0xE;
	v60 =	vmul.f32 v59, v14;
	v35 =	vadd.f32 v35, v58  }
0x10f: {  	v39 =	vmul.f32 $9.999999770e-03, v38  }
0x110: {  	v34 =	vbroadcast v34, $0xF;
	v62 =	vmul.f32 v61, v15;
	v35 =	vadd.f32 v35, v60  }
0x111: {  	v37 =	vmax.f32 v38, v39  }
0x112: {  	v34 =	vmul.f32 v34, v16;
	v63 =	vbroadcast v37, $0x0;
	v35 =	vadd.f32 v35, v62;
	_ =	sdelay $0x1  }
0x113: {  	v41 =	vbroadcast v37, $0x1;
	v40 =	vmul.f32 v63, v17;
	v34 =	vadd.f32 v35, v34;
	_ =	sdelay $0x1  }
0x114: {  	v43 =	vbroadcast v37, $0x2;
	v42 =	vmul.f32 v41, v18;
	v34 =	vadd.f32 v34, v40;
	_ =	sdelay $0x1  }
0x115: {  	v45 =	vbroadcast v37, $0x3;
	v44 =	vmul.f32 v43, v19;
	v34 =	vadd.f32 v34, v42;
	_ =	sdelay $0x1  }
0x116: {  	v47 =	vbroadcast v37, $0x4;
	v46 =	vmul.f32 v45, v20;
	v34 =	vadd.f32 v34, v44;
	_ =	sdelay $0x1  }
0x117: {  	v49 =	vbroadcast v37, $0x5;
	v48 =	vmul.f32 v47, v21;
	v34 =	vadd.f32 v34, v46;
	_ =	sdelay $0x1  }
0x118: {  	v51 =	vbroadcast v37, $0x6;
	v50 =	vmul.f32 v49, v22;
	v34 =	vadd.f32 v34, v48;
	_ =	sdelay $0x1  }
0x119: {  	v53 =	vbroadcast v37, $0x7;
	v52 =	vmul.f32 v51, v23;
	v34 =	vadd.f32 v34, v50;
	_ =	sdelay $0x1  }
0x11a: {  	v55 =	vbroadcast v37, $0x8;
	v54 =	vmul.f32 v53, v24;
	v34 =	vadd.f32 v34, v52;
	_ =	sdelay $0x1  }
0x11b: {  	v57 =	vbroadcast v37, $0x9;
	v56 =	vmul.f32 v55, v25;
	v34 =	vadd.f32 v34, v54;
	_ =	sdelay $0x1  }
0x11c: {  	v59 =	vbroadcast v37, $0xA;
	v58 =	vmul.f32 v57, v26;
	v34 =	vadd.f32 v34, v56;
	_ =	sdelay $0x1  }
0x11d: {  	v61 =	vbroadcast v37, $0xB;
	v60 =	vmul.f32 v59, v27;
	v34 =	vadd.f32 v34, v58;
	_ =	sdelay $0x1  }
0x11e: {  	v63 =	vbroadcast v37, $0xC;
	v62 =	vmul.f32 v61, v28;
	v34 =	vadd.f32 v34, v60;
	_ =	sdelay $0x1  }
0x11f: {  	v41 =	vbroadcast v37, $0xD;
	v40 =	vmul.f32 v63, v29;
	v34 =	vadd.f32 v34, v62;
	_ =	sdelay $0x1  }
0x120: {  	v43 =	vbroadcast v37, $0xE;
	v42 =	vmul.f32 v41, v30;
	v34 =	vadd.f32 v34, v40;
	_ =	sdelay $0x1  }
0x121: {  	v45 =	vbroadcast v37, $0xF;
	v44 =	vmul.f32 v43, v31;
	v34 =	vadd.f32 v34, v42;
	_ =	sdelay $0x1  }
0x122: {  	v46 =	vmul.f32 v45, v32;
	v34 =	vadd.f32 v34, v44;
	_ =	sdelay $0x1  }
0x123: {  	v34 =	vadd.f32 v34, v46;
	_ =	sdelay $0x1  }
0x124: {  	v35 =	vand.u32 $0x7FFFFFFF, v34  }
0x125: {  	v35 =	vmul.f32 $-2.000000000e+00, v35;
	_ =	sdelay $0x1  }
0x126: {  	v35 =	vmul.f32 $1.442695020e+00, v35;
	_ =	sdelay $0x1  }
0x127: {  	(erf) = vpow2.f32 v35;
	_ =	sdelay $0x8  }
0x128: {  	v35 =	vpop (erf)  }
0x129: {  	v47 =	vadd.f32 $1.000000000e+00, v35;
	_ =	sdelay $0x1  }
0x12a: {  	(erf) = vrcp.f32 v47;
	_ =	sdelay $0x7  }
0x12b: {  	v35 =	vsub.f32 $1.000000000e+00, v35  }
0x12c: {  	v36 =	vpop (erf)  }
0x12d: {  	v35 =	vmul.f32 v36, v35;
	_ =	sdelay $0x1  }
0x12e: {  	v36 =	vsub.f32 $0.0e+00, v35  }
0x12f: {  	vm0 =	vlt.f32 v34, $0.0e+00  }
0x130: {  	s10 =	sadd.s32 $0x10, s29;
	v34 =	vsel vm0, v36, v35  }
0x131: {  	[tilespmem:s10+$0x0] =	vst v34  }
0x132: {  	[spmem:s3] =	stream.indirect.scatter.add.f32 [tilespmem:s22], [sflag:$0x5], $0x10, s23, s23, $0xb8;
	[tilespmem:$0x1DE10] =	vst v63  }
0x133: {  	_ =	swait.ge [sflag:s21], $0x100  }
0x134: {  	[sflag:s21] =	ssyncset.done $0x0  }
0x135: {  	s12 =	simm.s32 $0x400;
	[sflag:s21] =	ssyncadd.s32 $0xFFFFFF00  }
0x136: {  	[tilespmem:s12], [sflag:$0x1] =	stream.indirect.gather [hbm4b:s6+s23], $0x20, s19, s23, $0xb8;
	[tilespmem:$0x1DE10] =	vst v63  }
0x137: {  	s12 =	simm.s32 $0x2400  }
0x138: {  	[tilespmem:s12], [sflag:$0x3] =	stream.indirect.gather [hbm4b:s7+s23], $0x20, s5, s23, $0xb8;
	[tilespmem:$0x1DE10] =	vst v63  }
0x139: {  	_ =	swait.ge [sflag:s4], $0x1000  }
0x13a: {  	[sflag:s4] =	ssyncset.done $0x0  }
0x13b: {  	[sflag:s4] =	ssyncadd.s32 $0xFFFFF000  }
0x13c: {  	_ =	swait.ge [sflag:s11], $0x1000  }
0x13d: {  	[sflag:s11] =	ssyncset.done $0x0  }
0x13e: {  	s10 =	simm.s32 @!p1 $0x6;
	[sflag:s11] =	ssyncadd.s32 $0xFFFFF000  }
0x13f: {  	s12 =	sadd.s32 s28, s13;
	_ =	swait.ge @!p1 [sflag:s10], $0x800  }
0x140: {  	s12 =	sshrl.u32 s12, $0x3;
	[sflag:s10] =	ssyncset.done @!p1 $0x0  }
0x141: {  	[sflag:s10] =	ssyncadd.s32 @!p1 $0xFFFFF800;
	s10 =	sadd.s32 s8, s12;
	s12 =	simm.s32 $0x0  }
0x142: {  	[tilespmem:s16], [sflag:$0x8] =	stream.linear.gather [hbm4b:s10+s12], $0x100, $0x38;
	[tilespmem:$0x1DE10] =	vst v63  }
0x143: {  	s12 =	simm.s32 $0x0  }
0x144: {  	v48 =	vld [tilespmem:s12+$0x3400]  }
0x145: {  	v49 =	vld [tilespmem:s12+$0x1400];
	_ =	sdelay $0x4  }
0x146: {  	v34 =	vadd.f32 v48, v49;
	_ =	sdelay $0x1  }
0x147: {  	v35 =	vmul.f32 $9.999999770e-03, v34;
	_ =	sdelay $0x1  }
0x148: {  	v34 =	vmax.f32 v34, v35  }
0x149: {  	v35 =	vbroadcast v34, $0x0;
	_ =	sdelay $0x1  }
0x14a: {  	v50 =	vbroadcast v34, $0x1;
	v35 =	vmul.f32 v35, v1;
	_ =	sdelay $0x1  }
0x14b: {  	v51 =	vbroadcast v34, $0x2;
	v36 =	vmul.f32 v50, v2;
	v35 =	vadd.f32 v35, v33;
	_ =	sdelay $0x1  }
0x14c: {  	v53 =	vbroadcast v34, $0x3;
	v52 =	vmul.f32 v51, v3;
	v35 =	vadd.f32 v35, v36;
	_ =	sdelay $0x1  }
0x14d: {  	v55 =	vbroadcast v34, $0x4;
	v54 =	vmul.f32 v53, v4;
	v35 =	vadd.f32 v35, v52;
	_ =	sdelay $0x1  }
0x14e: {  	v57 =	vbroadcast v34, $0x5;
	v56 =	vmul.f32 v55, v5;
	v35 =	vadd.f32 v35, v54;
	_ =	sdelay $0x1  }
0x14f: {  	v59 =	vbroadcast v34, $0x6;
	v58 =	vmul.f32 v57, v6;
	v35 =	vadd.f32 v35, v56;
	_ =	sdelay $0x1  }
0x150: {  	v61 =	vbroadcast v34, $0x7;
	v60 =	vmul.f32 v59, v7;
	v35 =	vadd.f32 v35, v58;
	_ =	sdelay $0x1  }
0x151: {  	v63 =	vbroadcast v34, $0x8;
	v62 =	vmul.f32 v61, v8;
	v35 =	vadd.f32 v35, v60;
	_ =	sdelay $0x1  }
0x152: {  	v41 =	vbroadcast v34, $0x9;
	v40 =	vmul.f32 v63, v9;
	v35 =	vadd.f32 v35, v62;
	_ =	sdelay $0x1  }
0x153: {  	v43 =	vbroadcast v34, $0xA;
	v42 =	vmul.f32 v41, v10;
	v35 =	vadd.f32 v35, v40  }
0x154: {  	v44 =	vld [tilespmem:s12+$0x3410]  }
0x155: {  	v45 =	vld [tilespmem:s12+$0x1410];
	v47 =	vbroadcast v34, $0xB;
	v46 =	vmul.f32 v43, v11;
	v35 =	vadd.f32 v35, v42;
	_ =	sdelay $0x1  }
0x156: {  	v49 =	vbroadcast v34, $0xC;
	v48 =	vmul.f32 v47, v12;
	v35 =	vadd.f32 v35, v46;
	_ =	sdelay $0x1  }
0x157: {  	v50 =	vmul.f32 v49, v13;
	v51 =	vbroadcast v34, $0xD;
	v35 =	vadd.f32 v35, v48  }
0x158: {  	v38 =	vadd.f32 v44, v45  }
0x159: {  	v53 =	vbroadcast v34, $0xE;
	v52 =	vmul.f32 v51, v14;
	v35 =	vadd.f32 v35, v50  }
0x15a: {  	v39 =	vmul.f32 $9.999999770e-03, v38  }
0x15b: {  	v34 =	vbroadcast v34, $0xF;
	v54 =	vmul.f32 v53, v15;
	v35 =	vadd.f32 v35, v52  }
0x15c: {  	v37 =	vmax.f32 v38, v39  }
0x15d: {  	v55 =	vbroadcast v37, $0x0;
	v34 =	vmul.f32 v34, v16;
	v35 =	vadd.f32 v35, v54;
	_ =	sdelay $0x1  }
0x15e: {  	v57 =	vbroadcast v37, $0x1;
	v56 =	vmul.f32 v55, v17;
	v34 =	vadd.f32 v35, v34;
	_ =	sdelay $0x1  }
0x15f: {  	v59 =	vbroadcast v37, $0x2;
	v58 =	vmul.f32 v57, v18;
	v34 =	vadd.f32 v34, v56;
	_ =	sdelay $0x1  }
0x160: {  	v61 =	vbroadcast v37, $0x3;
	v60 =	vmul.f32 v59, v19;
	v34 =	vadd.f32 v34, v58;
	_ =	sdelay $0x1  }
0x161: {  	v63 =	vbroadcast v37, $0x4;
	v62 =	vmul.f32 v61, v20;
	v34 =	vadd.f32 v34, v60;
	_ =	sdelay $0x1  }
0x162: {  	v41 =	vbroadcast v37, $0x5;
	v40 =	vmul.f32 v63, v21;
	v34 =	vadd.f32 v34, v62;
	_ =	sdelay $0x1  }
0x163: {  	v43 =	vbroadcast v37, $0x6;
	v42 =	vmul.f32 v41, v22;
	v34 =	vadd.f32 v34, v40;
	_ =	sdelay $0x1  }
0x164: {  	v45 =	vbroadcast v37, $0x7;
	v44 =	vmul.f32 v43, v23;
	v34 =	vadd.f32 v34, v42;
	_ =	sdelay $0x1  }
0x165: {  	v47 =	vbroadcast v37, $0x8;
	v46 =	vmul.f32 v45, v24;
	v34 =	vadd.f32 v34, v44;
	_ =	sdelay $0x1  }
0x166: {  	v49 =	vbroadcast v37, $0x9;
	v48 =	vmul.f32 v47, v25;
	v34 =	vadd.f32 v34, v46;
	_ =	sdelay $0x1  }
0x167: {  	v51 =	vbroadcast v37, $0xA;
	v50 =	vmul.f32 v49, v26;
	v34 =	vadd.f32 v34, v48;
	_ =	sdelay $0x1  }
0x168: {  	v53 =	vbroadcast v37, $0xB;
	v52 =	vmul.f32 v51, v27;
	v34 =	vadd.f32 v34, v50;
	_ =	sdelay $0x1  }
0x169: {  	v55 =	vbroadcast v37, $0xC;
	v54 =	vmul.f32 v53, v28;
	v34 =	vadd.f32 v34, v52;
	_ =	sdelay $0x1  }
0x16a: {  	v57 =	vbroadcast v37, $0xD;
	v56 =	vmul.f32 v55, v29;
	v34 =	vadd.f32 v34, v54;
	_ =	sdelay $0x1  }
0x16b: {  	v59 =	vbroadcast v37, $0xE;
	v58 =	vmul.f32 v57, v30;
	v34 =	vadd.f32 v34, v56;
	_ =	sdelay $0x1  }
0x16c: {  	v61 =	vbroadcast v37, $0xF;
	v60 =	vmul.f32 v59, v31;
	v34 =	vadd.f32 v34, v58;
	_ =	sdelay $0x1  }
0x16d: {  	v62 =	vmul.f32 v61, v32;
	v34 =	vadd.f32 v34, v60;
	_ =	sdelay $0x1  }
0x16e: {  	v34 =	vadd.f32 v34, v62;
	_ =	sdelay $0x1  }
0x16f: {  	v35 =	vand.u32 $0x7FFFFFFF, v34  }
0x170: {  	v35 =	vmul.f32 $-2.000000000e+00, v35;
	_ =	sdelay $0x1  }
0x171: {  	v35 =	vmul.f32 $1.442695020e+00, v35;
	_ =	sdelay $0x1  }
0x172: {  	(erf) = vpow2.f32 v35;
	_ =	sdelay $0x8  }
0x173: {  	v35 =	vpop (erf)  }
0x174: {  	v63 =	vadd.f32 $1.000000000e+00, v35;
	_ =	sdelay $0x1  }
0x175: {  	(erf) = vrcp.f32 v63;
	_ =	sdelay $0x7  }
0x176: {  	v35 =	vsub.f32 $1.000000000e+00, v35  }
0x177: {  	v36 =	vpop (erf)  }
0x178: {  	v35 =	vmul.f32 v36, v35;
	_ =	sdelay $0x1  }
0x179: {  	v36 =	vsub.f32 $0.0e+00, v35  }
0x17a: {  	vm15 =	vlt.f32 v34, $0.0e+00  }
0x17b: {  	s29 =	simm.s32 $0x4C00;
	v34 =	vsel vm15, v36, v35  }
0x17c: {  	s12 =	simm.s32 $0x20;
	[tilespmem:s29+$0x0] =	vst v34  }
0x17d: {  	s10 =	simm.s32 $0x100;
	v34 =	vld [tilespmem:s12+$0x3400]  }
.LBB2_9:
0x17e: {  	p1 =	sne.s32 s10, $0x3F80;
	v35 =	vld [tilespmem:s12+$0x1400];
	_ =	sdelay $0x4  }
0x17f: {  	v34 =	vadd.f32 v34, v35;
	_ =	sdelay $0x1  }
0x180: {  	v35 =	vmul.f32 $9.999999770e-03, v34;
	_ =	sdelay $0x1  }
0x181: {  	v34 =	vmax.f32 v34, v35  }
0x182: {  	v35 =	vbroadcast v34, $0x0;
	_ =	sdelay $0x1  }
0x183: {  	v36 =	vbroadcast v34, $0x1;
	v35 =	vmul.f32 v35, v1;
	_ =	sdelay $0x1  }
0x184: {  	v37 =	vbroadcast v34, $0x2;
	v36 =	vmul.f32 v36, v2;
	v35 =	vadd.f32 v35, v33;
	_ =	sdelay $0x1  }
0x185: {  	v35 =	vadd.f32 v35, v36;
	v36 =	vmul.f32 v37, v3;
	v37 =	vbroadcast v34, $0x3;
	_ =	sdelay $0x1  }
0x186: {  	v35 =	vadd.f32 v35, v36;
	v36 =	vmul.f32 v37, v4;
	v37 =	vbroadcast v34, $0x4;
	_ =	sdelay $0x1  }
0x187: {  	v35 =	vadd.f32 v35, v36;
	v36 =	vmul.f32 v37, v5;
	v37 =	vbroadcast v34, $0x5;
	_ =	sdelay $0x1  }
0x188: {  	v35 =	vadd.f32 v35, v36;
	v36 =	vmul.f32 v37, v6;
	v37 =	vbroadcast v34, $0x6;
	_ =	sdelay $0x1  }
0x189: {  	v35 =	vadd.f32 v35, v36;
	v36 =	vmul.f32 v37, v7;
	v37 =	vbroadcast v34, $0x7;
	_ =	sdelay $0x1  }
0x18a: {  	v35 =	vadd.f32 v35, v36;
	v36 =	vmul.f32 v37, v8;
	v37 =	vbroadcast v34, $0x8;
	_ =	sdelay $0x1  }
0x18b: {  	v35 =	vadd.f32 v35, v36;
	v36 =	vmul.f32 v37, v9;
	v37 =	vbroadcast v34, $0x9;
	_ =	sdelay $0x1  }
0x18c: {  	v35 =	vadd.f32 v35, v36;
	v36 =	vmul.f32 v37, v10;
	v37 =	vbroadcast v34, $0xA  }
0x18d: {  	v38 =	vld [tilespmem:s12+$0x3410]  }
0x18e: {  	v39 =	vld [tilespmem:s12+$0x1410];
	v35 =	vadd.f32 v35, v36;
	v36 =	vmul.f32 v37, v11;
	v37 =	vbroadcast v34, $0xB;
	_ =	sdelay $0x1  }
0x18f: {  	v35 =	vadd.f32 v35, v36;
	v36 =	vmul.f32 v37, v12;
	v37 =	vbroadcast v34, $0xC;
	_ =	sdelay $0x1  }
0x190: {  	v35 =	vadd.f32 v35, v36;
	v36 =	vmul.f32 v37, v13;
	v37 =	vbroadcast v34, $0xD  }
0x191: {  	v38 =	vadd.f32 v38, v39  }
0x192: {  	v35 =	vadd.f32 v35, v36;
	v36 =	vmul.f32 v37, v14;
	v37 =	vbroadcast v34, $0xE  }
0x193: {  	v39 =	vmul.f32 $9.999999770e-03, v38  }
0x194: {  	v34 =	vbroadcast v34, $0xF;
	v35 =	vadd.f32 v35, v36;
	v36 =	vmul.f32 v37, v15  }
0x195: {  	v37 =	vmax.f32 v38, v39  }
0x196: {  	v34 =	vmul.f32 v34, v16;
	v35 =	vadd.f32 v35, v36;
	v36 =	vbroadcast v37, $0x0;
	_ =	sdelay $0x1  }
0x197: {  	v34 =	vadd.f32 v35, v34;
	v35 =	vmul.f32 v36, v17;
	v36 =	vbroadcast v37, $0x1;
	_ =	sdelay $0x1  }
0x198: {  	v34 =	vadd.f32 v34, v35;
	v35 =	vmul.f32 v36, v18;
	v36 =	vbroadcast v37, $0x2;
	_ =	sdelay $0x1  }
0x199: {  	v34 =	vadd.f32 v34, v35;
	v35 =	vmul.f32 v36, v19;
	v36 =	vbroadcast v37, $0x3;
	_ =	sdelay $0x1  }
0x19a: {  	v34 =	vadd.f32 v34, v35;
	v35 =	vmul.f32 v36, v20;
	v36 =	vbroadcast v37, $0x4;
	_ =	sdelay $0x1  }
0x19b: {  	v34 =	vadd.f32 v34, v35;
	v35 =	vmul.f32 v36, v21;
	v36 =	vbroadcast v37, $0x5;
	_ =	sdelay $0x1  }
0x19c: {  	v34 =	vadd.f32 v34, v35;
	v35 =	vmul.f32 v36, v22;
	v36 =	vbroadcast v37, $0x6;
	_ =	sdelay $0x1  }
0x19d: {  	v34 =	vadd.f32 v34, v35;
	v35 =	vmul.f32 v36, v23;
	v36 =	vbroadcast v37, $0x7;
	_ =	sdelay $0x1  }
0x19e: {  	v34 =	vadd.f32 v34, v35;
	v35 =	vmul.f32 v36, v24;
	v36 =	vbroadcast v37, $0x8;
	_ =	sdelay $0x1  }
0x19f: {  	v34 =	vadd.f32 v34, v35;
	v35 =	vmul.f32 v36, v25;
	v36 =	vbroadcast v37, $0x9;
	_ =	sdelay $0x1  }
0x1a0: {  	v34 =	vadd.f32 v34, v35;
	v35 =	vmul.f32 v36, v26;
	v36 =	vbroadcast v37, $0xA;
	_ =	sdelay $0x1  }
0x1a1: {  	v34 =	vadd.f32 v34, v35;
	v35 =	vmul.f32 v36, v27;
	v36 =	vbroadcast v37, $0xB;
	_ =	sdelay $0x1  }
0x1a2: {  	v34 =	vadd.f32 v34, v35;
	v35 =	vmul.f32 v36, v28;
	v36 =	vbroadcast v37, $0xC;
	_ =	sdelay $0x1  }
0x1a3: {  	v34 =	vadd.f32 v34, v35;
	v35 =	vmul.f32 v36, v29;
	v36 =	vbroadcast v37, $0xD;
	_ =	sdelay $0x1  }
0x1a4: {  	v34 =	vadd.f32 v34, v35;
	v35 =	vmul.f32 v36, v30;
	v36 =	vbroadcast v37, $0xE;
	_ =	sdelay $0x1  }
0x1a5: {  	v34 =	vadd.f32 v34, v35;
	v35 =	vmul.f32 v36, v31;
	v36 =	vbroadcast v37, $0xF;
	_ =	sdelay $0x1  }
0x1a6: {  	v34 =	vadd.f32 v34, v35;
	v35 =	vmul.f32 v36, v32;
	_ =	sdelay $0x1  }
0x1a7: {  	v34 =	vadd.f32 v34, v35;
	_ =	sdelay $0x1  }
0x1a8: {  	v35 =	vand.u32 $0x7FFFFFFF, v34  }
0x1a9: {  	v35 =	vmul.f32 $-2.000000000e+00, v35;
	_ =	sdelay $0x1  }
0x1aa: {  	v35 =	vmul.f32 $1.442695020e+00, v35;
	_ =	sdelay $0x1  }
0x1ab: {  	(erf) = vpow2.f32 v35;
	_ =	sdelay $0x8  }
0x1ac: {  	v35 =	vpop (erf)  }
0x1ad: {  	v36 =	vadd.f32 $1.000000000e+00, v35;
	_ =	sdelay $0x1  }
0x1ae: {  	(erf) = vrcp.f32 v36;
	_ =	sdelay $0x7  }
0x1af: {  	v35 =	vsub.f32 $1.000000000e+00, v35  }
0x1b0: {  	v36 =	vpop (erf)  }
0x1b1: {  	v35 =	vmul.f32 v36, v35;
	_ =	sdelay $0x1  }
.Ltmp5:
0x1b2: {  	v36 =	vsub.f32 $0.0e+00, v35;
	(pc) =	sbr.rel @p1 .LBB2_9-.Ltmp5, $4  }
0x1b3: {  	vm0 =	vlt.f32 v34, $0.0e+00  }
0x1b4: {  	s29 =	sadd.s32 $0x10, s29;
	v34 =	vsel vm0, v36, v35  }
0x1b5: {  	s12 =	sshra.s32 s10, $0x2;
	[tilespmem:s29+$0x0] =	vst v34  }
0x1b6: {  	s10 =	sadd.s32 $0x80, s10;
	v34 =	vld [tilespmem:s12+$0x3400]  }
0x1b7: {  	v35 =	vld [tilespmem:s12+$0x1400];
	_ =	sdelay $0x4  }
0x1b8: {  	v34 =	vadd.f32 v34, v35;
	_ =	sdelay $0x1  }
0x1b9: {  	v35 =	vmul.f32 $9.999999770e-03, v34;
	_ =	sdelay $0x1  }
0x1ba: {  	v34 =	vmax.f32 v34, v35  }
0x1bb: {  	v35 =	vbroadcast v34, $0x0;
	_ =	sdelay $0x1  }
0x1bc: {  	v36 =	vbroadcast v34, $0x1;
	v35 =	vmul.f32 v35, v1;
	_ =	sdelay $0x1  }
0x1bd: {  	v37 =	vbroadcast v34, $0x2;
	v36 =	vmul.f32 v36, v2;
	v35 =	vadd.f32 v35, v33;
	_ =	sdelay $0x1  }
0x1be: {  	v63 =	vbroadcast v34, $0x3;
	v62 =	vmul.f32 v37, v3;
	v35 =	vadd.f32 v35, v36;
	_ =	sdelay $0x1  }
0x1bf: {  	v41 =	vbroadcast v34, $0x4;
	v40 =	vmul.f32 v63, v4;
	v35 =	vadd.f32 v35, v62;
	_ =	sdelay $0x1  }
0x1c0: {  	v43 =	vbroadcast v34, $0x5;
	v42 =	vmul.f32 v41, v5;
	v35 =	vadd.f32 v35, v40;
	_ =	sdelay $0x1  }
0x1c1: {  	v45 =	vbroadcast v34, $0x6;
	v44 =	vmul.f32 v43, v6;
	v35 =	vadd.f32 v35, v42;
	_ =	sdelay $0x1  }
0x1c2: {  	v47 =	vbroadcast v34, $0x7;
	v46 =	vmul.f32 v45, v7;
	v35 =	vadd.f32 v35, v44;
	_ =	sdelay $0x1  }
0x1c3: {  	v49 =	vbroadcast v34, $0x8;
	v48 =	vmul.f32 v47, v8;
	v35 =	vadd.f32 v35, v46;
	_ =	sdelay $0x1  }
0x1c4: {  	v51 =	vbroadcast v34, $0x9;
	v50 =	vmul.f32 v49, v9;
	v35 =	vadd.f32 v35, v48;
	_ =	sdelay $0x1  }
0x1c5: {  	v53 =	vbroadcast v34, $0xA;
	v52 =	vmul.f32 v51, v10;
	v35 =	vadd.f32 v35, v50  }
0x1c6: {  	v38 =	vld [tilespmem:s12+$0x3410]  }
0x1c7: {  	v39 =	vld [tilespmem:s12+$0x1410];
	v55 =	vbroadcast v34, $0xB;
	v54 =	vmul.f32 v53, v11;
	v35 =	vadd.f32 v35, v52;
	_ =	sdelay $0x1  }
0x1c8: {  	v57 =	vbroadcast v34, $0xC;
	v56 =	vmul.f32 v55, v12;
	v35 =	vadd.f32 v35, v54;
	_ =	sdelay $0x1  }
0x1c9: {  	v59 =	vbroadcast v34, $0xD;
	v58 =	vmul.f32 v57, v13;
	v35 =	vadd.f32 v35, v56  }
0x1ca: {  	v38 =	vadd.f32 v38, v39  }
0x1cb: {  	v61 =	vbroadcast v34, $0xE;
	v60 =	vmul.f32 v59, v14;
	v35 =	vadd.f32 v35, v58  }
0x1cc: {  	v39 =	vmul.f32 $9.999999770e-03, v38  }
0x1cd: {  	v34 =	vbroadcast v34, $0xF;
	v62 =	vmul.f32 v61, v15;
	v35 =	vadd.f32 v35, v60  }
0x1ce: {  	v37 =	vmax.f32 v38, v39  }
0x1cf: {  	v34 =	vmul.f32 v34, v16;
	v63 =	vbroadcast v37, $0x0;
	v35 =	vadd.f32 v35, v62;
	_ =	sdelay $0x1  }
0x1d0: {  	v41 =	vbroadcast v37, $0x1;
	v40 =	vmul.f32 v63, v17;
	v34 =	vadd.f32 v35, v34;
	_ =	sdelay $0x1  }
0x1d1: {  	v43 =	vbroadcast v37, $0x2;
	v42 =	vmul.f32 v41, v18;
	v34 =	vadd.f32 v34, v40;
	_ =	sdelay $0x1  }
0x1d2: {  	v45 =	vbroadcast v37, $0x3;
	v44 =	vmul.f32 v43, v19;
	v34 =	vadd.f32 v34, v42;
	_ =	sdelay $0x1  }
0x1d3: {  	v47 =	vbroadcast v37, $0x4;
	v46 =	vmul.f32 v45, v20;
	v34 =	vadd.f32 v34, v44;
	_ =	sdelay $0x1  }
0x1d4: {  	v49 =	vbroadcast v37, $0x5;
	v48 =	vmul.f32 v47, v21;
	v34 =	vadd.f32 v34, v46;
	_ =	sdelay $0x1  }
0x1d5: {  	v51 =	vbroadcast v37, $0x6;
	v50 =	vmul.f32 v49, v22;
	v34 =	vadd.f32 v34, v48;
	_ =	sdelay $0x1  }
0x1d6: {  	v53 =	vbroadcast v37, $0x7;
	v52 =	vmul.f32 v51, v23;
	v34 =	vadd.f32 v34, v50;
	_ =	sdelay $0x1  }
0x1d7: {  	v55 =	vbroadcast v37, $0x8;
	v54 =	vmul.f32 v53, v24;
	v34 =	vadd.f32 v34, v52;
	_ =	sdelay $0x1  }
0x1d8: {  	v57 =	vbroadcast v37, $0x9;
	v56 =	vmul.f32 v55, v25;
	v34 =	vadd.f32 v34, v54;
	_ =	sdelay $0x1  }
0x1d9: {  	v59 =	vbroadcast v37, $0xA;
	v58 =	vmul.f32 v57, v26;
	v34 =	vadd.f32 v34, v56;
	_ =	sdelay $0x1  }
0x1da: {  	v61 =	vbroadcast v37, $0xB;
	v60 =	vmul.f32 v59, v27;
	v34 =	vadd.f32 v34, v58;
	_ =	sdelay $0x1  }
0x1db: {  	v63 =	vbroadcast v37, $0xC;
	v62 =	vmul.f32 v61, v28;
	v34 =	vadd.f32 v34, v60;
	_ =	sdelay $0x1  }
0x1dc: {  	v41 =	vbroadcast v37, $0xD;
	v40 =	vmul.f32 v63, v29;
	v34 =	vadd.f32 v34, v62;
	_ =	sdelay $0x1  }
0x1dd: {  	v43 =	vbroadcast v37, $0xE;
	v42 =	vmul.f32 v41, v30;
	v34 =	vadd.f32 v34, v40;
	_ =	sdelay $0x1  }
0x1de: {  	v45 =	vbroadcast v37, $0xF;
	v44 =	vmul.f32 v43, v31;
	v34 =	vadd.f32 v34, v42;
	_ =	sdelay $0x1  }
0x1df: {  	v46 =	vmul.f32 v45, v32;
	v34 =	vadd.f32 v34, v44;
	_ =	sdelay $0x1  }
0x1e0: {  	v34 =	vadd.f32 v34, v46;
	_ =	sdelay $0x1  }
0x1e1: {  	v35 =	vand.u32 $0x7FFFFFFF, v34  }
0x1e2: {  	v35 =	vmul.f32 $-2.000000000e+00, v35;
	_ =	sdelay $0x1  }
0x1e3: {  	v35 =	vmul.f32 $1.442695020e+00, v35;
	_ =	sdelay $0x1  }
0x1e4: {  	(erf) = vpow2.f32 v35;
	_ =	sdelay $0x8  }
0x1e5: {  	v35 =	vpop (erf)  }
0x1e6: {  	v47 =	vadd.f32 $1.000000000e+00, v35;
	_ =	sdelay $0x1  }
0x1e7: {  	(erf) = vrcp.f32 v47;
	_ =	sdelay $0x7  }
0x1e8: {  	v35 =	vsub.f32 $1.000000000e+00, v35  }
0x1e9: {  	v36 =	vpop (erf)  }
0x1ea: {  	v35 =	vmul.f32 v36, v35;
	_ =	sdelay $0x1  }
0x1eb: {  	v36 =	vsub.f32 $0.0e+00, v35  }
0x1ec: {  	vm0 =	vlt.f32 v34, $0.0e+00  }
0x1ed: {  	s10 =	sadd.s32 $0x10, s29;
	v34 =	vsel vm0, v36, v35  }
0x1ee: {  	[tilespmem:s10+$0x0] =	vst v34  }
0x1ef: {  	[spmem:s3] =	stream.indirect.scatter.add.f32 [tilespmem:s17], [sflag:$0x6], $0x10, s31, s23, $0xb8;
	[tilespmem:$0x1DE10] =	vst v63  }
0x1f0: {  	_ =	swait.ge [sflag:s18], $0x100  }
0x1f1: {  	[sflag:s18] =	ssyncset.done $0x0  }
0x1f2: {  	[sflag:s18] =	ssyncadd.s32 $0xFFFFFF00  }
0x1f3: {  	[tilespmem:s30], [sflag:$0x2] =	stream.indirect.gather [hbm4b:s6+s23], $0x20, s16, s23, $0xb8;
	[tilespmem:$0x1DE10] =	vst v63  }
0x1f4: {  	_ = 	snop  }
0x1f5: {  	[tilespmem:s0], [sflag:$0x4] =	stream.indirect.gather [hbm4b:s7+s23], $0x20, s24, s23, $0xb8;
	[tilespmem:$0x1DE10] =	vst v63  }
0x1f6: {  	_ =	swait.ge [sflag:s1], $0x1000  }
0x1f7: {  	[sflag:s1] =	ssyncset.done $0x0  }
0x1f8: {  	[sflag:s1] =	ssyncadd.s32 $0xFFFFF000  }
0x1f9: {  	_ =	swait.ge [sflag:s2], $0x1000  }
0x1fa: {  	[sflag:s2] =	ssyncset.done $0x0  }
0x1fb: {  	p1 =	seq.s32 s26, $0x61;
	[sflag:s2] =	ssyncadd.s32 $0xFFFFF000  }
0x1fc: {  	s10 =	sadd.s32 @!p1 s28, s14;
	_ =	swait.ge [sflag:s25], $0x800  }
0x1fd: {  	s10 =	sshrl.u32 @!p1 s10, $0x3;
	[sflag:s25] =	ssyncset.done $0x0  }
0x1fe: {  	s12 =	simm.s32 @!p1 $0x0;
	s10 =	sadd.s32 @!p1 s8, s10;
	[sflag:s25] =	ssyncadd.s32 $0xFFFFF800  }
0x1ff: {  	[tilespmem:s12], [sflag:$0x7] =	stream.linear.gather @!p1 [hbm4b:s10+s12], $0x100, $0x38;
	[tilespmem:$0x1DE10] =	vst v63  }
0x200: {  	s12 =	simm.s32 $0x0  }
0x201: {  	v48 =	vld [tilespmem:s12+$0x2400]  }
0x202: {  	v49 =	vld [tilespmem:s12+$0x400];
	_ =	sdelay $0x4  }
0x203: {  	v34 =	vadd.f32 v48, v49;
	_ =	sdelay $0x1  }
0x204: {  	v35 =	vmul.f32 $9.999999770e-03, v34;
	_ =	sdelay $0x1  }
0x205: {  	v34 =	vmax.f32 v34, v35  }
0x206: {  	v35 =	vbroadcast v34, $0x0;
	_ =	sdelay $0x1  }
0x207: {  	v50 =	vbroadcast v34, $0x1;
	v35 =	vmul.f32 v35, v1;
	_ =	sdelay $0x1  }
0x208: {  	v51 =	vbroadcast v34, $0x2;
	v36 =	vmul.f32 v50, v2;
	v35 =	vadd.f32 v35, v33;
	_ =	sdelay $0x1  }
0x209: {  	v53 =	vbroadcast v34, $0x3;
	v52 =	vmul.f32 v51, v3;
	v35 =	vadd.f32 v35, v36;
	_ =	sdelay $0x1  }
0x20a: {  	v55 =	vbroadcast v34, $0x4;
	v54 =	vmul.f32 v53, v4;
	v35 =	vadd.f32 v35, v52;
	_ =	sdelay $0x1  }
0x20b: {  	v57 =	vbroadcast v34, $0x5;
	v56 =	vmul.f32 v55, v5;
	v35 =	vadd.f32 v35, v54;
	_ =	sdelay $0x1  }
0x20c: {  	v59 =	vbroadcast v34, $0x6;
	v58 =	vmul.f32 v57, v6;
	v35 =	vadd.f32 v35, v56;
	_ =	sdelay $0x1  }
0x20d: {  	v61 =	vbroadcast v34, $0x7;
	v60 =	vmul.f32 v59, v7;
	v35 =	vadd.f32 v35, v58;
	_ =	sdelay $0x1  }
0x20e: {  	v63 =	vbroadcast v34, $0x8;
	v62 =	vmul.f32 v61, v8;
	v35 =	vadd.f32 v35, v60;
	_ =	sdelay $0x1  }
0x20f: {  	v41 =	vbroadcast v34, $0x9;
	v40 =	vmul.f32 v63, v9;
	v35 =	vadd.f32 v35, v62;
	_ =	sdelay $0x1  }
0x210: {  	v43 =	vbroadcast v34, $0xA;
	v42 =	vmul.f32 v41, v10;
	v35 =	vadd.f32 v35, v40  }
0x211: {  	v44 =	vld [tilespmem:s12+$0x2410]  }
0x212: {  	v45 =	vld [tilespmem:s12+$0x410];
	v47 =	vbroadcast v34, $0xB;
	v46 =	vmul.f32 v43, v11;
	v35 =	vadd.f32 v35, v42;
	_ =	sdelay $0x1  }
0x213: {  	v49 =	vbroadcast v34, $0xC;
	v48 =	vmul.f32 v47, v12;
	v35 =	vadd.f32 v35, v46;
	_ =	sdelay $0x1  }
0x214: {  	v50 =	vmul.f32 v49, v13;
	v51 =	vbroadcast v34, $0xD;
	v35 =	vadd.f32 v35, v48  }
0x215: {  	v38 =	vadd.f32 v44, v45  }
0x216: {  	v53 =	vbroadcast v34, $0xE;
	v52 =	vmul.f32 v51, v14;
	v35 =	vadd.f32 v35, v50  }
0x217: {  	v39 =	vmul.f32 $9.999999770e-03, v38  }
0x218: {  	v34 =	vbroadcast v34, $0xF;
	v54 =	vmul.f32 v53, v15;
	v35 =	vadd.f32 v35, v52  }
0x219: {  	v37 =	vmax.f32 v38, v39  }
0x21a: {  	v55 =	vbroadcast v37, $0x0;
	v34 =	vmul.f32 v34, v16;
	v35 =	vadd.f32 v35, v54;
	_ =	sdelay $0x1  }
0x21b: {  	v57 =	vbroadcast v37, $0x1;
	v56 =	vmul.f32 v55, v17;
	v34 =	vadd.f32 v35, v34;
	_ =	sdelay $0x1  }
0x21c: {  	v59 =	vbroadcast v37, $0x2;
	v58 =	vmul.f32 v57, v18;
	v34 =	vadd.f32 v34, v56;
	_ =	sdelay $0x1  }
0x21d: {  	v61 =	vbroadcast v37, $0x3;
	v60 =	vmul.f32 v59, v19;
	v34 =	vadd.f32 v34, v58;
	_ =	sdelay $0x1  }
0x21e: {  	v63 =	vbroadcast v37, $0x4;
	v62 =	vmul.f32 v61, v20;
	v34 =	vadd.f32 v34, v60;
	_ =	sdelay $0x1  }
0x21f: {  	v41 =	vbroadcast v37, $0x5;
	v40 =	vmul.f32 v63, v21;
	v34 =	vadd.f32 v34, v62;
	_ =	sdelay $0x1  }
0x220: {  	v43 =	vbroadcast v37, $0x6;
	v42 =	vmul.f32 v41, v22;
	v34 =	vadd.f32 v34, v40;
	_ =	sdelay $0x1  }
0x221: {  	v45 =	vbroadcast v37, $0x7;
	v44 =	vmul.f32 v43, v23;
	v34 =	vadd.f32 v34, v42;
	_ =	sdelay $0x1  }
0x222: {  	v47 =	vbroadcast v37, $0x8;
	v46 =	vmul.f32 v45, v24;
	v34 =	vadd.f32 v34, v44;
	_ =	sdelay $0x1  }
0x223: {  	v49 =	vbroadcast v37, $0x9;
	v48 =	vmul.f32 v47, v25;
	v34 =	vadd.f32 v34, v46;
	_ =	sdelay $0x1  }
0x224: {  	v51 =	vbroadcast v37, $0xA;
	v50 =	vmul.f32 v49, v26;
	v34 =	vadd.f32 v34, v48;
	_ =	sdelay $0x1  }
0x225: {  	v53 =	vbroadcast v37, $0xB;
	v52 =	vmul.f32 v51, v27;
	v34 =	vadd.f32 v34, v50;
	_ =	sdelay $0x1  }
0x226: {  	v55 =	vbroadcast v37, $0xC;
	v54 =	vmul.f32 v53, v28;
	v34 =	vadd.f32 v34, v52;
	_ =	sdelay $0x1  }
0x227: {  	v57 =	vbroadcast v37, $0xD;
	v56 =	vmul.f32 v55, v29;
	v34 =	vadd.f32 v34, v54;
	_ =	sdelay $0x1  }
0x228: {  	v59 =	vbroadcast v37, $0xE;
	v58 =	vmul.f32 v57, v30;
	v34 =	vadd.f32 v34, v56;
	_ =	sdelay $0x1  }
0x229: {  	v61 =	vbroadcast v37, $0xF;
	v60 =	vmul.f32 v59, v31;
	v34 =	vadd.f32 v34, v58;
	_ =	sdelay $0x1  }
0x22a: {  	v62 =	vmul.f32 v61, v32;
	v34 =	vadd.f32 v34, v60;
	_ =	sdelay $0x1  }
0x22b: {  	v34 =	vadd.f32 v34, v62;
	_ =	sdelay $0x1  }
0x22c: {  	v35 =	vand.u32 $0x7FFFFFFF, v34  }
0x22d: {  	v35 =	vmul.f32 $-2.000000000e+00, v35;
	_ =	sdelay $0x1  }
0x22e: {  	v35 =	vmul.f32 $1.442695020e+00, v35;
	_ =	sdelay $0x1  }
0x22f: {  	(erf) = vpow2.f32 v35;
	_ =	sdelay $0x8  }
0x230: {  	v35 =	vpop (erf)  }
0x231: {  	v63 =	vadd.f32 $1.000000000e+00, v35;
	_ =	sdelay $0x1  }
0x232: {  	(erf) = vrcp.f32 v63;
	_ =	sdelay $0x7  }
0x233: {  	v35 =	vsub.f32 $1.000000000e+00, v35  }
0x234: {  	v36 =	vpop (erf)  }
0x235: {  	v35 =	vmul.f32 v36, v35;
	_ =	sdelay $0x1  }
0x236: {  	v36 =	vsub.f32 $0.0e+00, v35  }
0x237: {  	vm15 =	vlt.f32 v34, $0.0e+00  }
0x238: {  	s29 =	simm.s32 $0x4400;
	v34 =	vsel vm15, v36, v35  }
0x239: {  	s12 =	simm.s32 $0x20;
	[tilespmem:s29+$0x0] =	vst v34  }
0x23a: {  	s10 =	simm.s32 $0x100;
	v34 =	vld [tilespmem:s12+$0x2400]  }
.LBB2_11:
0x23b: {  	p2 =	sne.s32 s10, $0x3F80;
	v35 =	vld [tilespmem:s12+$0x400];
	_ =	sdelay $0x4  }
0x23c: {  	v34 =	vadd.f32 v34, v35;
	_ =	sdelay $0x1  }
0x23d: {  	v35 =	vmul.f32 $9.999999770e-03, v34;
	_ =	sdelay $0x1  }
0x23e: {  	v34 =	vmax.f32 v34, v35  }
0x23f: {  	v35 =	vbroadcast v34, $0x0;
	_ =	sdelay $0x1  }
0x240: {  	v36 =	vbroadcast v34, $0x1;
	v35 =	vmul.f32 v35, v1;
	_ =	sdelay $0x1  }
0x241: {  	v37 =	vbroadcast v34, $0x2;
	v36 =	vmul.f32 v36, v2;
	v35 =	vadd.f32 v35, v33;
	_ =	sdelay $0x1  }
0x242: {  	v35 =	vadd.f32 v35, v36;
	v36 =	vmul.f32 v37, v3;
	v37 =	vbroadcast v34, $0x3;
	_ =	sdelay $0x1  }
0x243: {  	v35 =	vadd.f32 v35, v36;
	v36 =	vmul.f32 v37, v4;
	v37 =	vbroadcast v34, $0x4;
	_ =	sdelay $0x1  }
0x244: {  	v35 =	vadd.f32 v35, v36;
	v36 =	vmul.f32 v37, v5;
	v37 =	vbroadcast v34, $0x5;
	_ =	sdelay $0x1  }
0x245: {  	v35 =	vadd.f32 v35, v36;
	v36 =	vmul.f32 v37, v6;
	v37 =	vbroadcast v34, $0x6;
	_ =	sdelay $0x1  }
0x246: {  	v35 =	vadd.f32 v35, v36;
	v36 =	vmul.f32 v37, v7;
	v37 =	vbroadcast v34, $0x7;
	_ =	sdelay $0x1  }
0x247: {  	v35 =	vadd.f32 v35, v36;
	v36 =	vmul.f32 v37, v8;
	v37 =	vbroadcast v34, $0x8;
	_ =	sdelay $0x1  }
0x248: {  	v35 =	vadd.f32 v35, v36;
	v36 =	vmul.f32 v37, v9;
	v37 =	vbroadcast v34, $0x9;
	_ =	sdelay $0x1  }
0x249: {  	v35 =	vadd.f32 v35, v36;
	v36 =	vmul.f32 v37, v10;
	v37 =	vbroadcast v34, $0xA  }
0x24a: {  	v38 =	vld [tilespmem:s12+$0x2410]  }
0x24b: {  	v39 =	vld [tilespmem:s12+$0x410];
	v35 =	vadd.f32 v35, v36;
	v36 =	vmul.f32 v37, v11;
	v37 =	vbroadcast v34, $0xB;
	_ =	sdelay $0x1  }
0x24c: {  	v35 =	vadd.f32 v35, v36;
	v36 =	vmul.f32 v37, v12;
	v37 =	vbroadcast v34, $0xC;
	_ =	sdelay $0x1  }
0x24d: {  	v35 =	vadd.f32 v35, v36;
	v36 =	vmul.f32 v37, v13;
	v37 =	vbroadcast v34, $0xD  }
0x24e: {  	v38 =	vadd.f32 v38, v39  }
0x24f: {  	v35 =	vadd.f32 v35, v36;
	v36 =	vmul.f32 v37, v14;
	v37 =	vbroadcast v34, $0xE  }
0x250: {  	v39 =	vmul.f32 $9.999999770e-03, v38  }
0x251: {  	v34 =	vbroadcast v34, $0xF;
	v35 =	vadd.f32 v35, v36;
	v36 =	vmul.f32 v37, v15  }
0x252: {  	v37 =	vmax.f32 v38, v39  }
0x253: {  	v34 =	vmul.f32 v34, v16;
	v35 =	vadd.f32 v35, v36;
	v36 =	vbroadcast v37, $0x0;
	_ =	sdelay $0x1  }
0x254: {  	v34 =	vadd.f32 v35, v34;
	v35 =	vmul.f32 v36, v17;
	v36 =	vbroadcast v37, $0x1;
	_ =	sdelay $0x1  }
0x255: {  	v34 =	vadd.f32 v34, v35;
	v35 =	vmul.f32 v36, v18;
	v36 =	vbroadcast v37, $0x2;
	_ =	sdelay $0x1  }
0x256: {  	v34 =	vadd.f32 v34, v35;
	v35 =	vmul.f32 v36, v19;
	v36 =	vbroadcast v37, $0x3;
	_ =	sdelay $0x1  }
0x257: {  	v34 =	vadd.f32 v34, v35;
	v35 =	vmul.f32 v36, v20;
	v36 =	vbroadcast v37, $0x4;
	_ =	sdelay $0x1  }
0x258: {  	v34 =	vadd.f32 v34, v35;
	v35 =	vmul.f32 v36, v21;
	v36 =	vbroadcast v37, $0x5;
	_ =	sdelay $0x1  }
0x259: {  	v34 =	vadd.f32 v34, v35;
	v35 =	vmul.f32 v36, v22;
	v36 =	vbroadcast v37, $0x6;
	_ =	sdelay $0x1  }
0x25a: {  	v34 =	vadd.f32 v34, v35;
	v35 =	vmul.f32 v36, v23;
	v36 =	vbroadcast v37, $0x7;
	_ =	sdelay $0x1  }
0x25b: {  	v34 =	vadd.f32 v34, v35;
	v35 =	vmul.f32 v36, v24;
	v36 =	vbroadcast v37, $0x8;
	_ =	sdelay $0x1  }
0x25c: {  	v34 =	vadd.f32 v34, v35;
	v35 =	vmul.f32 v36, v25;
	v36 =	vbroadcast v37, $0x9;
	_ =	sdelay $0x1  }
0x25d: {  	v34 =	vadd.f32 v34, v35;
	v35 =	vmul.f32 v36, v26;
	v36 =	vbroadcast v37, $0xA;
	_ =	sdelay $0x1  }
0x25e: {  	v34 =	vadd.f32 v34, v35;
	v35 =	vmul.f32 v36, v27;
	v36 =	vbroadcast v37, $0xB;
	_ =	sdelay $0x1  }
0x25f: {  	v34 =	vadd.f32 v34, v35;
	v35 =	vmul.f32 v36, v28;
	v36 =	vbroadcast v37, $0xC;
	_ =	sdelay $0x1  }
0x260: {  	v34 =	vadd.f32 v34, v35;
	v35 =	vmul.f32 v36, v29;
	v36 =	vbroadcast v37, $0xD;
	_ =	sdelay $0x1  }
0x261: {  	v34 =	vadd.f32 v34, v35;
	v35 =	vmul.f32 v36, v30;
	v36 =	vbroadcast v37, $0xE;
	_ =	sdelay $0x1  }
0x262: {  	v34 =	vadd.f32 v34, v35;
	v35 =	vmul.f32 v36, v31;
	v36 =	vbroadcast v37, $0xF;
	_ =	sdelay $0x1  }
0x263: {  	v34 =	vadd.f32 v34, v35;
	v35 =	vmul.f32 v36, v32;
	_ =	sdelay $0x1  }
0x264: {  	v34 =	vadd.f32 v34, v35;
	_ =	sdelay $0x1  }
0x265: {  	v35 =	vand.u32 $0x7FFFFFFF, v34  }
0x266: {  	v35 =	vmul.f32 $-2.000000000e+00, v35;
	_ =	sdelay $0x1  }
0x267: {  	v35 =	vmul.f32 $1.442695020e+00, v35;
	_ =	sdelay $0x1  }
0x268: {  	(erf) = vpow2.f32 v35;
	_ =	sdelay $0x8  }
0x269: {  	v35 =	vpop (erf)  }
0x26a: {  	v36 =	vadd.f32 $1.000000000e+00, v35;
	_ =	sdelay $0x1  }
0x26b: {  	(erf) = vrcp.f32 v36;
	_ =	sdelay $0x7  }
0x26c: {  	v35 =	vsub.f32 $1.000000000e+00, v35  }
0x26d: {  	v36 =	vpop (erf)  }
0x26e: {  	v35 =	vmul.f32 v36, v35;
	_ =	sdelay $0x1  }
.Ltmp6:
0x26f: {  	v36 =	vsub.f32 $0.0e+00, v35;
	(pc) =	sbr.rel @p2 .LBB2_11-.Ltmp6, $4  }
0x270: {  	vm0 =	vlt.f32 v34, $0.0e+00  }
0x271: {  	s29 =	sadd.s32 $0x10, s29;
	v34 =	vsel vm0, v36, v35  }
0x272: {  	s12 =	sshra.s32 s10, $0x2;
	[tilespmem:s29+$0x0] =	vst v34  }
0x273: {  	s10 =	sadd.s32 $0x80, s10;
	v34 =	vld [tilespmem:s12+$0x2400]  }
0x274: {  	v35 =	vld [tilespmem:s12+$0x400];
	_ =	sdelay $0x4  }
0x275: {  	v34 =	vadd.f32 v34, v35;
	_ =	sdelay $0x1  }
0x276: {  	v35 =	vmul.f32 $9.999999770e-03, v34;
	_ =	sdelay $0x1  }
0x277: {  	v34 =	vmax.f32 v34, v35  }
0x278: {  	v35 =	vbroadcast v34, $0x0;
	_ =	sdelay $0x1  }
0x279: {  	v36 =	vbroadcast v34, $0x1;
	v35 =	vmul.f32 v35, v1;
	_ =	sdelay $0x1  }
0x27a: {  	v37 =	vbroadcast v34, $0x2;
	v36 =	vmul.f32 v36, v2;
	v35 =	vadd.f32 v35, v33;
	_ =	sdelay $0x1  }
0x27b: {  	v63 =	vbroadcast v34, $0x3;
	v62 =	vmul.f32 v37, v3;
	v35 =	vadd.f32 v35, v36;
	_ =	sdelay $0x1  }
0x27c: {  	v41 =	vbroadcast v34, $0x4;
	v40 =	vmul.f32 v63, v4;
	v35 =	vadd.f32 v35, v62;
	_ =	sdelay $0x1  }
0x27d: {  	v43 =	vbroadcast v34, $0x5;
	v42 =	vmul.f32 v41, v5;
	v35 =	vadd.f32 v35, v40;
	_ =	sdelay $0x1  }
0x27e: {  	v45 =	vbroadcast v34, $0x6;
	v44 =	vmul.f32 v43, v6;
	v35 =	vadd.f32 v35, v42;
	_ =	sdelay $0x1  }
0x27f: {  	v47 =	vbroadcast v34, $0x7;
	v46 =	vmul.f32 v45, v7;
	v35 =	vadd.f32 v35, v44;
	_ =	sdelay $0x1  }
0x280: {  	v49 =	vbroadcast v34, $0x8;
	v48 =	vmul.f32 v47, v8;
	v35 =	vadd.f32 v35, v46;
	_ =	sdelay $0x1  }
0x281: {  	v51 =	vbroadcast v34, $0x9;
	v50 =	vmul.f32 v49, v9;
	v35 =	vadd.f32 v35, v48;
	_ =	sdelay $0x1  }
0x282: {  	v53 =	vbroadcast v34, $0xA;
	v52 =	vmul.f32 v51, v10;
	v35 =	vadd.f32 v35, v50  }
0x283: {  	v38 =	vld [tilespmem:s12+$0x2410]  }
0x284: {  	v39 =	vld [tilespmem:s12+$0x410];
	v55 =	vbroadcast v34, $0xB;
	v54 =	vmul.f32 v53, v11;
	v35 =	vadd.f32 v35, v52;
	_ =	sdelay $0x1  }
0x285: {  	v57 =	vbroadcast v34, $0xC;
	v56 =	vmul.f32 v55, v12;
	v35 =	vadd.f32 v35, v54;
	_ =	sdelay $0x1  }
0x286: {  	v59 =	vbroadcast v34, $0xD;
	v58 =	vmul.f32 v57, v13;
	v35 =	vadd.f32 v35, v56  }
0x287: {  	v38 =	vadd.f32 v38, v39  }
0x288: {  	v61 =	vbroadcast v34, $0xE;
	v60 =	vmul.f32 v59, v14;
	v35 =	vadd.f32 v35, v58  }
0x289: {  	v39 =	vmul.f32 $9.999999770e-03, v38  }
0x28a: {  	v34 =	vbroadcast v34, $0xF;
	v62 =	vmul.f32 v61, v15;
	v35 =	vadd.f32 v35, v60  }
0x28b: {  	v37 =	vmax.f32 v38, v39  }
0x28c: {  	v34 =	vmul.f32 v34, v16;
	v63 =	vbroadcast v37, $0x0;
	v35 =	vadd.f32 v35, v62;
	_ =	sdelay $0x1  }
0x28d: {  	v41 =	vbroadcast v37, $0x1;
	v40 =	vmul.f32 v63, v17;
	v34 =	vadd.f32 v35, v34;
	_ =	sdelay $0x1  }
0x28e: {  	v43 =	vbroadcast v37, $0x2;
	v42 =	vmul.f32 v41, v18;
	v34 =	vadd.f32 v34, v40;
	_ =	sdelay $0x1  }
0x28f: {  	v45 =	vbroadcast v37, $0x3;
	v44 =	vmul.f32 v43, v19;
	v34 =	vadd.f32 v34, v42;
	_ =	sdelay $0x1  }
0x290: {  	v47 =	vbroadcast v37, $0x4;
	v46 =	vmul.f32 v45, v20;
	v34 =	vadd.f32 v34, v44;
	_ =	sdelay $0x1  }
0x291: {  	v49 =	vbroadcast v37, $0x5;
	v48 =	vmul.f32 v47, v21;
	v34 =	vadd.f32 v34, v46;
	_ =	sdelay $0x1  }
0x292: {  	v51 =	vbroadcast v37, $0x6;
	v50 =	vmul.f32 v49, v22;
	v34 =	vadd.f32 v34, v48;
	_ =	sdelay $0x1  }
0x293: {  	v53 =	vbroadcast v37, $0x7;
	v52 =	vmul.f32 v51, v23;
	v34 =	vadd.f32 v34, v50;
	_ =	sdelay $0x1  }
0x294: {  	v55 =	vbroadcast v37, $0x8;
	v54 =	vmul.f32 v53, v24;
	v34 =	vadd.f32 v34, v52;
	_ =	sdelay $0x1  }
0x295: {  	v57 =	vbroadcast v37, $0x9;
	v56 =	vmul.f32 v55, v25;
	v34 =	vadd.f32 v34, v54;
	_ =	sdelay $0x1  }
0x296: {  	v59 =	vbroadcast v37, $0xA;
	v58 =	vmul.f32 v57, v26;
	v34 =	vadd.f32 v34, v56;
	_ =	sdelay $0x1  }
0x297: {  	v61 =	vbroadcast v37, $0xB;
	v60 =	vmul.f32 v59, v27;
	v34 =	vadd.f32 v34, v58;
	_ =	sdelay $0x1  }
0x298: {  	v63 =	vbroadcast v37, $0xC;
	v62 =	vmul.f32 v61, v28;
	v34 =	vadd.f32 v34, v60;
	_ =	sdelay $0x1  }
0x299: {  	v41 =	vbroadcast v37, $0xD;
	v40 =	vmul.f32 v63, v29;
	v34 =	vadd.f32 v34, v62;
	_ =	sdelay $0x1  }
0x29a: {  	v43 =	vbroadcast v37, $0xE;
	v42 =	vmul.f32 v41, v30;
	v34 =	vadd.f32 v34, v40;
	_ =	sdelay $0x1  }
0x29b: {  	v45 =	vbroadcast v37, $0xF;
	v44 =	vmul.f32 v43, v31;
	v34 =	vadd.f32 v34, v42;
	_ =	sdelay $0x1  }
0x29c: {  	v46 =	vmul.f32 v45, v32;
	v34 =	vadd.f32 v34, v44;
	_ =	sdelay $0x1  }
0x29d: {  	v34 =	vadd.f32 v34, v46;
	_ =	sdelay $0x1  }
0x29e: {  	v35 =	vand.u32 $0x7FFFFFFF, v34  }
0x29f: {  	v35 =	vmul.f32 $-2.000000000e+00, v35;
	_ =	sdelay $0x1  }
0x2a0: {  	v35 =	vmul.f32 $1.442695020e+00, v35;
	_ =	sdelay $0x1  }
0x2a1: {  	(erf) = vpow2.f32 v35;
	_ =	sdelay $0x8  }
0x2a2: {  	v35 =	vpop (erf)  }
0x2a3: {  	v47 =	vadd.f32 $1.000000000e+00, v35;
	_ =	sdelay $0x1  }
0x2a4: {  	(erf) = vrcp.f32 v47;
	_ =	sdelay $0x7  }
0x2a5: {  	v35 =	vsub.f32 $1.000000000e+00, v35  }
0x2a6: {  	v36 =	vpop (erf)  }
0x2a7: {  	v35 =	vmul.f32 v36, v35;
	_ =	sdelay $0x1  }
0x2a8: {  	v36 =	vsub.f32 $0.0e+00, v35  }
0x2a9: {  	vm0 =	vlt.f32 v34, $0.0e+00  }
0x2aa: {  	s10 =	sadd.s32 $0x10, s29;
	v34 =	vsel vm0, v36, v35  }
0x2ab: {  	[tilespmem:s10+$0x0] =	vst v34;
	s10 =	simm.s32 @p1 $0x2  }
0x2ac: {  	[spmem:s3] =	stream.indirect.scatter.add.f32 [tilespmem:s22], [sflag:$0x5], $0x10, s5, s23, $0xb8;
	[tilespmem:$0x1DE10] =	vst v63  }
0x2ad: {  	_ =	swait.ge @p1 [sflag:s10], $0x1000  }
0x2ae: {  	[sflag:s10] =	ssyncset.done @p1 $0x0  }
0x2af: {  	[sflag:s10] =	ssyncadd.s32 @p1 $0xFFFFF000;
	s10 =	simm.s32 @p1 $0x4  }
0x2b0: {  	_ =	swait.ge @p1 [sflag:s10], $0x1000  }
0x2b1: {  	[sflag:s10] =	ssyncset.done @p1 $0x0  }
0x2b2: {  	[sflag:s10] =	ssyncadd.s32 @p1 $0xFFFFF000;
	s10 =	simm.s32 @p1 $0x6  }
0x2b3: {  	_ =	swait.ge @p1 [sflag:s10], $0x800  }
0x2b4: {  	[sflag:s10] =	ssyncset.done @p1 $0x0  }
0x2b5: {  	[sflag:s10] =	ssyncadd.s32 @p1 $0xFFFFF800;
	s10 =	simm.s32 @!p1 $0x7  }
0x2b6: {  	_ =	swait.ge @!p1 [sflag:s10], $0x100  }
0x2b7: {  	s12 =	simm.s32 @!p1 $0x0;
	[sflag:s10] =	ssyncset.done @!p1 $0x0  }
0x2b8: {  	s29 =	simm.s32 @!p1 $0x400;
	[sflag:s10] =	ssyncadd.s32 @!p1 $0xFFFFFF00;
	s10 =	simm.s32 @!p1 $0x80  }
0x2b9: {  	[tilespmem:s29], [sflag:$0x1] =	stream.indirect.gather @!p1 [hbm4b:s6+s10], $0x20, s12, s10, $0xb8;
	[tilespmem:$0x1DE10] =	vst v63  }
0x2ba: {  	s29 =	simm.s32 @!p1 $0x2400  }
0x2bb: {  	[tilespmem:s29], [sflag:$0x3] =	stream.indirect.gather @!p1 [hbm4b:s7+s10], $0x20, s10, s10, $0xb8;
	[tilespmem:$0x1DE10] =	vst v63  }
0x2bc: {  	s10 =	simm.s32 @!p1 $0x2  }
0x2bd: {  	_ =	swait.ge @!p1 [sflag:s10], $0x1000  }
0x2be: {  	[sflag:s10] =	ssyncset.done @!p1 $0x0  }
0x2bf: {  	[sflag:s10] =	ssyncadd.s32 @!p1 $0xFFFFF000;
	s10 =	simm.s32 @!p1 $0x4  }
0x2c0: {  	_ =	swait.ge @!p1 [sflag:s10], $0x1000  }
0x2c1: {  	[sflag:s10] =	ssyncset.done @!p1 $0x0  }
0x2c2: {  	[sflag:s10] =	ssyncadd.s32 @!p1 $0xFFFFF000;
	s10 =	simm.s32 @!p1 $0x6  }
0x2c3: {  	s28 =	sadd.s32 @!p1 s28, s15;
	_ =	swait.ge @!p1 [sflag:s10], $0x800  }
0x2c4: {  	s28 =	sshrl.u32 @!p1 s28, $0x3;
	s29 =	simm.s32 $0x0;
	[sflag:s10] =	ssyncset.done @!p1 $0x0  }
0x2c5: {  	[sflag:s10] =	ssyncadd.s32 @!p1 $0xFFFFF800;
	s10 =	sadd.s32 @!p1 s8, s28;
	s28 =	simm.s32 @!p1 $0x100  }
0x2c6: {  	[tilespmem:s28], [sflag:$0x8] =	stream.linear.gather @!p1 [hbm4b:s10+s12], $0x100, $0x38;
	[tilespmem:$0x1DE10] =	vst v63  }
0x2c7: {  	v48 =	vld [tilespmem:s29+$0x3400]  }
0x2c8: {  	v49 =	vld [tilespmem:s29+$0x1400];
	_ =	sdelay $0x4  }
0x2c9: {  	v34 =	vadd.f32 v48, v49;
	_ =	sdelay $0x1  }
0x2ca: {  	v35 =	vmul.f32 $9.999999770e-03, v34;
	_ =	sdelay $0x1  }
0x2cb: {  	v34 =	vmax.f32 v34, v35  }
0x2cc: {  	v35 =	vbroadcast v34, $0x0;
	_ =	sdelay $0x1  }
0x2cd: {  	v50 =	vbroadcast v34, $0x1;
	v35 =	vmul.f32 v35, v1;
	_ =	sdelay $0x1  }
0x2ce: {  	v51 =	vbroadcast v34, $0x2;
	v36 =	vmul.f32 v50, v2;
	v35 =	vadd.f32 v35, v33;
	_ =	sdelay $0x1  }
0x2cf: {  	v53 =	vbroadcast v34, $0x3;
	v52 =	vmul.f32 v51, v3;
	v35 =	vadd.f32 v35, v36;
	_ =	sdelay $0x1  }
0x2d0: {  	v55 =	vbroadcast v34, $0x4;
	v54 =	vmul.f32 v53, v4;
	v35 =	vadd.f32 v35, v52;
	_ =	sdelay $0x1  }
0x2d1: {  	v57 =	vbroadcast v34, $0x5;
	v56 =	vmul.f32 v55, v5;
	v35 =	vadd.f32 v35, v54;
	_ =	sdelay $0x1  }
0x2d2: {  	v59 =	vbroadcast v34, $0x6;
	v58 =	vmul.f32 v57, v6;
	v35 =	vadd.f32 v35, v56;
	_ =	sdelay $0x1  }
0x2d3: {  	v61 =	vbroadcast v34, $0x7;
	v60 =	vmul.f32 v59, v7;
	v35 =	vadd.f32 v35, v58;
	_ =	sdelay $0x1  }
0x2d4: {  	v63 =	vbroadcast v34, $0x8;
	v62 =	vmul.f32 v61, v8;
	v35 =	vadd.f32 v35, v60;
	_ =	sdelay $0x1  }
0x2d5: {  	v41 =	vbroadcast v34, $0x9;
	v40 =	vmul.f32 v63, v9;
	v35 =	vadd.f32 v35, v62;
	_ =	sdelay $0x1  }
0x2d6: {  	v43 =	vbroadcast v34, $0xA;
	v42 =	vmul.f32 v41, v10;
	v35 =	vadd.f32 v35, v40  }
0x2d7: {  	v44 =	vld [tilespmem:s29+$0x3410]  }
0x2d8: {  	v45 =	vld [tilespmem:s29+$0x1410];
	v47 =	vbroadcast v34, $0xB;
	v46 =	vmul.f32 v43, v11;
	v35 =	vadd.f32 v35, v42;
	_ =	sdelay $0x1  }
0x2d9: {  	v49 =	vbroadcast v34, $0xC;
	v48 =	vmul.f32 v47, v12;
	v35 =	vadd.f32 v35, v46;
	_ =	sdelay $0x1  }
0x2da: {  	v50 =	vmul.f32 v49, v13;
	v51 =	vbroadcast v34, $0xD;
	v35 =	vadd.f32 v35, v48  }
0x2db: {  	v38 =	vadd.f32 v44, v45  }
0x2dc: {  	v53 =	vbroadcast v34, $0xE;
	v52 =	vmul.f32 v51, v14;
	v35 =	vadd.f32 v35, v50  }
0x2dd: {  	v39 =	vmul.f32 $9.999999770e-03, v38  }
0x2de: {  	v34 =	vbroadcast v34, $0xF;
	v54 =	vmul.f32 v53, v15;
	v35 =	vadd.f32 v35, v52  }
0x2df: {  	v37 =	vmax.f32 v38, v39  }
0x2e0: {  	v55 =	vbroadcast v37, $0x0;
	v34 =	vmul.f32 v34, v16;
	v35 =	vadd.f32 v35, v54;
	_ =	sdelay $0x1  }
0x2e1: {  	v57 =	vbroadcast v37, $0x1;
	v56 =	vmul.f32 v55, v17;
	v34 =	vadd.f32 v35, v34;
	_ =	sdelay $0x1  }
0x2e2: {  	v59 =	vbroadcast v37, $0x2;
	v58 =	vmul.f32 v57, v18;
	v34 =	vadd.f32 v34, v56;
	_ =	sdelay $0x1  }
0x2e3: {  	v61 =	vbroadcast v37, $0x3;
	v60 =	vmul.f32 v59, v19;
	v34 =	vadd.f32 v34, v58;
	_ =	sdelay $0x1  }
0x2e4: {  	v63 =	vbroadcast v37, $0x4;
	v62 =	vmul.f32 v61, v20;
	v34 =	vadd.f32 v34, v60;
	_ =	sdelay $0x1  }
0x2e5: {  	v41 =	vbroadcast v37, $0x5;
	v40 =	vmul.f32 v63, v21;
	v34 =	vadd.f32 v34, v62;
	_ =	sdelay $0x1  }
0x2e6: {  	v43 =	vbroadcast v37, $0x6;
	v42 =	vmul.f32 v41, v22;
	v34 =	vadd.f32 v34, v40;
	_ =	sdelay $0x1  }
0x2e7: {  	v45 =	vbroadcast v37, $0x7;
	v44 =	vmul.f32 v43, v23;
	v34 =	vadd.f32 v34, v42;
	_ =	sdelay $0x1  }
0x2e8: {  	v47 =	vbroadcast v37, $0x8;
	v46 =	vmul.f32 v45, v24;
	v34 =	vadd.f32 v34, v44;
	_ =	sdelay $0x1  }
0x2e9: {  	v49 =	vbroadcast v37, $0x9;
	v48 =	vmul.f32 v47, v25;
	v34 =	vadd.f32 v34, v46;
	_ =	sdelay $0x1  }
0x2ea: {  	v51 =	vbroadcast v37, $0xA;
	v50 =	vmul.f32 v49, v26;
	v34 =	vadd.f32 v34, v48;
	_ =	sdelay $0x1  }
0x2eb: {  	v53 =	vbroadcast v37, $0xB;
	v52 =	vmul.f32 v51, v27;
	v34 =	vadd.f32 v34, v50;
	_ =	sdelay $0x1  }
0x2ec: {  	v55 =	vbroadcast v37, $0xC;
	v54 =	vmul.f32 v53, v28;
	v34 =	vadd.f32 v34, v52;
	_ =	sdelay $0x1  }
0x2ed: {  	v57 =	vbroadcast v37, $0xD;
	v56 =	vmul.f32 v55, v29;
	v34 =	vadd.f32 v34, v54;
	_ =	sdelay $0x1  }
0x2ee: {  	v59 =	vbroadcast v37, $0xE;
	v58 =	vmul.f32 v57, v30;
	v34 =	vadd.f32 v34, v56;
	_ =	sdelay $0x1  }
0x2ef: {  	v61 =	vbroadcast v37, $0xF;
	v60 =	vmul.f32 v59, v31;
	v34 =	vadd.f32 v34, v58;
	_ =	sdelay $0x1  }
0x2f0: {  	v62 =	vmul.f32 v61, v32;
	v34 =	vadd.f32 v34, v60;
	_ =	sdelay $0x1  }
0x2f1: {  	v34 =	vadd.f32 v34, v62;
	_ =	sdelay $0x1  }
0x2f2: {  	v35 =	vand.u32 $0x7FFFFFFF, v34  }
0x2f3: {  	v35 =	vmul.f32 $-2.000000000e+00, v35;
	_ =	sdelay $0x1  }
0x2f4: {  	v35 =	vmul.f32 $1.442695020e+00, v35;
	_ =	sdelay $0x1  }
0x2f5: {  	(erf) = vpow2.f32 v35;
	_ =	sdelay $0x8  }
0x2f6: {  	v35 =	vpop (erf)  }
0x2f7: {  	v63 =	vadd.f32 $1.000000000e+00, v35;
	_ =	sdelay $0x1  }
0x2f8: {  	(erf) = vrcp.f32 v63;
	_ =	sdelay $0x7  }
0x2f9: {  	v35 =	vsub.f32 $1.000000000e+00, v35  }
0x2fa: {  	v36 =	vpop (erf)  }
0x2fb: {  	v35 =	vmul.f32 v36, v35;
	_ =	sdelay $0x1  }
0x2fc: {  	v36 =	vsub.f32 $0.0e+00, v35  }
0x2fd: {  	vm15 =	vlt.f32 v34, $0.0e+00  }
0x2fe: {  	s28 =	simm.s32 $0x4C00;
	v34 =	vsel vm15, v36, v35  }
0x2ff: {  	s12 =	simm.s32 $0x20;
	[tilespmem:s28+$0x0] =	vst v34  }
0x300: {  	s10 =	simm.s32 $0x100;
	v34 =	vld [tilespmem:s12+$0x3400]  }
.LBB2_13:
0x301: {  	p2 =	sne.s32 s10, $0x3F80;
	v35 =	vld [tilespmem:s12+$0x1400];
	_ =	sdelay $0x4  }
0x302: {  	v34 =	vadd.f32 v34, v35;
	_ =	sdelay $0x1  }
0x303: {  	v35 =	vmul.f32 $9.999999770e-03, v34;
	_ =	sdelay $0x1  }
0x304: {  	v34 =	vmax.f32 v34, v35  }
0x305: {  	v35 =	vbroadcast v34, $0x0;
	_ =	sdelay $0x1  }
0x306: {  	v36 =	vbroadcast v34, $0x1;
	v35 =	vmul.f32 v35, v1;
	_ =	sdelay $0x1  }
0x307: {  	v37 =	vbroadcast v34, $0x2;
	v36 =	vmul.f32 v36, v2;
	v35 =	vadd.f32 v35, v33;
	_ =	sdelay $0x1  }
0x308: {  	v35 =	vadd.f32 v35, v36;
	v36 =	vmul.f32 v37, v3;
	v37 =	vbroadcast v34, $0x3;
	_ =	sdelay $0x1  }
0x309: {  	v35 =	vadd.f32 v35, v36;
	v36 =	vmul.f32 v37, v4;
	v37 =	vbroadcast v34, $0x4;
	_ =	sdelay $0x1  }
0x30a: {  	v35 =	vadd.f32 v35, v36;
	v36 =	vmul.f32 v37, v5;
	v37 =	vbroadcast v34, $0x5;
	_ =	sdelay $0x1  }
0x30b: {  	v35 =	vadd.f32 v35, v36;
	v36 =	vmul.f32 v37, v6;
	v37 =	vbroadcast v34, $0x6;
	_ =	sdelay $0x1  }
0x30c: {  	v35 =	vadd.f32 v35, v36;
	v36 =	vmul.f32 v37, v7;
	v37 =	vbroadcast v34, $0x7;
	_ =	sdelay $0x1  }
0x30d: {  	v35 =	vadd.f32 v35, v36;
	v36 =	vmul.f32 v37, v8;
	v37 =	vbroadcast v34, $0x8;
	_ =	sdelay $0x1  }
0x30e: {  	v35 =	vadd.f32 v35, v36;
	v36 =	vmul.f32 v37, v9;
	v37 =	vbroadcast v34, $0x9;
	_ =	sdelay $0x1  }
0x30f: {  	v35 =	vadd.f32 v35, v36;
	v36 =	vmul.f32 v37, v10;
	v37 =	vbroadcast v34, $0xA  }
0x310: {  	v38 =	vld [tilespmem:s12+$0x3410]  }
0x311: {  	v39 =	vld [tilespmem:s12+$0x1410];
	v35 =	vadd.f32 v35, v36;
	v36 =	vmul.f32 v37, v11;
	v37 =	vbroadcast v34, $0xB;
	_ =	sdelay $0x1  }
0x312: {  	v35 =	vadd.f32 v35, v36;
	v36 =	vmul.f32 v37, v12;
	v37 =	vbroadcast v34, $0xC;
	_ =	sdelay $0x1  }
0x313: {  	v35 =	vadd.f32 v35, v36;
	v36 =	vmul.f32 v37, v13;
	v37 =	vbroadcast v34, $0xD  }
0x314: {  	v38 =	vadd.f32 v38, v39  }
0x315: {  	v35 =	vadd.f32 v35, v36;
	v36 =	vmul.f32 v37, v14;
	v37 =	vbroadcast v34, $0xE  }
0x316: {  	v39 =	vmul.f32 $9.999999770e-03, v38  }
0x317: {  	v34 =	vbroadcast v34, $0xF;
	v35 =	vadd.f32 v35, v36;
	v36 =	vmul.f32 v37, v15  }
0x318: {  	v37 =	vmax.f32 v38, v39  }
0x319: {  	v34 =	vmul.f32 v34, v16;
	v35 =	vadd.f32 v35, v36;
	v36 =	vbroadcast v37, $0x0;
	_ =	sdelay $0x1  }
0x31a: {  	v34 =	vadd.f32 v35, v34;
	v35 =	vmul.f32 v36, v17;
	v36 =	vbroadcast v37, $0x1;
	_ =	sdelay $0x1  }
0x31b: {  	v34 =	vadd.f32 v34, v35;
	v35 =	vmul.f32 v36, v18;
	v36 =	vbroadcast v37, $0x2;
	_ =	sdelay $0x1  }
0x31c: {  	v34 =	vadd.f32 v34, v35;
	v35 =	vmul.f32 v36, v19;
	v36 =	vbroadcast v37, $0x3;
	_ =	sdelay $0x1  }
0x31d: {  	v34 =	vadd.f32 v34, v35;
	v35 =	vmul.f32 v36, v20;
	v36 =	vbroadcast v37, $0x4;
	_ =	sdelay $0x1  }
0x31e: {  	v34 =	vadd.f32 v34, v35;
	v35 =	vmul.f32 v36, v21;
	v36 =	vbroadcast v37, $0x5;
	_ =	sdelay $0x1  }
0x31f: {  	v34 =	vadd.f32 v34, v35;
	v35 =	vmul.f32 v36, v22;
	v36 =	vbroadcast v37, $0x6;
	_ =	sdelay $0x1  }
0x320: {  	v34 =	vadd.f32 v34, v35;
	v35 =	vmul.f32 v36, v23;
	v36 =	vbroadcast v37, $0x7;
	_ =	sdelay $0x1  }
0x321: {  	v34 =	vadd.f32 v34, v35;
	v35 =	vmul.f32 v36, v24;
	v36 =	vbroadcast v37, $0x8;
	_ =	sdelay $0x1  }
0x322: {  	v34 =	vadd.f32 v34, v35;
	v35 =	vmul.f32 v36, v25;
	v36 =	vbroadcast v37, $0x9;
	_ =	sdelay $0x1  }
0x323: {  	v34 =	vadd.f32 v34, v35;
	v35 =	vmul.f32 v36, v26;
	v36 =	vbroadcast v37, $0xA;
	_ =	sdelay $0x1  }
0x324: {  	v34 =	vadd.f32 v34, v35;
	v35 =	vmul.f32 v36, v27;
	v36 =	vbroadcast v37, $0xB;
	_ =	sdelay $0x1  }
0x325: {  	v34 =	vadd.f32 v34, v35;
	v35 =	vmul.f32 v36, v28;
	v36 =	vbroadcast v37, $0xC;
	_ =	sdelay $0x1  }
0x326: {  	v34 =	vadd.f32 v34, v35;
	v35 =	vmul.f32 v36, v29;
	v36 =	vbroadcast v37, $0xD;
	_ =	sdelay $0x1  }
0x327: {  	v34 =	vadd.f32 v34, v35;
	v35 =	vmul.f32 v36, v30;
	v36 =	vbroadcast v37, $0xE;
	_ =	sdelay $0x1  }
0x328: {  	v34 =	vadd.f32 v34, v35;
	v35 =	vmul.f32 v36, v31;
	v36 =	vbroadcast v37, $0xF;
	_ =	sdelay $0x1  }
0x329: {  	v34 =	vadd.f32 v34, v35;
	v35 =	vmul.f32 v36, v32;
	_ =	sdelay $0x1  }
0x32a: {  	v34 =	vadd.f32 v34, v35;
	_ =	sdelay $0x1  }
0x32b: {  	v35 =	vand.u32 $0x7FFFFFFF, v34  }
0x32c: {  	v35 =	vmul.f32 $-2.000000000e+00, v35;
	_ =	sdelay $0x1  }
0x32d: {  	v35 =	vmul.f32 $1.442695020e+00, v35;
	_ =	sdelay $0x1  }
0x32e: {  	(erf) = vpow2.f32 v35;
	_ =	sdelay $0x8  }
0x32f: {  	v35 =	vpop (erf)  }
0x330: {  	v36 =	vadd.f32 $1.000000000e+00, v35;
	_ =	sdelay $0x1  }
0x331: {  	(erf) = vrcp.f32 v36;
	_ =	sdelay $0x7  }
0x332: {  	v35 =	vsub.f32 $1.000000000e+00, v35  }
0x333: {  	v36 =	vpop (erf)  }
0x334: {  	v35 =	vmul.f32 v36, v35;
	_ =	sdelay $0x1  }
.Ltmp7:
0x335: {  	v36 =	vsub.f32 $0.0e+00, v35;
	(pc) =	sbr.rel @p2 .LBB2_13-.Ltmp7, $4  }
0x336: {  	vm0 =	vlt.f32 v34, $0.0e+00  }
0x337: {  	s28 =	sadd.s32 $0x10, s28;
	v34 =	vsel vm0, v36, v35  }
0x338: {  	s12 =	sshra.s32 s10, $0x2;
	[tilespmem:s28+$0x0] =	vst v34  }
0x339: {  	s10 =	sadd.s32 $0x80, s10;
	v34 =	vld [tilespmem:s12+$0x3400]  }
0x33a: {  	v35 =	vld [tilespmem:s12+$0x1400];
	_ =	sdelay $0x4  }
0x33b: {  	v34 =	vadd.f32 v34, v35;
	_ =	sdelay $0x1  }
0x33c: {  	v35 =	vmul.f32 $9.999999770e-03, v34;
	_ =	sdelay $0x1  }
0x33d: {  	v34 =	vmax.f32 v34, v35  }
0x33e: {  	v35 =	vbroadcast v34, $0x0;
	_ =	sdelay $0x1  }
0x33f: {  	v36 =	vbroadcast v34, $0x1;
	v35 =	vmul.f32 v35, v1;
	_ =	sdelay $0x1  }
0x340: {  	v37 =	vbroadcast v34, $0x2;
	v36 =	vmul.f32 v36, v2;
	v35 =	vadd.f32 v35, v33;
	_ =	sdelay $0x1  }
0x341: {  	v55 =	vbroadcast v34, $0x3;
	v54 =	vmul.f32 v37, v3;
	v35 =	vadd.f32 v35, v36;
	_ =	sdelay $0x1  }
0x342: {  	v57 =	vbroadcast v34, $0x4;
	v56 =	vmul.f32 v55, v4;
	v35 =	vadd.f32 v35, v54;
	_ =	sdelay $0x1  }
0x343: {  	v59 =	vbroadcast v34, $0x5;
	v58 =	vmul.f32 v57, v5;
	v35 =	vadd.f32 v35, v56;
	_ =	sdelay $0x1  }
0x344: {  	v61 =	vbroadcast v34, $0x6;
	v60 =	vmul.f32 v59, v6;
	v35 =	vadd.f32 v35, v58;
	_ =	sdelay $0x1  }
0x345: {  	v63 =	vbroadcast v34, $0x7;
	v62 =	vmul.f32 v61, v7;
	v35 =	vadd.f32 v35, v60;
	_ =	sdelay $0x1  }
0x346: {  	v41 =	vbroadcast v34, $0x8;
	v40 =	vmul.f32 v63, v8;
	v35 =	vadd.f32 v35, v62;
	_ =	sdelay $0x1  }
0x347: {  	v43 =	vbroadcast v34, $0x9;
	v42 =	vmul.f32 v41, v9;
	v35 =	vadd.f32 v35, v40;
	_ =	sdelay $0x1  }
0x348: {  	v45 =	vbroadcast v34, $0xA;
	v44 =	vmul.f32 v43, v10;
	v35 =	vadd.f32 v35, v42  }
0x349: {  	v38 =	vld [tilespmem:s12+$0x3410]  }
0x34a: {  	v39 =	vld [tilespmem:s12+$0x1410];
	v47 =	vbroadcast v34, $0xB;
	v46 =	vmul.f32 v45, v11;
	v35 =	vadd.f32 v35, v44;
	_ =	sdelay $0x1  }
0x34b: {  	v49 =	vbroadcast v34, $0xC;
	v48 =	vmul.f32 v47, v12;
	v35 =	vadd.f32 v35, v46;
	_ =	sdelay $0x1  }
0x34c: {  	v51 =	vbroadcast v34, $0xD;
	v50 =	vmul.f32 v49, v13;
	v35 =	vadd.f32 v35, v48  }
0x34d: {  	v38 =	vadd.f32 v38, v39  }
0x34e: {  	v53 =	vbroadcast v34, $0xE;
	v52 =	vmul.f32 v51, v14;
	v35 =	vadd.f32 v35, v50  }
0x34f: {  	v39 =	vmul.f32 $9.999999770e-03, v38  }
0x350: {  	v34 =	vbroadcast v34, $0xF;
	v54 =	vmul.f32 v53, v15;
	v35 =	vadd.f32 v35, v52  }
0x351: {  	v37 =	vmax.f32 v38, v39  }
0x352: {  	v34 =	vmul.f32 v34, v16;
	v55 =	vbroadcast v37, $0x0;
	v35 =	vadd.f32 v35, v54;
	_ =	sdelay $0x1  }
0x353: {  	v57 =	vbroadcast v37, $0x1;
	v56 =	vmul.f32 v55, v17;
	v34 =	vadd.f32 v35, v34;
	_ =	sdelay $0x1  }
0x354: {  	v59 =	vbroadcast v37, $0x2;
	v58 =	vmul.f32 v57, v18;
	v34 =	vadd.f32 v34, v56;
	_ =	sdelay $0x1  }
0x355: {  	v61 =	vbroadcast v37, $0x3;
	v60 =	vmul.f32 v59, v19;
	v34 =	vadd.f32 v34, v58;
	_ =	sdelay $0x1  }
0x356: {  	v63 =	vbroadcast v37, $0x4;
	v62 =	vmul.f32 v61, v20;
	v34 =	vadd.f32 v34, v60;
	_ =	sdelay $0x1  }
0x357: {  	v41 =	vbroadcast v37, $0x5;
	v40 =	vmul.f32 v63, v21;
	v34 =	vadd.f32 v34, v62;
	_ =	sdelay $0x1  }
0x358: {  	v43 =	vbroadcast v37, $0x6;
	v42 =	vmul.f32 v41, v22;
	v34 =	vadd.f32 v34, v40;
	_ =	sdelay $0x1  }
0x359: {  	v45 =	vbroadcast v37, $0x7;
	v44 =	vmul.f32 v43, v23;
	v34 =	vadd.f32 v34, v42;
	_ =	sdelay $0x1  }
0x35a: {  	v47 =	vbroadcast v37, $0x8;
	v46 =	vmul.f32 v45, v24;
	v34 =	vadd.f32 v34, v44;
	_ =	sdelay $0x1  }
0x35b: {  	v49 =	vbroadcast v37, $0x9;
	v48 =	vmul.f32 v47, v25;
	v34 =	vadd.f32 v34, v46;
	_ =	sdelay $0x1  }
0x35c: {  	v51 =	vbroadcast v37, $0xA;
	v50 =	vmul.f32 v49, v26;
	v34 =	vadd.f32 v34, v48;
	_ =	sdelay $0x1  }
0x35d: {  	v53 =	vbroadcast v37, $0xB;
	v52 =	vmul.f32 v51, v27;
	v34 =	vadd.f32 v34, v50;
	_ =	sdelay $0x1  }
0x35e: {  	v55 =	vbroadcast v37, $0xC;
	v54 =	vmul.f32 v53, v28;
	v34 =	vadd.f32 v34, v52;
	_ =	sdelay $0x1  }
0x35f: {  	v57 =	vbroadcast v37, $0xD;
	v56 =	vmul.f32 v55, v29;
	v34 =	vadd.f32 v34, v54;
	_ =	sdelay $0x1  }
0x360: {  	v59 =	vbroadcast v37, $0xE;
	v58 =	vmul.f32 v57, v30;
	v34 =	vadd.f32 v34, v56;
	_ =	sdelay $0x1  }
0x361: {  	v61 =	vbroadcast v37, $0xF;
	v60 =	vmul.f32 v59, v31;
	v34 =	vadd.f32 v34, v58;
	_ =	sdelay $0x1  }
0x362: {  	v62 =	vmul.f32 v61, v32;
	v34 =	vadd.f32 v34, v60;
	_ =	sdelay $0x1  }
0x363: {  	v34 =	vadd.f32 v34, v62;
	_ =	sdelay $0x1  }
0x364: {  	v35 =	vand.u32 $0x7FFFFFFF, v34  }
0x365: {  	v35 =	vmul.f32 $-2.000000000e+00, v35;
	_ =	sdelay $0x1  }
0x366: {  	v35 =	vmul.f32 $1.442695020e+00, v35;
	_ =	sdelay $0x1  }
0x367: {  	(erf) = vpow2.f32 v35;
	_ =	sdelay $0x8  }
0x368: {  	v35 =	vpop (erf)  }
0x369: {  	v63 =	vadd.f32 $1.000000000e+00, v35;
	_ =	sdelay $0x1  }
0x36a: {  	(erf) = vrcp.f32 v63;
	_ =	sdelay $0x7  }
0x36b: {  	v35 =	vsub.f32 $1.000000000e+00, v35  }
0x36c: {  	v36 =	vpop (erf)  }
0x36d: {  	v35 =	vmul.f32 v36, v35;
	_ =	sdelay $0x1  }
.Ltmp8:
0x36e: {  	v36 =	vsub.f32 $0.0e+00, v35;
	(pc) =	sbr.rel @p1 .LBB2_16-.Ltmp8, $4  }
0x36f: {  	vm0 =	vlt.f32 v34, $0.0e+00  }
0x370: {  	s10 =	sadd.s32 $0x10, s28;
	v34 =	vsel vm0, v36, v35  }
0x371: {  	[tilespmem:s10+$0x0] =	vst v34  }
0x372: {  	[spmem:s3] =	stream.indirect.scatter.add.f32 [tilespmem:s17], [sflag:$0x6], $0x10, s24, s23, $0xb8;
	[tilespmem:$0x1DE10] =	vst v63  }
0x373: {  	_ =	swait.ge [sflag:s18], $0x100  }
.Ltmp9:
0x374: {  	[sflag:s18] =	ssyncset.done $0x0;
	(pc) =	sbr.rel .LBB2_6-.Ltmp9, $4  }
0x375: {  	s10 =	simm.s32 $0x100;
	[sflag:s18] =	ssyncadd.s32 $0xFFFFFF00  }
0x376: {  	[tilespmem:s30], [sflag:$0x2] =	stream.indirect.gather [hbm4b:s6+s23], $0x20, s10, s23, $0xb8;
	[tilespmem:$0x1DE10] =	vst v63  }
0x377: {  	s26 =	sadd.s32 $0x1, s26  }
0x378: {  	[tilespmem:s0], [sflag:$0x4] =	stream.indirect.gather [hbm4b:s7+s23], $0x20, s31, s23, $0xb8;
	[tilespmem:$0x1DE10] =	vst v63  }
.LBB2_17:
0x379: {  	_ =	sfence.sel $0x180000  }
0x37a: {  	[bflag:$0x0] =	sbarrier.arrive $0xFFFF  }
0x37b: {  	_ =	strace $0x90000047  }
0x37c: {  	s0 =	stileid.u32;
	[bflag:$0x2] =	sbarrier.arrive $0xFFFF  }
0x37d: {  	p0 =	sne.s32 s0, $0x0;
	s0 =	rddreg [dreg:$0x4]  }
0x37e: {  	s0 =	sadd.s32 @!p0 $0x100000, s0  }
0x37f: {  	[sflag:s0] =	ssyncadd.tile.s32 @!p0 $0x1;
	_ =	shalt  }
.Lfunc_end2:
_tile_overlayer_lowered:
.L_overlay_start_2:
0x380: {  	(tag) =	ssettag $0x2  }
0x381: {  	s0 =	rddreg [dreg:$0x0];
	s2 =	stileid.u32  }
0x382: {  	s1 =	rddreg [dreg:$0x1];
	p0 =	sne.s32 s2, $0x0  }
0x383: {  	s3 =	rddreg [dreg:$0x2];
	[bflag:$0x3] =	sbarrier.arrive $0xFFFF;
	s2 =	simm.s32 @!p0 $0x1C09  }
0x384: {  	[timem:s3], [sflag:s2] =	dma.local @!p0 [hbm:s0], s1  }
0x385: {  	s0 =	simm.s32 @!p0 $0x9  }
0x386: {  	_ =	swait.ge @!p0 [sflag:s0], s1  }
0x387: {  	s1 =	ssub.s32 @!p0 $0x0, s1;
	[sflag:s0] =	ssyncset.done @!p0 $0x0  }
0x388: {  	[sflag:s0] =	ssyncadd.s32 @!p0 s1  }
0x389: {  	[bflag:$0x3] =	sbarrier.arrive $0xFFFF  }
0x38a: {  	_ =	shalt  }

</sc_bundles>
